<compile_context>
chip_gen: v7x
topology: tpu7x:2x2x1
jax: 0.10.2.dev20260603
libtpu: 0.0.44.dev20260713+nightly
codegen_flags: <defaults>
</compile_context>

<pallas_src>
import functools

import jax
import jax.numpy as jnp
from jax import lax
from jax.experimental import pallas as pl
from jax.experimental.pallas import tpu as pltpu
from jax.experimental.pallas import tpu_sc as plsc

N = 10000
E = 320000
D = 128
H = 64

_BLK = 1000
_GRID = N // _BLK

_CW = 125
_CNW = E // 16 // _CW
_RB = 640
_NBUF = 5
_RZB = 80

_NW = 80
_NNW = 128
_E2 = 32 * _NNW * _NW

_MESH = plsc.VectorSubcoreMesh(core_axis_name="c", subcore_axis_name="s")
_SC_PARAMS = pltpu.CompilerParams(use_tc_tiling_on_sc=False)
_SC_PARAMS_NOLAYOUT = pltpu.CompilerParams(
    use_tc_tiling_on_sc=False, needs_layout_passes=False)


def _ln(h, g, b):
    mu = jnp.mean(h, axis=-1, keepdims=True)
    var = jnp.mean((h - mu) ** 2, axis=-1, keepdims=True)
    return (h - mu) / jnp.sqrt(var + 1e-5) * g + b


def _tab(h, t):
    m = jnp.maximum(h, 0.0) + 1e-7
    a = jnp.exp(t * m)
    return a, m * a


def _tc_pre_body(x_ref, we_ref, be_ref, t_ref, h0_ref, tab_ref):
    h0 = jnp.dot(x_ref[...], we_ref[...], preferred_element_type=jnp.float32)
    h0 = h0 + be_ref[0:1, :]
    h0_ref[...] = h0
    a, b = _tab(h0, t_ref[0, 0])
    tab_ref[0] = a
    tab_ref[1] = b


def _tc_pre(x, we, be, t):
    return pl.pallas_call(
        _tc_pre_body,
        grid=(_GRID,),
        in_specs=[
            pl.BlockSpec((_BLK, D), lambda i: (i, 0)),
            pl.BlockSpec((D, H), lambda i: (0, 0)),
            pl.BlockSpec((8, H), lambda i: (0, 0)),
            pl.BlockSpec((8, 128), lambda i: (0, 0)),
        ],
        out_specs=[
            pl.BlockSpec((_BLK, H), lambda i: (i, 0)),
            pl.BlockSpec((2, _BLK, H), lambda i: (0, i, 0)),
        ],
        out_shape=[
            jax.ShapeDtypeStruct((N, H), jnp.float32),
            jax.ShapeDtypeStruct((2, N, H), jnp.float32),
        ],
    )(x, we, be, t)


def _tc_mid_body(h0_ref, dn_ref, w1_ref, b1_ref, g1_ref, be1_ref, w2_ref,
                 b2_ref, lng_ref, lnb_ref, t_ref, x1_ref, hr_ref, tab_ref):
    den = dn_ref[0]
    num = dn_ref[1]
    out0 = num / (den + 1e-16) + h0_ref[...]
    hh = jnp.dot(out0, w1_ref[...], preferred_element_type=jnp.float32)
    hh = hh + b1_ref[0:1, :]
    hh = jnp.maximum(_ln(hh, g1_ref[0:1, :], be1_ref[0:1, :]), 0.0)
    x1 = jnp.dot(hh, w2_ref[...], preferred_element_type=jnp.float32)
    x1 = x1 + b2_ref[0:1, :]
    x1_ref[...] = x1
    hr = jnp.maximum(_ln(x1, lng_ref[0:1, :], lnb_ref[0:1, :]), 0.0)
    hr_ref[...] = hr
    a, b = _tab(hr, t_ref[0, 0])
    tab_ref[0] = a
    tab_ref[1] = b


def _tc_mid(h0, dn, w1, b1, g1, be1, w2, b2, lng, lnb, t):
    return pl.pallas_call(
        _tc_mid_body,
        grid=(_GRID,),
        in_specs=[
            pl.BlockSpec((_BLK, H), lambda i: (i, 0)),
            pl.BlockSpec((2, _BLK, H), lambda i: (0, i, 0)),
            pl.BlockSpec((H, 2 * H), lambda i: (0, 0)),
            pl.BlockSpec((8, 2 * H), lambda i: (0, 0)),
            pl.BlockSpec((8, 2 * H), lambda i: (0, 0)),
            pl.BlockSpec((8, 2 * H), lambda i: (0, 0)),
            pl.BlockSpec((2 * H, H), lambda i: (0, 0)),
            pl.BlockSpec((8, H), lambda i: (0, 0)),
            pl.BlockSpec((8, H), lambda i: (0, 0)),
            pl.BlockSpec((8, H), lambda i: (0, 0)),
            pl.BlockSpec((8, 128), lambda i: (0, 0)),
        ],
        out_specs=[
            pl.BlockSpec((_BLK, H), lambda i: (i, 0)),
            pl.BlockSpec((_BLK, H), lambda i: (i, 0)),
            pl.BlockSpec((2, _BLK, H), lambda i: (0, i, 0)),
        ],
        out_shape=[
            jax.ShapeDtypeStruct((N, H), jnp.float32),
            jax.ShapeDtypeStruct((N, H), jnp.float32),
            jax.ShapeDtypeStruct((2, N, H), jnp.float32),
        ],
    )(h0, dn, w1, b1, g1, be1, w2, b2, lng, lnb, t)


def _tc_post_body(x1_ref, hr_ref, dn_ref, w1_ref, b1_ref, g1_ref, be1_ref,
                  w2_ref, b2_ref, lng_ref, lnb_ref, wl_ref, bl_ref,
                  logit_ref):
    den = dn_ref[0]
    num = dn_ref[1]
    out1 = num / (den + 1e-16) + hr_ref[...]
    hh = jnp.dot(out1, w1_ref[...], preferred_element_type=jnp.float32)
    hh = hh + b1_ref[0:1, :]
    hh = jnp.maximum(_ln(hh, g1_ref[0:1, :], be1_ref[0:1, :]), 0.0)
    h2 = jnp.dot(hh, w2_ref[...], preferred_element_type=jnp.float32)
    h2 = h2 + b2_ref[0:1, :]
    x2 = x1_ref[...] + h2
    hf = jnp.maximum(_ln(x2, lng_ref[0:1, :], lnb_ref[0:1, :]), 0.0)
    logit_ref[...] = (
        jnp.dot(hf, wl_ref[...], preferred_element_type=jnp.float32)
        + bl_ref[0, 0]
    )


def _tc_post(x1, hr, dn, w1, b1, g1, be1, w2, b2, lng, lnb, wl, bl):
    return pl.pallas_call(
        _tc_post_body,
        grid=(_GRID,),
        in_specs=[
            pl.BlockSpec((_BLK, H), lambda i: (i, 0)),
            pl.BlockSpec((_BLK, H), lambda i: (i, 0)),
            pl.BlockSpec((2, _BLK, H), lambda i: (0, i, 0)),
            pl.BlockSpec((H, 2 * H), lambda i: (0, 0)),
            pl.BlockSpec((8, 2 * H), lambda i: (0, 0)),
            pl.BlockSpec((8, 2 * H), lambda i: (0, 0)),
            pl.BlockSpec((8, 2 * H), lambda i: (0, 0)),
            pl.BlockSpec((2 * H, H), lambda i: (0, 0)),
            pl.BlockSpec((8, H), lambda i: (0, 0)),
            pl.BlockSpec((8, H), lambda i: (0, 0)),
            pl.BlockSpec((8, H), lambda i: (0, 0)),
            pl.BlockSpec((H, 1), lambda i: (0, 0)),
            pl.BlockSpec((8, 128), lambda i: (0, 0)),
        ],
        out_specs=pl.BlockSpec((_BLK, 1), lambda i: (i, 0)),
        out_shape=jax.ShapeDtypeStruct((N, 1), jnp.float32),
    )(x1, hr, dn, w1, b1, g1, be1, w2, b2, lng, lnb, wl, bl)


def _sc_conv(tab, tsrc2, dst2):

    @functools.partial(
        pl.kernel,
        out_type=jax.ShapeDtypeStruct((2 * N, H), jnp.float32),
        mesh=_MESH,
        scratch_types=[
            pltpu.VMEM((_CNW, _CW), jnp.int32),
            pltpu.VMEM((_CNW, _CW), jnp.int32),
        ]
        + [pltpu.VMEM((_CW, H), jnp.float32)] * _NBUF
        + [
            pltpu.VMEM((_RZB, H), jnp.float32),
            pltpu.VMEM_SHARED((N, H), jnp.float32),
        ]
        + [pltpu.SemaphoreType.DMA] * (2 * _NBUF),
        compiler_params=_SC_PARAMS,
    )
    def k(tab_h, src_h, dst_h, out_h, src_v, dst_v, *rest):
        bufs = rest[:_NBUF]
        zb_v = rest[_NBUF]
        acc_sh = rest[_NBUF + 1]
        sgs = rest[_NBUF + 2:2 * _NBUF + 2]
        sss = rest[2 * _NBUF + 2:]
        c = lax.axis_index("c")
        s = lax.axis_index("s")
        zero = jnp.zeros((16,), jnp.float32)

        @pl.loop(0, _RZB)
        def _(i):
            zb_v[i, pl.ds(0, 16)] = zero
            zb_v[i, pl.ds(16, 16)] = zero
            zb_v[i, pl.ds(32, 16)] = zero
            zb_v[i, pl.ds(48, 16)] = zero

        rb = s * _RB
        ncp = jnp.where(s == 15, 5, 8)

        def zcp(i, carry):
            pltpu.sync_copy(zb_v, acc_sh.at[pl.ds(rb + i * _RZB, _RZB)])
            return carry

        lax.fori_loop(0, ncp, zcp, 0)

        pltpu.sync_copy(src_h.at[pl.ds((c * 16 + s) * _CNW, _CNW)], src_v)
        pltpu.sync_copy(dst_h.at[pl.ds(s * _CNW, _CNW)], dst_v)

        plsc.subcore_barrier()

        for b in range(_NBUF):
            pltpu.async_copy(tab_h.at[src_v.at[b]], bufs[b], sgs[b])

        @pl.loop(0, _CNW - _NBUF, step=_NBUF)
        def _(j):
            for b in range(_NBUF):
                pltpu.make_async_copy(
                    tab_h.at[src_v.at[j + b]], bufs[b], sgs[b]).wait()
                pltpu.async_copy(
                    bufs[b], acc_sh.at[dst_v.at[j + b]], sss[b], add=True)
            for b in range(_NBUF):
                pltpu.make_async_copy(
                    bufs[b], acc_sh.at[dst_v.at[j + b]], sss[b]).wait()
                pltpu.async_copy(
                    tab_h.at[src_v.at[j + _NBUF + b]], bufs[b], sgs[b])

        j0 = _CNW - _NBUF
        for b in range(_NBUF):
            pltpu.make_async_copy(
                tab_h.at[src_v.at[j0 + b]], bufs[b], sgs[b]).wait()
            pltpu.async_copy(
                bufs[b], acc_sh.at[dst_v.at[j0 + b]], sss[b], add=True)
        for b in range(_NBUF):
            pltpu.make_async_copy(
                bufs[b], acc_sh.at[dst_v.at[j0 + b]], sss[b]).wait()

        plsc.subcore_barrier()

        def wcp(i, carry):
            pltpu.sync_copy(
                acc_sh.at[pl.ds(rb + i * _RZB, _RZB)],
                out_h.at[pl.ds(c * N + rb + i * _RZB, _RZB)],
            )
            return carry

        lax.fori_loop(0, ncp, wcp, 0)

    return k(tab, tsrc2, dst2)


def _sc_nmax(lg, src3, dst3):

    @functools.partial(
        pl.kernel,
        out_type=jax.ShapeDtypeStruct((2 * N, 16), jnp.float32),
        mesh=_MESH,
        scratch_types=[
            pltpu.VMEM((_NNW, _NW), jnp.int32),
            pltpu.VMEM((_NNW, _NW), jnp.int32),
            pltpu.VMEM((N,), jnp.float32),
            pltpu.VMEM((_NW, 16), jnp.float32),
            pltpu.VMEM((_NW, 16), jnp.float32),
            pltpu.VMEM((_RZB, 16), jnp.float32),
            pltpu.VMEM_SHARED((N, 16), jnp.float32),
            pltpu.SemaphoreType.DMA,
            pltpu.SemaphoreType.DMA,
        ],
        compiler_params=_SC_PARAMS_NOLAYOUT,
    )
    def k(lg_h, src_h, dst_h, out_h, src_v, dst_v, lg_v, colA, colB, zb_v,
          cnt_sh, sca, scb):
        c = lax.axis_index("c")
        s = lax.axis_index("s")
        zero = jnp.zeros((16,), jnp.float32)
        lanes = lax.iota(jnp.int32, 16)
        zlane = jnp.zeros((16,), jnp.int32)

        @pl.loop(0, _RZB)
        def _(i):
            zb_v[i, pl.ds(0, 16)] = zero

        @pl.loop(0, _NW)
        def _(i):
            colA[i, pl.ds(0, 16)] = zero
            colB[i, pl.ds(0, 16)] = zero

        rb = s * _RB
        ncp = jnp.where(s == 15, 5, 8)

        def zcp(i, carry):
            pltpu.sync_copy(zb_v, cnt_sh.at[pl.ds(rb + i * _RZB, _RZB)])
            return carry

        lax.fori_loop(0, ncp, zcp, 0)

        pltpu.sync_copy(lg_h, lg_v)
        pltpu.sync_copy(src_h.at[pl.ds((c * 16 + s) * _NNW, _NNW)], src_v)
        pltpu.sync_copy(dst_h.at[pl.ds((c * 16 + s) * _NNW, _NNW)], dst_v)

        plsc.subcore_barrier()

        def win(jj, cb):
            @pl.loop(0, _NW // 16)
            def _(g):
                sv = src_v[jj, pl.ds(g * 16, 16)]
                dv = dst_v[jj, pl.ds(g * 16, 16)]
                ls = plsc.load_gather(lg_v, [sv])
                ld = plsc.load_gather(lg_v, [dv])
                ind = jnp.where(ls > ld, 1.0, 0.0).astype(jnp.float32)
                plsc.store_scatter(cb, [g * 16 + lanes, zlane], ind)

        win(0, colA)
        pltpu.async_copy(colA, cnt_sh.at[dst_v.at[0]], sca, add=True)
        win(1, colB)
        pltpu.async_copy(colB, cnt_sh.at[dst_v.at[1]], scb, add=True)

        @pl.loop(2, _NNW, step=2)
        def _(j):
            pltpu.make_async_copy(
                colA, cnt_sh.at[dst_v.at[j - 2]], sca).wait()
            win(j, colA)
            pltpu.async_copy(colA, cnt_sh.at[dst_v.at[j]], sca, add=True)
            pltpu.make_async_copy(
                colB, cnt_sh.at[dst_v.at[j - 1]], scb).wait()
            win(j + 1, colB)
            pltpu.async_copy(colB, cnt_sh.at[dst_v.at[j + 1]], scb, add=True)

        pltpu.make_async_copy(
            colA, cnt_sh.at[dst_v.at[_NNW - 2]], sca).wait()
        pltpu.make_async_copy(
            colB, cnt_sh.at[dst_v.at[_NNW - 1]], scb).wait()

        plsc.subcore_barrier()

        def wcp(i, carry):
            pltpu.sync_copy(
                cnt_sh.at[pl.ds(rb + i * _RZB, _RZB)],
                out_h.at[pl.ds(c * N + rb + i * _RZB, _RZB)],
            )
            return carry

        lax.fori_loop(0, ncp, wcp, 0)

    return k(lg, src3, dst3)


def _tc_final_body(logit_ref, cnt_ref, out_ref):
    tot = cnt_ref[0, :, 0:1] + cnt_ref[1, :, 0:1]
    out_ref[...] = jnp.where(tot > 0.0, 0.0, 1.0)


def _tc_final(logits, cnt):
    return pl.pallas_call(
        _tc_final_body,
        grid=(_GRID,),
        in_specs=[
            pl.BlockSpec((_BLK, 1), lambda i: (i, 0)),
            pl.BlockSpec((2, _BLK, 16), lambda i: (0, i, 0)),
        ],
        out_specs=pl.BlockSpec((_BLK, 1), lambda i: (i, 0)),
        out_shape=jax.ShapeDtypeStruct((N, 1), jnp.float32),
    )(logits, cnt)


def kernel(x, edge_index, We, be, t0, W1_0, b1_0, g1_0, beta1_0, W2_0, b2_0,
           t1, W1_1, b1_1, g1_1, beta1_1, W2_1, b2_1, ln1_g, ln1_b, ln0_g,
           ln0_b, Wl, bl):
    f32 = jnp.float32

    def r2(v, d):
        return jnp.broadcast_to(v.reshape(1, d).astype(f32), (8, d))

    src = edge_index[0]
    dst = edge_index[1]
    tsrc2 = jnp.concatenate([src, src + N]).reshape(2 * E // _CW, _CW)
    dst2 = dst.reshape(E // _CW, _CW)
    pad = jnp.zeros((_E2 - E,), jnp.int32)
    src3 = jnp.concatenate([src, pad]).reshape(_E2 // _NW, _NW)
    dst3 = jnp.concatenate([dst, pad]).reshape(_E2 // _NW, _NW)

    t0b = jnp.broadcast_to(t0.reshape(1, 1).astype(f32), (8, 128))
    t1b = jnp.broadcast_to(t1.reshape(1, 1).astype(f32), (8, 128))

    h0, tab0 = _tc_pre(x, We, r2(be, H), t0b)
    dn0 = _sc_conv(tab0.reshape(2 * N, H), tsrc2, dst2).reshape(2, N, H)
    x1, hr, tab1 = _tc_mid(h0, dn0, W1_0, r2(b1_0, 2 * H), r2(g1_0, 2 * H),
                           r2(beta1_0, 2 * H), W2_0, r2(b2_0, H),
                           r2(ln1_g, H), r2(ln1_b, H), t1b)
    dn1 = _sc_conv(tab1.reshape(2 * N, H), tsrc2, dst2).reshape(2, N, H)
    logits = _tc_post(x1, hr, dn1, W1_1, r2(b1_1, 2 * H), r2(g1_1, 2 * H),
                      r2(beta1_1, 2 * H), W2_1, r2(b2_1, H), r2(ln0_g, H),
                      r2(ln0_b, H), Wl,
                      jnp.broadcast_to(bl.reshape(1, 1).astype(f32),
                                       (8, 128)))
    cnt = _sc_nmax(logits.reshape(N), src3, dst3).reshape(2, N, 16)
    out = _tc_final(logits, cnt)
    return (out, logits)

# --- scband reference (transcript-rebuilt; emitter-appended) ---
"""Pipeline reference for scband-policy-module2-86053964742746 (READ-ONLY COPY).

The authoritative reference and input builder live on the scoring server;
editing this copy changes nothing except your own understanding.
"""

import jax, jax.numpy as jnp
import numpy as np

N = 10000
E = 320000
D = 128
H = 64

def layer_norm(x, g, b, eps=1e-5):
    mu = jnp.mean(x, axis=-1, keepdims=True)
    var = jnp.mean((x - mu) ** 2, axis=-1, keepdims=True)
    return (x - mu) / jnp.sqrt(var + eps) * g + b

def gen_conv(x, src, dst, t, W1, b1, g1, beta1, W2, b2):
    # GENConv(aggr='softmax', t learnable, num_layers=2, norm='layer'), eps=1e-7
    msg = jax.nn.relu(x[src]) + 1e-7
    scaled = msg * t
    smax = jax.ops.segment_max(scaled, dst, num_segments=x.shape[0])
    smax = jnp.where(jnp.isfinite(smax), smax, 0.0)
    w = jnp.exp(scaled - smax[dst])
    denom = jax.ops.segment_sum(w, dst, num_segments=x.shape[0])
    alpha = w / (denom[dst] + 1e-16)
    agg = jax.ops.segment_sum(msg * alpha, dst, num_segments=x.shape[0])
    out = agg + x
    h = out @ W1 + b1
    h = jax.nn.relu(layer_norm(h, g1, beta1))
    return h @ W2 + b2

def setup_inputs(seed: int = 0):
    key = jax.random.key(seed)
    ks = jax.random.split(key, 24)
    inp = {}
    inp["x"] = jax.random.normal(ks[0], (N, D), jnp.float32)
    inp["edge_index"] = jax.random.randint(ks[1], (2, E), 0, N, dtype=jnp.int32)
    inp["We"] = jax.random.normal(ks[2], (D, H), jnp.float32) / np.sqrt(D)
    inp["be"] = jnp.zeros((H,), jnp.float32)
    for i in range(2):
        inp["t%d" % i] = jnp.array(1.0, jnp.float32)
        inp["W1_%d" % i] = jax.random.normal(ks[3 + 4 * i], (H, 2 * H), jnp.float32) / np.sqrt(H)
        inp["b1_%d" % i] = jnp.zeros((2 * H,), jnp.float32)
        inp["g1_%d" % i] = jnp.ones((2 * H,), jnp.float32)
        inp["beta1_%d" % i] = jnp.zeros((2 * H,), jnp.float32)
        inp["W2_%d" % i] = jax.random.normal(ks[4 + 4 * i], (2 * H, H), jnp.float32) / np.sqrt(2 * H)
        inp["b2_%d" % i] = jnp.zeros((H,), jnp.float32)
    inp["ln1_g"] = jnp.ones((H,), jnp.float32)
    inp["ln1_b"] = jnp.zeros((H,), jnp.float32)
    inp["ln0_g"] = jnp.ones((H,), jnp.float32)
    inp["ln0_b"] = jnp.zeros((H,), jnp.float32)
    inp["Wl"] = jax.random.normal(ks[12], (H, 1), jnp.float32) / np.sqrt(H)
    inp["bl"] = jnp.zeros((1,), jnp.float32)
    return inp

def reference(x, edge_index, We, be, t0, W1_0, b1_0, g1_0, beta1_0, W2_0, b2_0, t1, W1_1, b1_1, g1_1, beta1_1, W2_1, b2_1, ln1_g, ln1_b, ln0_g, ln0_b, Wl, bl):
    src = edge_index[0]
    dst = edge_index[1]
    h0 = x @ We + be
    x1 = gen_conv(h0, src, dst, t0, W1_0, b1_0, g1_0, beta1_0, W2_0, b2_0)
    # DeepGCNLayer res+ (layer 1): norm -> act -> (dropout eval noop) -> conv, residual
    h = jax.nn.relu(layer_norm(x1, ln1_g, ln1_b))
    h = gen_conv(h, src, dst, t1, W1_1, b1_1, g1_1, beta1_1, W2_1, b2_1)
    x2 = x1 + h
    # final norm/act from layers[0], dropout noop in eval, lin
    h = jax.nn.relu(layer_norm(x2, ln0_g, ln0_b))
    logits = h @ Wl + bl
    # NeighborArgmax (eval path): indicator that node logit >= max over incoming neighbor logits
    nmax = jax.ops.segment_max(logits[src], dst, num_segments=logits.shape[0])
    out = jnp.where(logits >= nmax, 1.0, 0.0).astype(jnp.float32)
    return (out, logits)

if __name__ == "__main__":
    import jax
    _d = setup_inputs()
    print(jax.jit(kernel)(*tuple(_d.values())))

</pallas_src>

<mosaic_0001>
#map = affine_map<(d0, d1) -> (0, 0)>
module attributes {stable_mosaic.version = 14 : i64} {
  func.func @k(%arg0: i32, %arg1: i32, %arg2: memref<20000x64xf32, #tpu.memory_space<hbm>>, %arg3: memref<5120x125xi32, #tpu.memory_space<hbm>>, %arg4: memref<2560x125xi32, #tpu.memory_space<hbm>>, %arg5: memref<20000x64xf32, #tpu.memory_space<hbm>>, %arg6: memref<160x125xi32, #tpu.memory_space<vmem>>, %arg7: memref<160x125xi32, #tpu.memory_space<vmem>>, %arg8: memref<125x64xf32, #tpu.memory_space<vmem>>, %arg9: memref<125x64xf32, #tpu.memory_space<vmem>>, %arg10: memref<125x64xf32, #tpu.memory_space<vmem>>, %arg11: memref<125x64xf32, #tpu.memory_space<vmem>>, %arg12: memref<125x64xf32, #tpu.memory_space<vmem>>, %arg13: memref<80x64xf32, #tpu.memory_space<vmem>>, %arg14: memref<10000x64xf32, #tpu.memory_space<vmem_shared>>, %arg15: memref<!tpu.dma_semaphore, #tpu.memory_space<semaphore_mem>>, %arg16: memref<!tpu.dma_semaphore, #tpu.memory_space<semaphore_mem>>, %arg17: memref<!tpu.dma_semaphore, #tpu.memory_space<semaphore_mem>>, %arg18: memref<!tpu.dma_semaphore, #tpu.memory_space<semaphore_mem>>, %arg19: memref<!tpu.dma_semaphore, #tpu.memory_space<semaphore_mem>>, %arg20: memref<!tpu.dma_semaphore, #tpu.memory_space<semaphore_mem>>, %arg21: memref<!tpu.dma_semaphore, #tpu.memory_space<semaphore_mem>>, %arg22: memref<!tpu.dma_semaphore, #tpu.memory_space<semaphore_mem>>, %arg23: memref<!tpu.dma_semaphore, #tpu.memory_space<semaphore_mem>>, %arg24: memref<!tpu.dma_semaphore, #tpu.memory_space<semaphore_mem>>) attributes {dimension_semantics = [#tpu.dimension_semantics<core_parallel>, #tpu.dimension_semantics<subcore_parallel>], iteration_bounds = array<i64: 2, 16>, scalar_prefetch = 0 : i64, scratch_operands = 19 : i64, tpu.core_type = #tpu.core_type<sc_vector_subcore>, window_params = [{transform_indices = #map}, {transform_indices = #map}, {transform_indices = #map}, {transform_indices = #map}]} {
    %broadcast_in_dim3A = arith.constant 0.000000e+00 : f32
    %broadcast_in_dim3A_0 = vector.broadcast %broadcast_in_dim3A : f32 to vector<16xf32>
    %scan3A = arith.constant 0 : i32
    %scan3A_1 = arith.constant 80 : i32
    %scan3A_2 = arith.addi %scan3A, %scan3A_1 : i32
    %scan3A_3 = arith.constant 1 : i32
    scf.for %scan3A_177 = %scan3A to %scan3A_2 step %scan3A_3  : i32 {
      %mul3A_178 = arith.constant 1 : i32
      %mul3A_179 = arith.muli %scan3A_177, %mul3A_178 : i32
      %add3A_180 = arith.constant 0 : i32
      %add3A_181 = arith.addi %add3A_180, %mul3A_179 : i32
      %swap3A = arith.index_cast %add3A_181 : i32 to index
      %swap3A_182 = arith.constant 0 : index
      %swap3A_183 = tpu.vector_load %arg13[%swap3A, %swap3A_182] {strides = array<i32>} : memref<80x64xf32, #tpu.memory_space<vmem>>, vector<1x16xf32>,
      %swap3A_184 = vector.shape_cast %swap3A_183 : vector<1x16xf32> to vector<16xf32>
      %swap3A_185 = vector.shape_cast %broadcast_in_dim3A_0 : vector<16xf32> to vector<1x16xf32>
      tpu.vector_store %arg13[%swap3A, %swap3A_182], %swap3A_185 {strides = array<i32>} : memref<80x64xf32, #tpu.memory_space<vmem>>, vector<1x16xf32>,
      %swap3A_186 = arith.index_cast %add3A_181 : i32 to index
      %swap3A_187 = arith.constant 16 : index
      %swap3A_188 = tpu.vector_load %arg13[%swap3A_186, %swap3A_187] {strides = array<i32>} : memref<80x64xf32, #tpu.memory_space<vmem>>, vector<1x16xf32>,
      %swap3A_189 = vector.shape_cast %swap3A_188 : vector<1x16xf32> to vector<16xf32>
      %swap3A_190 = vector.shape_cast %broadcast_in_dim3A_0 : vector<16xf32> to vector<1x16xf32>
      tpu.vector_store %arg13[%swap3A_186, %swap3A_187], %swap3A_190 {strides = array<i32>} : memref<80x64xf32, #tpu.memory_space<vmem>>, vector<1x16xf32>,
      %swap3A_191 = arith.index_cast %add3A_181 : i32 to index
      %swap3A_192 = arith.constant 32 : index
      %swap3A_193 = tpu.vector_load %arg13[%swap3A_191, %swap3A_192] {strides = array<i32>} : memref<80x64xf32, #tpu.memory_space<vmem>>, vector<1x16xf32>,
      %swap3A_194 = vector.shape_cast %swap3A_193 : vector<1x16xf32> to vector<16xf32>
      %swap3A_195 = vector.shape_cast %broadcast_in_dim3A_0 : vector<16xf32> to vector<1x16xf32>
      tpu.vector_store %arg13[%swap3A_191, %swap3A_192], %swap3A_195 {strides = array<i32>} : memref<80x64xf32, #tpu.memory_space<vmem>>, vector<1x16xf32>,
      %swap3A_196 = arith.index_cast %add3A_181 : i32 to index
      %swap3A_197 = arith.constant 48 : index
      %swap3A_198 = tpu.vector_load %arg13[%swap3A_196, %swap3A_197] {strides = array<i32>} : memref<80x64xf32, #tpu.memory_space<vmem>>, vector<1x16xf32>,
      %swap3A_199 = vector.shape_cast %swap3A_198 : vector<1x16xf32> to vector<16xf32>
      %swap3A_200 = vector.shape_cast %broadcast_in_dim3A_0 : vector<16xf32> to vector<1x16xf32>
      tpu.vector_store %arg13[%swap3A_196, %swap3A_197], %swap3A_200 {strides = array<i32>} : memref<80x64xf32, #tpu.memory_space<vmem>>, vector<1x16xf32>,
    }
    %scan3A_4 = arith.constant 80 : i32
    %mul3A = arith.constant 640 : i32
    %mul3A_5 = arith.muli %arg1, %mul3A : i32
    %eq3A = arith.constant 15 : i32
    %eq3A_6 = arith.cmpi eq, %arg1, %eq3A : i32
    %jit3A = arith.constant 5 : i32
    %jit3A_7 = arith.constant 8 : i32
    %select_n3A = arith.select %eq3A_6, %jit3A, %jit3A_7 : i32
    %while3A = arith.constant 0 : i32
    %while3A_8 = arith.constant 0 : i32
    %while3A_9 = arith.subi %select_n3A, %while3A_8 : i32
    %while3A_10 = arith.addi %while3A_8, %while3A_9 : i32
    %while3A_11 = arith.constant 1 : i32
    %while3A_12 = arith.divsi %while3A_9, %while3A_11 : i32
    %while3A_13 = arith.muli %while3A_12, %while3A_11 : i32
    %while3A_14 = arith.addi %while3A_8, %while3A_13 : i32
    %while3A_15 = arith.constant 1 : i32
    scf.for %while3A_177 = %while3A_8 to %while3A_14 step %while3A_15  : i32 {
      %mul3A_178 = arith.constant 80 : i32
      %mul3A_179 = arith.muli %while3A_177, %mul3A_178 : i32
      %add3A_180 = arith.addi %mul3A_5, %mul3A_179 : i32
      "tpu.region"() ({
        %run_scoped3A = tpu.sem_alloc : memref<!tpu.dma_semaphore, #tpu.memory_space<semaphore_mem>>
        %dma_start3A_181 = arith.constant 0 : i32
        %dma_start3A_182 = tpu.memref_slice %arg14[%add3A_180, %dma_start3A_181] : memref<10000x64xf32, #tpu.memory_space<vmem_shared>> -> memref<80x64xf32, #tpu.memory_space<vmem_shared>>
        %dma_start3A_183 = arith.constant 0 : i32
        %dma_start3A_184 = tpu.memref_slice %arg14[%add3A_180, %dma_start3A_183] : memref<10000x64xf32, #tpu.memory_space<vmem_shared>> -> memref<80x64xf32, #tpu.memory_space<vmem_shared>>
        tpu.enqueue_dma source(%arg13 : memref<80x64xf32, #tpu.memory_space<vmem>>) target(%dma_start3A_184 : memref<80x64xf32, #tpu.memory_space<vmem_shared>>) target_semaphore(%run_scoped3A : memref<!tpu.dma_semaphore, #tpu.memory_space<semaphore_mem>>)
        %dma_wait3A_185 = arith.constant 0 : i32
        %dma_wait3A_186 = tpu.memref_slice %arg14[%add3A_180, %dma_wait3A_185] : memref<10000x64xf32, #tpu.memory_space<vmem_shared>> -> memref<80x64xf32, #tpu.memory_space<vmem_shared>>
        %dma_wait3A_187 = arith.constant 0 : i32
        %dma_wait3A_188 = tpu.memref_slice %arg14[%add3A_180, %dma_wait3A_187] : memref<10000x64xf32, #tpu.memory_space<vmem_shared>> -> memref<80x64xf32, #tpu.memory_space<vmem_shared>>
        tpu.wait_dma2 semaphore(%run_scoped3A : memref<!tpu.dma_semaphore, #tpu.memory_space<semaphore_mem>>) src(%arg13 : memref<80x64xf32, #tpu.memory_space<vmem>>) dst(%dma_wait3A_188 : memref<80x64xf32, #tpu.memory_space<vmem_shared>>)
        tpu.yield
      }) : () -> ()
    }
    %while3A_16 = arith.constant 1 : i32
    scf.for %while3A_177 = %while3A_14 to %while3A_10 step %while3A_16  : i32 {
      %mul3A_178 = arith.constant 80 : i32
      %mul3A_179 = arith.muli %while3A_177, %mul3A_178 : i32
      %add3A_180 = arith.addi %mul3A_5, %mul3A_179 : i32
      "tpu.region"() ({
        %run_scoped3A = tpu.sem_alloc : memref<!tpu.dma_semaphore, #tpu.memory_space<semaphore_mem>>
        %dma_start3A_181 = arith.constant 0 : i32
        %dma_start3A_182 = tpu.memref_slice %arg14[%add3A_180, %dma_start3A_181] : memref<10000x64xf32, #tpu.memory_space<vmem_shared>> -> memref<80x64xf32, #tpu.memory_space<vmem_shared>>
        %dma_start3A_183 = arith.constant 0 : i32
        %dma_start3A_184 = tpu.memref_slice %arg14[%add3A_180, %dma_start3A_183] : memref<10000x64xf32, #tpu.memory_space<vmem_shared>> -> memref<80x64xf32, #tpu.memory_space<vmem_shared>>
        tpu.enqueue_dma source(%arg13 : memref<80x64xf32, #tpu.memory_space<vmem>>) target(%dma_start3A_184 : memref<80x64xf32, #tpu.memory_space<vmem_shared>>) target_semaphore(%run_scoped3A : memref<!tpu.dma_semaphore, #tpu.memory_space<semaphore_mem>>)
        %dma_wait3A_185 = arith.constant 0 : i32
        %dma_wait3A_186 = tpu.memref_slice %arg14[%add3A_180, %dma_wait3A_185] : memref<10000x64xf32, #tpu.memory_space<vmem_shared>> -> memref<80x64xf32, #tpu.memory_space<vmem_shared>>
        %dma_wait3A_187 = arith.constant 0 : i32
        %dma_wait3A_188 = tpu.memref_slice %arg14[%add3A_180, %dma_wait3A_187] : memref<10000x64xf32, #tpu.memory_space<vmem_shared>> -> memref<80x64xf32, #tpu.memory_space<vmem_shared>>
        tpu.wait_dma2 semaphore(%run_scoped3A : memref<!tpu.dma_semaphore, #tpu.memory_space<semaphore_mem>>) src(%arg13 : memref<80x64xf32, #tpu.memory_space<vmem>>) dst(%dma_wait3A_188 : memref<80x64xf32, #tpu.memory_space<vmem_shared>>)
        tpu.yield
      }) : () -> ()
    }
    %mul3A_17 = arith.constant 16 : i32
    %mul3A_18 = arith.muli %arg0, %mul3A_17 : i32
    %add3A = arith.addi %mul3A_18, %arg1 : i32
    %mul3A_19 = arith.constant 160 : i32
    %mul3A_20 = arith.muli %add3A, %mul3A_19 : i32
    "tpu.region"() ({
      %run_scoped3A = tpu.sem_alloc : memref<!tpu.dma_semaphore, #tpu.memory_space<semaphore_mem>>
      %dma_start3A_177 = arith.constant 0 : i32
      %dma_start3A_178 = tpu.memref_slice %arg3[%mul3A_20, %dma_start3A_177] : memref<5120x125xi32, #tpu.memory_space<hbm>> -> memref<160x125xi32, #tpu.memory_space<hbm>>
      %dma_start3A_179 = arith.constant 0 : i32
      %dma_start3A_180 = tpu.memref_slice %arg3[%mul3A_20, %dma_start3A_179] : memref<5120x125xi32, #tpu.memory_space<hbm>> -> memref<160x125xi32, #tpu.memory_space<hbm>>
      tpu.enqueue_dma source(%dma_start3A_180 : memref<160x125xi32, #tpu.memory_space<hbm>>) target(%arg6 : memref<160x125xi32, #tpu.memory_space<vmem>>) target_semaphore(%run_scoped3A : memref<!tpu.dma_semaphore, #tpu.memory_space<semaphore_mem>>)
      %dma_wait3A_181 = arith.constant 0 : i32
      %dma_wait3A_182 = tpu.memref_slice %arg3[%mul3A_20, %dma_wait3A_181] : memref<5120x125xi32, #tpu.memory_space<hbm>> -> memref<160x125xi32, #tpu.memory_space<hbm>>
      %dma_wait3A_183 = arith.constant 0 : i32
      %dma_wait3A_184 = tpu.memref_slice %arg3[%mul3A_20, %dma_wait3A_183] : memref<5120x125xi32, #tpu.memory_space<hbm>> -> memref<160x125xi32, #tpu.memory_space<hbm>>
      tpu.wait_dma2 semaphore(%run_scoped3A : memref<!tpu.dma_semaphore, #tpu.memory_space<semaphore_mem>>) src(%dma_wait3A_184 : memref<160x125xi32, #tpu.memory_space<hbm>>) dst(%arg6 : memref<160x125xi32, #tpu.memory_space<vmem>>)
      tpu.yield
    }) : () -> ()
    %mul3A_21 = arith.constant 160 : i32
    %mul3A_22 = arith.muli %arg1, %mul3A_21 : i32
    "tpu.region"() ({
      %run_scoped3A = tpu.sem_alloc : memref<!tpu.dma_semaphore, #tpu.memory_space<semaphore_mem>>
      %dma_start3A_177 = arith.constant 0 : i32
      %dma_start3A_178 = tpu.memref_slice %arg4[%mul3A_22, %dma_start3A_177] : memref<2560x125xi32, #tpu.memory_space<hbm>> -> memref<160x125xi32, #tpu.memory_space<hbm>>
      %dma_start3A_179 = arith.constant 0 : i32
      %dma_start3A_180 = tpu.memref_slice %arg4[%mul3A_22, %dma_start3A_179] : memref<2560x125xi32, #tpu.memory_space<hbm>> -> memref<160x125xi32, #tpu.memory_space<hbm>>
      tpu.enqueue_dma source(%dma_start3A_180 : memref<160x125xi32, #tpu.memory_space<hbm>>) target(%arg7 : memref<160x125xi32, #tpu.memory_space<vmem>>) target_semaphore(%run_scoped3A : memref<!tpu.dma_semaphore, #tpu.memory_space<semaphore_mem>>)
      %dma_wait3A_181 = arith.constant 0 : i32
      %dma_wait3A_182 = tpu.memref_slice %arg4[%mul3A_22, %dma_wait3A_181] : memref<2560x125xi32, #tpu.memory_space<hbm>> -> memref<160x125xi32, #tpu.memory_space<hbm>>
      %dma_wait3A_183 = arith.constant 0 : i32
      %dma_wait3A_184 = tpu.memref_slice %arg4[%mul3A_22, %dma_wait3A_183] : memref<2560x125xi32, #tpu.memory_space<hbm>> -> memref<160x125xi32, #tpu.memory_space<hbm>>
      tpu.wait_dma2 semaphore(%run_scoped3A : memref<!tpu.dma_semaphore, #tpu.memory_space<semaphore_mem>>) src(%dma_wait3A_184 : memref<160x125xi32, #tpu.memory_space<hbm>>) dst(%arg7 : memref<160x125xi32, #tpu.memory_space<vmem>>)
      tpu.yield
    }) : () -> ()
    %barrier3A = arith.constant 0 : index
    tpu.barrier barrier_id(%barrier3A)
    %dma_start3A = arith.constant 0 : i32
    %dma_start3A_23 = arith.constant 0 : i32
    %dma_start3A_24 = tpu.memref_slice %arg6[%dma_start3A, %dma_start3A_23] : memref<160x125xi32, #tpu.memory_space<vmem>> -> memref<1x125xi32, #tpu.memory_space<vmem>>
    %dma_start3A_25 = tpu.memref_squeeze %dma_start3A_24 : memref<1x125xi32, #tpu.memory_space<vmem>> -> memref<125xi32, #tpu.memory_space<vmem>>
    %dma_start3A_26 = arith.constant 0 : i32
    %dma_start3A_27 = arith.constant 0 : i32
    %dma_start3A_28 = tpu.memref_slice %arg2[%dma_start3A_26, %dma_start3A_27] : memref<20000x64xf32, #tpu.memory_space<hbm>> -> memref<20000x64xf32, #tpu.memory_space<hbm>>
    tpu.enqueue_indirect_dma source(%dma_start3A_28 : memref<20000x64xf32, #tpu.memory_space<hbm>>) target(%arg8 : memref<125x64xf32, #tpu.memory_space<vmem>>) offsets(%dma_start3A_25 : memref<125xi32, #tpu.memory_space<vmem>>) semaphore(%arg15 : memref<!tpu.dma_semaphore, #tpu.memory_space<semaphore_mem>>)
    %dma_start3A_29 = arith.constant 1 : i32
    %dma_start3A_30 = arith.constant 0 : i32
    %dma_start3A_31 = tpu.memref_slice %arg6[%dma_start3A_29, %dma_start3A_30] : memref<160x125xi32, #tpu.memory_space<vmem>> -> memref<1x125xi32, #tpu.memory_space<vmem>>
    %dma_start3A_32 = tpu.memref_squeeze %dma_start3A_31 : memref<1x125xi32, #tpu.memory_space<vmem>> -> memref<125xi32, #tpu.memory_space<vmem>>
    %dma_start3A_33 = arith.constant 0 : i32
    %dma_start3A_34 = arith.constant 0 : i32
    %dma_start3A_35 = tpu.memref_slice %arg2[%dma_start3A_33, %dma_start3A_34] : memref<20000x64xf32, #tpu.memory_space<hbm>> -> memref<20000x64xf32, #tpu.memory_space<hbm>>
    tpu.enqueue_indirect_dma source(%dma_start3A_35 : memref<20000x64xf32, #tpu.memory_space<hbm>>) target(%arg9 : memref<125x64xf32, #tpu.memory_space<vmem>>) offsets(%dma_start3A_32 : memref<125xi32, #tpu.memory_space<vmem>>) semaphore(%arg16 : memref<!tpu.dma_semaphore, #tpu.memory_space<semaphore_mem>>)
    %dma_start3A_36 = arith.constant 2 : i32
    %dma_start3A_37 = arith.constant 0 : i32
    %dma_start3A_38 = tpu.memref_slice %arg6[%dma_start3A_36, %dma_start3A_37] : memref<160x125xi32, #tpu.memory_space<vmem>> -> memref<1x125xi32, #tpu.memory_space<vmem>>
    %dma_start3A_39 = tpu.memref_squeeze %dma_start3A_38 : memref<1x125xi32, #tpu.memory_space<vmem>> -> memref<125xi32, #tpu.memory_space<vmem>>
    %dma_start3A_40 = arith.constant 0 : i32
    %dma_start3A_41 = arith.constant 0 : i32
    %dma_start3A_42 = tpu.memref_slice %arg2[%dma_start3A_40, %dma_start3A_41] : memref<20000x64xf32, #tpu.memory_space<hbm>> -> memref<20000x64xf32, #tpu.memory_space<hbm>>
    tpu.enqueue_indirect_dma source(%dma_start3A_42 : memref<20000x64xf32, #tpu.memory_space<hbm>>) target(%arg10 : memref<125x64xf32, #tpu.memory_space<vmem>>) offsets(%dma_start3A_39 : memref<125xi32, #tpu.memory_space<vmem>>) semaphore(%arg17 : memref<!tpu.dma_semaphore, #tpu.memory_space<semaphore_mem>>)
    %dma_start3A_43 = arith.constant 3 : i32
    %dma_start3A_44 = arith.constant 0 : i32
    %dma_start3A_45 = tpu.memref_slice %arg6[%dma_start3A_43, %dma_start3A_44] : memref<160x125xi32, #tpu.memory_space<vmem>> -> memref<1x125xi32, #tpu.memory_space<vmem>>
    %dma_start3A_46 = tpu.memref_squeeze %dma_start3A_45 : memref<1x125xi32, #tpu.memory_space<vmem>> -> memref<125xi32, #tpu.memory_space<vmem>>
    %dma_start3A_47 = arith.constant 0 : i32
    %dma_start3A_48 = arith.constant 0 : i32
    %dma_start3A_49 = tpu.memref_slice %arg2[%dma_start3A_47, %dma_start3A_48] : memref<20000x64xf32, #tpu.memory_space<hbm>> -> memref<20000x64xf32, #tpu.memory_space<hbm>>
    tpu.enqueue_indirect_dma source(%dma_start3A_49 : memref<20000x64xf32, #tpu.memory_space<hbm>>) target(%arg11 : memref<125x64xf32, #tpu.memory_space<vmem>>) offsets(%dma_start3A_46 : memref<125xi32, #tpu.memory_space<vmem>>) semaphore(%arg18 : memref<!tpu.dma_semaphore, #tpu.memory_space<semaphore_mem>>)
    %dma_start3A_50 = arith.constant 4 : i32
    %dma_start3A_51 = arith.constant 0 : i32
    %dma_start3A_52 = tpu.memref_slice %arg6[%dma_start3A_50, %dma_start3A_51] : memref<160x125xi32, #tpu.memory_space<vmem>> -> memref<1x125xi32, #tpu.memory_space<vmem>>
    %dma_start3A_53 = tpu.memref_squeeze %dma_start3A_52 : memref<1x125xi32, #tpu.memory_space<vmem>> -> memref<125xi32, #tpu.memory_space<vmem>>
    %dma_start3A_54 = arith.constant 0 : i32
    %dma_start3A_55 = arith.constant 0 : i32
    %dma_start3A_56 = tpu.memref_slice %arg2[%dma_start3A_54, %dma_start3A_55] : memref<20000x64xf32, #tpu.memory_space<hbm>> -> memref<20000x64xf32, #tpu.memory_space<hbm>>
    tpu.enqueue_indirect_dma source(%dma_start3A_56 : memref<20000x64xf32, #tpu.memory_space<hbm>>) target(%arg12 : memref<125x64xf32, #tpu.memory_space<vmem>>) offsets(%dma_start3A_53 : memref<125xi32, #tpu.memory_space<vmem>>) semaphore(%arg19 : memref<!tpu.dma_semaphore, #tpu.memory_space<semaphore_mem>>)
    %scan3A_57 = arith.constant 0 : i32
    %scan3A_58 = arith.constant 31 : i32
    %scan3A_59 = arith.addi %scan3A_57, %scan3A_58 : i32
    %scan3A_60 = arith.constant 1 : i32
    scf.for %scan3A_177 = %scan3A_57 to %scan3A_59 step %scan3A_60  : i32 {
      %mul3A_178 = arith.constant 5 : i32
      %mul3A_179 = arith.muli %scan3A_177, %mul3A_178 : i32
      %add3A_180 = arith.constant 0 : i32
      %add3A_181 = arith.addi %add3A_180, %mul3A_179 : i32
      %add3A_182 = arith.constant 0 : i32
      %add3A_183 = arith.addi %add3A_181, %add3A_182 : i32
      %dma_wait3A_184 = arith.constant 0 : i32
      %dma_wait3A_185 = tpu.memref_slice %arg6[%add3A_183, %dma_wait3A_184] : memref<160x125xi32, #tpu.memory_space<vmem>> -> memref<1x125xi32, #tpu.memory_space<vmem>>
      %dma_wait3A_186 = tpu.memref_squeeze %dma_wait3A_185 : memref<1x125xi32, #tpu.memory_space<vmem>> -> memref<125xi32, #tpu.memory_space<vmem>>
      %dma_wait3A_187 = arith.constant 0 : i32
      %dma_wait3A_188 = arith.constant 0 : i32
      %dma_wait3A_189 = tpu.memref_slice %arg2[%dma_wait3A_187, %dma_wait3A_188] : memref<20000x64xf32, #tpu.memory_space<hbm>> -> memref<20000x64xf32, #tpu.memory_space<hbm>>
      tpu.wait_indirect_dma semaphore(%arg15 : memref<!tpu.dma_semaphore, #tpu.memory_space<semaphore_mem>>) src(%dma_wait3A_189 : memref<20000x64xf32, #tpu.memory_space<hbm>>) dst(%arg8 : memref<125x64xf32, #tpu.memory_space<vmem>>)
      %add3A_190 = arith.constant 0 : i32
      %add3A_191 = arith.addi %add3A_181, %add3A_190 : i32
      %dma_start3A_192 = arith.constant 0 : i32
      %dma_start3A_193 = tpu.memref_slice %arg7[%add3A_191, %dma_start3A_192] : memref<160x125xi32, #tpu.memory_space<vmem>> -> memref<1x125xi32, #tpu.memory_space<vmem>>
      %dma_start3A_194 = tpu.memref_squeeze %dma_start3A_193 : memref<1x125xi32, #tpu.memory_space<vmem>> -> memref<125xi32, #tpu.memory_space<vmem>>
      %dma_start3A_195 = arith.constant 0 : i32
      %dma_start3A_196 = arith.constant 0 : i32
      %dma_start3A_197 = tpu.memref_slice %arg14[%dma_start3A_195, %dma_start3A_196] : memref<10000x64xf32, #tpu.memory_space<vmem_shared>> -> memref<10000x64xf32, #tpu.memory_space<vmem_shared>>
      tpu.enqueue_indirect_dma source(%arg8 : memref<125x64xf32, #tpu.memory_space<vmem>>) target(%dma_start3A_197 : memref<10000x64xf32, #tpu.memory_space<vmem_shared>>) offsets(%dma_start3A_194 : memref<125xi32, #tpu.memory_space<vmem>>) semaphore(%arg20 : memref<!tpu.dma_semaphore, #tpu.memory_space<semaphore_mem>>) {add = true}
      %add3A_198 = arith.constant 1 : i32
      %add3A_199 = arith.addi %add3A_181, %add3A_198 : i32
      %dma_wait3A_200 = arith.constant 0 : i32
      %dma_wait3A_201 = tpu.memref_slice %arg6[%add3A_199, %dma_wait3A_200] : memref<160x125xi32, #tpu.memory_space<vmem>> -> memref<1x125xi32, #tpu.memory_space<vmem>>
      %dma_wait3A_202 = tpu.memref_squeeze %dma_wait3A_201 : memref<1x125xi32, #tpu.memory_space<vmem>> -> memref<125xi32, #tpu.memory_space<vmem>>
      %dma_wait3A_203 = arith.constant 0 : i32
      %dma_wait3A_204 = arith.constant 0 : i32
      %dma_wait3A_205 = tpu.memref_slice %arg2[%dma_wait3A_203, %dma_wait3A_204] : memref<20000x64xf32, #tpu.memory_space<hbm>> -> memref<20000x64xf32, #tpu.memory_space<hbm>>
      tpu.wait_indirect_dma semaphore(%arg16 : memref<!tpu.dma_semaphore, #tpu.memory_space<semaphore_mem>>) src(%dma_wait3A_205 : memref<20000x64xf32, #tpu.memory_space<hbm>>) dst(%arg9 : memref<125x64xf32, #tpu.memory_space<vmem>>)
      %add3A_206 = arith.constant 1 : i32
      %add3A_207 = arith.addi %add3A_181, %add3A_206 : i32
      %dma_start3A_208 = arith.constant 0 : i32
      %dma_start3A_209 = tpu.memref_slice %arg7[%add3A_207, %dma_start3A_208] : memref<160x125xi32, #tpu.memory_space<vmem>> -> memref<1x125xi32, #tpu.memory_space<vmem>>
      %dma_start3A_210 = tpu.memref_squeeze %dma_start3A_209 : memref<1x125xi32, #tpu.memory_space<vmem>> -> memref<125xi32, #tpu.memory_space<vmem>>
      %dma_start3A_211 = arith.constant 0 : i32
      %dma_start3A_212 = arith.constant 0 : i32
      %dma_start3A_213 = tpu.memref_slice %arg14[%dma_start3A_211, %dma_start3A_212] : memref<10000x64xf32, #tpu.memory_space<vmem_shared>> -> memref<10000x64xf32, #tpu.memory_space<vmem_shared>>
      tpu.enqueue_indirect_dma source(%arg9 : memref<125x64xf32, #tpu.memory_space<vmem>>) target(%dma_start3A_213 : memref<10000x64xf32, #tpu.memory_space<vmem_shared>>) offsets(%dma_start3A_210 : memref<125xi32, #tpu.memory_space<vmem>>) semaphore(%arg21 : memref<!tpu.dma_semaphore, #tpu.memory_space<semaphore_mem>>) {add = true}
      %add3A_214 = arith.constant 2 : i32
      %add3A_215 = arith.addi %add3A_181, %add3A_214 : i32
      %dma_wait3A_216 = arith.constant 0 : i32
      %dma_wait3A_217 = tpu.memref_slice %arg6[%add3A_215, %dma_wait3A_216] : memref<160x125xi32, #tpu.memory_space<vmem>> -> memref<1x125xi32, #tpu.memory_space<vmem>>
      %dma_wait3A_218 = tpu.memref_squeeze %dma_wait3A_217 : memref<1x125xi32, #tpu.memory_space<vmem>> -> memref<125xi32, #tpu.memory_space<vmem>>
      %dma_wait3A_219 = arith.constant 0 : i32
      %dma_wait3A_220 = arith.constant 0 : i32
      %dma_wait3A_221 = tpu.memref_slice %arg2[%dma_wait3A_219, %dma_wait3A_220] : memref<20000x64xf32, #tpu.memory_space<hbm>> -> memref<20000x64xf32, #tpu.memory_space<hbm>>
      tpu.wait_indirect_dma semaphore(%arg17 : memref<!tpu.dma_semaphore, #tpu.memory_space<semaphore_mem>>) src(%dma_wait3A_221 : memref<20000x64xf32, #tpu.memory_space<hbm>>) dst(%arg10 : memref<125x64xf32, #tpu.memory_space<vmem>>)
      %add3A_222 = arith.constant 2 : i32
      %add3A_223 = arith.addi %add3A_181, %add3A_222 : i32
      %dma_start3A_224 = arith.constant 0 : i32
      %dma_start3A_225 = tpu.memref_slice %arg7[%add3A_223, %dma_start3A_224] : memref<160x125xi32, #tpu.memory_space<vmem>> -> memref<1x125xi32, #tpu.memory_space<vmem>>
      %dma_start3A_226 = tpu.memref_squeeze %dma_start3A_225 : memref<1x125xi32, #tpu.memory_space<vmem>> -> memref<125xi32, #tpu.memory_space<vmem>>
      %dma_start3A_227 = arith.constant 0 : i32
      %dma_start3A_228 = arith.constant 0 : i32
      %dma_start3A_229 = tpu.memref_slice %arg14[%dma_start3A_227, %dma_start3A_228] : memref<10000x64xf32, #tpu.memory_space<vmem_shared>> -> memref<10000x64xf32, #tpu.memory_space<vmem_shared>>
      tpu.enqueue_indirect_dma source(%arg10 : memref<125x64xf32, #tpu.memory_space<vmem>>) target(%dma_start3A_229 : memref<10000x64xf32, #tpu.memory_space<vmem_shared>>) offsets(%dma_start3A_226 : memref<125xi32, #tpu.memory_space<vmem>>) semaphore(%arg22 : memref<!tpu.dma_semaphore, #tpu.memory_space<semaphore_mem>>) {add = true}
      %add3A_230 = arith.constant 3 : i32
      %add3A_231 = arith.addi %add3A_181, %add3A_230 : i32
      %dma_wait3A_232 = arith.constant 0 : i32
      %dma_wait3A_233 = tpu.memref_slice %arg6[%add3A_231, %dma_wait3A_232] : memref<160x125xi32, #tpu.memory_space<vmem>> -> memref<1x125xi32, #tpu.memory_space<vmem>>
      %dma_wait3A_234 = tpu.memref_squeeze %dma_wait3A_233 : memref<1x125xi32, #tpu.memory_space<vmem>> -> memref<125xi32, #tpu.memory_space<vmem>>
      %dma_wait3A_235 = arith.constant 0 : i32
      %dma_wait3A_236 = arith.constant 0 : i32
      %dma_wait3A_237 = tpu.memref_slice %arg2[%dma_wait3A_235, %dma_wait3A_236] : memref<20000x64xf32, #tpu.memory_space<hbm>> -> memref<20000x64xf32, #tpu.memory_space<hbm>>
      tpu.wait_indirect_dma semaphore(%arg18 : memref<!tpu.dma_semaphore, #tpu.memory_space<semaphore_mem>>) src(%dma_wait3A_237 : memref<20000x64xf32, #tpu.memory_space<hbm>>) dst(%arg11 : memref<125x64xf32, #tpu.memory_space<vmem>>)
      %add3A_238 = arith.constant 3 : i32
      %add3A_239 = arith.addi %add3A_181, %add3A_238 : i32
      %dma_start3A_240 = arith.constant 0 : i32
      %dma_start3A_241 = tpu.memref_slice %arg7[%add3A_239, %dma_start3A_240] : memref<160x125xi32, #tpu.memory_space<vmem>> -> memref<1x125xi32, #tpu.memory_space<vmem>>
      %dma_start3A_242 = tpu.memref_squeeze %dma_start3A_241 : memref<1x125xi32, #tpu.memory_space<vmem>> -> memref<125xi32, #tpu.memory_space<vmem>>
      %dma_start3A_243 = arith.constant 0 : i32
      %dma_start3A_244 = arith.constant 0 : i32
      %dma_start3A_245 = tpu.memref_slice %arg14[%dma_start3A_243, %dma_start3A_244] : memref<10000x64xf32, #tpu.memory_space<vmem_shared>> -> memref<10000x64xf32, #tpu.memory_space<vmem_shared>>
      tpu.enqueue_indirect_dma source(%arg11 : memref<125x64xf32, #tpu.memory_space<vmem>>) target(%dma_start3A_245 : memref<10000x64xf32, #tpu.memory_space<vmem_shared>>) offsets(%dma_start3A_242 : memref<125xi32, #tpu.memory_space<vmem>>) semaphore(%arg23 : memref<!tpu.dma_semaphore, #tpu.memory_space<semaphore_mem>>) {add = true}
      %add3A_246 = arith.constant 4 : i32
      %add3A_247 = arith.addi %add3A_181, %add3A_246 : i32
      %dma_wait3A_248 = arith.constant 0 : i32
      %dma_wait3A_249 = tpu.memref_slice %arg6[%add3A_247, %dma_wait3A_248] : memref<160x125xi32, #tpu.memory_space<vmem>> -> memref<1x125xi32, #tpu.memory_space<vmem>>
      %dma_wait3A_250 = tpu.memref_squeeze %dma_wait3A_249 : memref<1x125xi32, #tpu.memory_space<vmem>> -> memref<125xi32, #tpu.memory_space<vmem>>
      %dma_wait3A_251 = arith.constant 0 : i32
      %dma_wait3A_252 = arith.constant 0 : i32
      %dma_wait3A_253 = tpu.memref_slice %arg2[%dma_wait3A_251, %dma_wait3A_252] : memref<20000x64xf32, #tpu.memory_space<hbm>> -> memref<20000x64xf32, #tpu.memory_space<hbm>>
      tpu.wait_indirect_dma semaphore(%arg19 : memref<!tpu.dma_semaphore, #tpu.memory_space<semaphore_mem>>) src(%dma_wait3A_253 : memref<20000x64xf32, #tpu.memory_space<hbm>>) dst(%arg12 : memref<125x64xf32, #tpu.memory_space<vmem>>)
      %add3A_254 = arith.constant 4 : i32
      %add3A_255 = arith.addi %add3A_181, %add3A_254 : i32
      %dma_start3A_256 = arith.constant 0 : i32
      %dma_start3A_257 = tpu.memref_slice %arg7[%add3A_255, %dma_start3A_256] : memref<160x125xi32, #tpu.memory_space<vmem>> -> memref<1x125xi32, #tpu.memory_space<vmem>>
      %dma_start3A_258 = tpu.memref_squeeze %dma_start3A_257 : memref<1x125xi32, #tpu.memory_space<vmem>> -> memref<125xi32, #tpu.memory_space<vmem>>
      %dma_start3A_259 = arith.constant 0 : i32
      %dma_start3A_260 = arith.constant 0 : i32
      %dma_start3A_261 = tpu.memref_slice %arg14[%dma_start3A_259, %dma_start3A_260] : memref<10000x64xf32, #tpu.memory_space<vmem_shared>> -> memref<10000x64xf32, #tpu.memory_space<vmem_shared>>
      tpu.enqueue_indirect_dma source(%arg12 : memref<125x64xf32, #tpu.memory_space<vmem>>) target(%dma_start3A_261 : memref<10000x64xf32, #tpu.memory_space<vmem_shared>>) offsets(%dma_start3A_258 : memref<125xi32, #tpu.memory_space<vmem>>) semaphore(%arg24 : memref<!tpu.dma_semaphore, #tpu.memory_space<semaphore_mem>>) {add = true}
      %add3A_262 = arith.constant 0 : i32
      %add3A_263 = arith.addi %add3A_181, %add3A_262 : i32
      %dma_wait3A_264 = arith.constant 0 : i32
      %dma_wait3A_265 = tpu.memref_slice %arg7[%add3A_263, %dma_wait3A_264] : memref<160x125xi32, #tpu.memory_space<vmem>> -> memref<1x125xi32, #tpu.memory_space<vmem>>
      %dma_wait3A_266 = tpu.memref_squeeze %dma_wait3A_265 : memref<1x125xi32, #tpu.memory_space<vmem>> -> memref<125xi32, #tpu.memory_space<vmem>>
      %dma_wait3A_267 = arith.constant 0 : i32
      %dma_wait3A_268 = arith.constant 0 : i32
      %dma_wait3A_269 = tpu.memref_slice %arg14[%dma_wait3A_267, %dma_wait3A_268] : memref<10000x64xf32, #tpu.memory_space<vmem_shared>> -> memref<10000x64xf32, #tpu.memory_space<vmem_shared>>
      tpu.wait_indirect_dma semaphore(%arg20 : memref<!tpu.dma_semaphore, #tpu.memory_space<semaphore_mem>>) src(%arg8 : memref<125x64xf32, #tpu.memory_space<vmem>>) dst(%dma_wait3A_269 : memref<10000x64xf32, #tpu.memory_space<vmem_shared>>)
      %add3A_270 = arith.constant 5 : i32
      %add3A_271 = arith.addi %add3A_181, %add3A_270 : i32
      %add3A_272 = arith.constant 0 : i32
      %add3A_273 = arith.addi %add3A_271, %add3A_272 : i32
      %dma_start3A_274 = arith.constant 0 : i32
      %dma_start3A_275 = tpu.memref_slice %arg6[%add3A_273, %dma_start3A_274] : memref<160x125xi32, #tpu.memory_space<vmem>> -> memref<1x125xi32, #tpu.memory_space<vmem>>
      %dma_start3A_276 = tpu.memref_squeeze %dma_start3A_275 : memref<1x125xi32, #tpu.memory_space<vmem>> -> memref<125xi32, #tpu.memory_space<vmem>>
      %dma_start3A_277 = arith.constant 0 : i32
      %dma_start3A_278 = arith.constant 0 : i32
      %dma_start3A_279 = tpu.memref_slice %arg2[%dma_start3A_277, %dma_start3A_278] : memref<20000x64xf32, #tpu.memory_space<hbm>> -> memref<20000x64xf32, #tpu.memory_space<hbm>>
      tpu.enqueue_indirect_dma source(%dma_start3A_279 : memref<20000x64xf32, #tpu.memory_space<hbm>>) target(%arg8 : memref<125x64xf32, #tpu.memory_space<vmem>>) offsets(%dma_start3A_276 : memref<125xi32, #tpu.memory_space<vmem>>) semaphore(%arg15 : memref<!tpu.dma_semaphore, #tpu.memory_space<semaphore_mem>>)
      %add3A_280 = arith.constant 1 : i32
      %add3A_281 = arith.addi %add3A_181, %add3A_280 : i32
      %dma_wait3A_282 = arith.constant 0 : i32
      %dma_wait3A_283 = tpu.memref_slice %arg7[%add3A_281, %dma_wait3A_282] : memref<160x125xi32, #tpu.memory_space<vmem>> -> memref<1x125xi32, #tpu.memory_space<vmem>>
      %dma_wait3A_284 = tpu.memref_squeeze %dma_wait3A_283 : memref<1x125xi32, #tpu.memory_space<vmem>> -> memref<125xi32, #tpu.memory_space<vmem>>
      %dma_wait3A_285 = arith.constant 0 : i32
      %dma_wait3A_286 = arith.constant 0 : i32
      %dma_wait3A_287 = tpu.memref_slice %arg14[%dma_wait3A_285, %dma_wait3A_286] : memref<10000x64xf32, #tpu.memory_space<vmem_shared>> -> memref<10000x64xf32, #tpu.memory_space<vmem_shared>>
      tpu.wait_indirect_dma semaphore(%arg21 : memref<!tpu.dma_semaphore, #tpu.memory_space<semaphore_mem>>) src(%arg9 : memref<125x64xf32, #tpu.memory_space<vmem>>) dst(%dma_wait3A_287 : memref<10000x64xf32, #tpu.memory_space<vmem_shared>>)
      %add3A_288 = arith.constant 5 : i32
      %add3A_289 = arith.addi %add3A_181, %add3A_288 : i32
      %add3A_290 = arith.constant 1 : i32
      %add3A_291 = arith.addi %add3A_289, %add3A_290 : i32
      %dma_start3A_292 = arith.constant 0 : i32
      %dma_start3A_293 = tpu.memref_slice %arg6[%add3A_291, %dma_start3A_292] : memref<160x125xi32, #tpu.memory_space<vmem>> -> memref<1x125xi32, #tpu.memory_space<vmem>>
      %dma_start3A_294 = tpu.memref_squeeze %dma_start3A_293 : memref<1x125xi32, #tpu.memory_space<vmem>> -> memref<125xi32, #tpu.memory_space<vmem>>
      %dma_start3A_295 = arith.constant 0 : i32
      %dma_start3A_296 = arith.constant 0 : i32
      %dma_start3A_297 = tpu.memref_slice %arg2[%dma_start3A_295, %dma_start3A_296] : memref<20000x64xf32, #tpu.memory_space<hbm>> -> memref<20000x64xf32, #tpu.memory_space<hbm>>
      tpu.enqueue_indirect_dma source(%dma_start3A_297 : memref<20000x64xf32, #tpu.memory_space<hbm>>) target(%arg9 : memref<125x64xf32, #tpu.memory_space<vmem>>) offsets(%dma_start3A_294 : memref<125xi32, #tpu.memory_space<vmem>>) semaphore(%arg16 : memref<!tpu.dma_semaphore, #tpu.memory_space<semaphore_mem>>)
      %add3A_298 = arith.constant 2 : i32
      %add3A_299 = arith.addi %add3A_181, %add3A_298 : i32
      %dma_wait3A_300 = arith.constant 0 : i32
      %dma_wait3A_301 = tpu.memref_slice %arg7[%add3A_299, %dma_wait3A_300] : memref<160x125xi32, #tpu.memory_space<vmem>> -> memref<1x125xi32, #tpu.memory_space<vmem>>
      %dma_wait3A_302 = tpu.memref_squeeze %dma_wait3A_301 : memref<1x125xi32, #tpu.memory_space<vmem>> -> memref<125xi32, #tpu.memory_space<vmem>>
      %dma_wait3A_303 = arith.constant 0 : i32
      %dma_wait3A_304 = arith.constant 0 : i32
      %dma_wait3A_305 = tpu.memref_slice %arg14[%dma_wait3A_303, %dma_wait3A_304] : memref<10000x64xf32, #tpu.memory_space<vmem_shared>> -> memref<10000x64xf32, #tpu.memory_space<vmem_shared>>
      tpu.wait_indirect_dma semaphore(%arg22 : memref<!tpu.dma_semaphore, #tpu.memory_space<semaphore_mem>>) src(%arg10 : memref<125x64xf32, #tpu.memory_space<vmem>>) dst(%dma_wait3A_305 : memref<10000x64xf32, #tpu.memory_space<vmem_shared>>)
      %add3A_306 = arith.constant 5 : i32
      %add3A_307 = arith.addi %add3A_181, %add3A_306 : i32
      %add3A_308 = arith.constant 2 : i32
      %add3A_309 = arith.addi %add3A_307, %add3A_308 : i32
      %dma_start3A_310 = arith.constant 0 : i32
      %dma_start3A_311 = tpu.memref_slice %arg6[%add3A_309, %dma_start3A_310] : memref<160x125xi32, #tpu.memory_space<vmem>> -> memref<1x125xi32, #tpu.memory_space<vmem>>
      %dma_start3A_312 = tpu.memref_squeeze %dma_start3A_311 : memref<1x125xi32, #tpu.memory_space<vmem>> -> memref<125xi32, #tpu.memory_space<vmem>>
      %dma_start3A_313 = arith.constant 0 : i32
      %dma_start3A_314 = arith.constant 0 : i32
      %dma_start3A_315 = tpu.memref_slice %arg2[%dma_start3A_313, %dma_start3A_314] : memref<20000x64xf32, #tpu.memory_space<hbm>> -> memref<20000x64xf32, #tpu.memory_space<hbm>>
      tpu.enqueue_indirect_dma source(%dma_start3A_315 : memref<20000x64xf32, #tpu.memory_space<hbm>>) target(%arg10 : memref<125x64xf32, #tpu.memory_space<vmem>>) offsets(%dma_start3A_312 : memref<125xi32, #tpu.memory_space<vmem>>) semaphore(%arg17 : memref<!tpu.dma_semaphore, #tpu.memory_space<semaphore_mem>>)
      %add3A_316 = arith.constant 3 : i32
      %add3A_317 = arith.addi %add3A_181, %add3A_316 : i32
      %dma_wait3A_318 = arith.constant 0 : i32
      %dma_wait3A_319 = tpu.memref_slice %arg7[%add3A_317, %dma_wait3A_318] : memref<160x125xi32, #tpu.memory_space<vmem>> -> memref<1x125xi32, #tpu.memory_space<vmem>>
      %dma_wait3A_320 = tpu.memref_squeeze %dma_wait3A_319 : memref<1x125xi32, #tpu.memory_space<vmem>> -> memref<125xi32, #tpu.memory_space<vmem>>
      %dma_wait3A_321 = arith.constant 0 : i32
      %dma_wait3A_322 = arith.constant 0 : i32
      %dma_wait3A_323 = tpu.memref_slice %arg14[%dma_wait3A_321, %dma_wait3A_322] : memref<10000x64xf32, #tpu.memory_space<vmem_shared>> -> memref<10000x64xf32, #tpu.memory_space<vmem_shared>>
      tpu.wait_indirect_dma semaphore(%arg23 : memref<!tpu.dma_semaphore, #tpu.memory_space<semaphore_mem>>) src(%arg11 : memref<125x64xf32, #tpu.memory_space<vmem>>) dst(%dma_wait3A_323 : memref<10000x64xf32, #tpu.memory_space<vmem_shared>>)
      %add3A_324 = arith.constant 5 : i32
      %add3A_325 = arith.addi %add3A_181, %add3A_324 : i32
      %add3A_326 = arith.constant 3 : i32
      %add3A_327 = arith.addi %add3A_325, %add3A_326 : i32
      %dma_start3A_328 = arith.constant 0 : i32
      %dma_start3A_329 = tpu.memref_slice %arg6[%add3A_327, %dma_start3A_328] : memref<160x125xi32, #tpu.memory_space<vmem>> -> memref<1x125xi32, #tpu.memory_space<vmem>>
      %dma_start3A_330 = tpu.memref_squeeze %dma_start3A_329 : memref<1x125xi32, #tpu.memory_space<vmem>> -> memref<125xi32, #tpu.memory_space<vmem>>
      %dma_start3A_331 = arith.constant 0 : i32
      %dma_start3A_332 = arith.constant 0 : i32
      %dma_start3A_333 = tpu.memref_slice %arg2[%dma_start3A_331, %dma_start3A_332] : memref<20000x64xf32, #tpu.memory_space<hbm>> -> memref<20000x64xf32, #tpu.memory_space<hbm>>
      tpu.enqueue_indirect_dma source(%dma_start3A_333 : memref<20000x64xf32, #tpu.memory_space<hbm>>) target(%arg11 : memref<125x64xf32, #tpu.memory_space<vmem>>) offsets(%dma_start3A_330 : memref<125xi32, #tpu.memory_space<vmem>>) semaphore(%arg18 : memref<!tpu.dma_semaphore, #tpu.memory_space<semaphore_mem>>)
      %add3A_334 = arith.constant 4 : i32
      %add3A_335 = arith.addi %add3A_181, %add3A_334 : i32
      %dma_wait3A_336 = arith.constant 0 : i32
      %dma_wait3A_337 = tpu.memref_slice %arg7[%add3A_335, %dma_wait3A_336] : memref<160x125xi32, #tpu.memory_space<vmem>> -> memref<1x125xi32, #tpu.memory_space<vmem>>
      %dma_wait3A_338 = tpu.memref_squeeze %dma_wait3A_337 : memref<1x125xi32, #tpu.memory_space<vmem>> -> memref<125xi32, #tpu.memory_space<vmem>>
      %dma_wait3A_339 = arith.constant 0 : i32
      %dma_wait3A_340 = arith.constant 0 : i32
      %dma_wait3A_341 = tpu.memref_slice %arg14[%dma_wait3A_339, %dma_wait3A_340] : memref<10000x64xf32, #tpu.memory_space<vmem_shared>> -> memref<10000x64xf32, #tpu.memory_space<vmem_shared>>
      tpu.wait_indirect_dma semaphore(%arg24 : memref<!tpu.dma_semaphore, #tpu.memory_space<semaphore_mem>>) src(%arg12 : memref<125x64xf32, #tpu.memory_space<vmem>>) dst(%dma_wait3A_341 : memref<10000x64xf32, #tpu.memory_space<vmem_shared>>)
      %add3A_342 = arith.constant 5 : i32
      %add3A_343 = arith.addi %add3A_181, %add3A_342 : i32
      %add3A_344 = arith.constant 4 : i32
      %add3A_345 = arith.addi %add3A_343, %add3A_344 : i32
      %dma_start3A_346 = arith.constant 0 : i32
      %dma_start3A_347 = tpu.memref_slice %arg6[%add3A_345, %dma_start3A_346] : memref<160x125xi32, #tpu.memory_space<vmem>> -> memref<1x125xi32, #tpu.memory_space<vmem>>
      %dma_start3A_348 = tpu.memref_squeeze %dma_start3A_347 : memref<1x125xi32, #tpu.memory_space<vmem>> -> memref<125xi32, #tpu.memory_space<vmem>>
      %dma_start3A_349 = arith.constant 0 : i32
      %dma_start3A_350 = arith.constant 0 : i32
      %dma_start3A_351 = tpu.memref_slice %arg2[%dma_start3A_349, %dma_start3A_350] : memref<20000x64xf32, #tpu.memory_space<hbm>> -> memref<20000x64xf32, #tpu.memory_space<hbm>>
      tpu.enqueue_indirect_dma source(%dma_start3A_351 : memref<20000x64xf32, #tpu.memory_space<hbm>>) target(%arg12 : memref<125x64xf32, #tpu.memory_space<vmem>>) offsets(%dma_start3A_348 : memref<125xi32, #tpu.memory_space<vmem>>) semaphore(%arg19 : memref<!tpu.dma_semaphore, #tpu.memory_space<semaphore_mem>>)
    }
    %scan3A_61 = arith.constant 31 : i32
    %dma_wait3A = arith.constant 155 : i32
    %dma_wait3A_62 = arith.constant 0 : i32
    %dma_wait3A_63 = tpu.memref_slice %arg6[%dma_wait3A, %dma_wait3A_62] : memref<160x125xi32, #tpu.memory_space<vmem>> -> memref<1x125xi32, #tpu.memory_space<vmem>>
    %dma_wait3A_64 = tpu.memref_squeeze %dma_wait3A_63 : memref<1x125xi32, #tpu.memory_space<vmem>> -> memref<125xi32, #tpu.memory_space<vmem>>
    %dma_wait3A_65 = arith.constant 0 : i32
    %dma_wait3A_66 = arith.constant 0 : i32
    %dma_wait3A_67 = tpu.memref_slice %arg2[%dma_wait3A_65, %dma_wait3A_66] : memref<20000x64xf32, #tpu.memory_space<hbm>> -> memref<20000x64xf32, #tpu.memory_space<hbm>>
    tpu.wait_indirect_dma semaphore(%arg15 : memref<!tpu.dma_semaphore, #tpu.memory_space<semaphore_mem>>) src(%dma_wait3A_67 : memref<20000x64xf32, #tpu.memory_space<hbm>>) dst(%arg8 : memref<125x64xf32, #tpu.memory_space<vmem>>)
    %dma_start3A_68 = arith.constant 155 : i32
    %dma_start3A_69 = arith.constant 0 : i32
    %dma_start3A_70 = tpu.memref_slice %arg7[%dma_start3A_68, %dma_start3A_69] : memref<160x125xi32, #tpu.memory_space<vmem>> -> memref<1x125xi32, #tpu.memory_space<vmem>>
    %dma_start3A_71 = tpu.memref_squeeze %dma_start3A_70 : memref<1x125xi32, #tpu.memory_space<vmem>> -> memref<125xi32, #tpu.memory_space<vmem>>
    %dma_start3A_72 = arith.constant 0 : i32
    %dma_start3A_73 = arith.constant 0 : i32
    %dma_start3A_74 = tpu.memref_slice %arg14[%dma_start3A_72, %dma_start3A_73] : memref<10000x64xf32, #tpu.memory_space<vmem_shared>> -> memref<10000x64xf32, #tpu.memory_space<vmem_shared>>
    tpu.enqueue_indirect_dma source(%arg8 : memref<125x64xf32, #tpu.memory_space<vmem>>) target(%dma_start3A_74 : memref<10000x64xf32, #tpu.memory_space<vmem_shared>>) offsets(%dma_start3A_71 : memref<125xi32, #tpu.memory_space<vmem>>) semaphore(%arg20 : memref<!tpu.dma_semaphore, #tpu.memory_space<semaphore_mem>>) {add = true}
    %dma_wait3A_75 = arith.constant 156 : i32
    %dma_wait3A_76 = arith.constant 0 : i32
    %dma_wait3A_77 = tpu.memref_slice %arg6[%dma_wait3A_75, %dma_wait3A_76] : memref<160x125xi32, #tpu.memory_space<vmem>> -> memref<1x125xi32, #tpu.memory_space<vmem>>
    %dma_wait3A_78 = tpu.memref_squeeze %dma_wait3A_77 : memref<1x125xi32, #tpu.memory_space<vmem>> -> memref<125xi32, #tpu.memory_space<vmem>>
    %dma_wait3A_79 = arith.constant 0 : i32
    %dma_wait3A_80 = arith.constant 0 : i32
    %dma_wait3A_81 = tpu.memref_slice %arg2[%dma_wait3A_79, %dma_wait3A_80] : memref<20000x64xf32, #tpu.memory_space<hbm>> -> memref<20000x64xf32, #tpu.memory_space<hbm>>
    tpu.wait_indirect_dma semaphore(%arg16 : memref<!tpu.dma_semaphore, #tpu.memory_space<semaphore_mem>>) src(%dma_wait3A_81 : memref<20000x64xf32, #tpu.memory_space<hbm>>) dst(%arg9 : memref<125x64xf32, #tpu.memory_space<vmem>>)
    %dma_start3A_82 = arith.constant 156 : i32
    %dma_start3A_83 = arith.constant 0 : i32
    %dma_start3A_84 = tpu.memref_slice %arg7[%dma_start3A_82, %dma_start3A_83] : memref<160x125xi32, #tpu.memory_space<vmem>> -> memref<1x125xi32, #tpu.memory_space<vmem>>
    %dma_start3A_85 = tpu.memref_squeeze %dma_start3A_84 : memref<1x125xi32, #tpu.memory_space<vmem>> -> memref<125xi32, #tpu.memory_space<vmem>>
    %dma_start3A_86 = arith.constant 0 : i32
    %dma_start3A_87 = arith.constant 0 : i32
    %dma_start3A_88 = tpu.memref_slice %arg14[%dma_start3A_86, %dma_start3A_87] : memref<10000x64xf32, #tpu.memory_space<vmem_shared>> -> memref<10000x64xf32, #tpu.memory_space<vmem_shared>>
    tpu.enqueue_indirect_dma source(%arg9 : memref<125x64xf32, #tpu.memory_space<vmem>>) target(%dma_start3A_88 : memref<10000x64xf32, #tpu.memory_space<vmem_shared>>) offsets(%dma_start3A_85 : memref<125xi32, #tpu.memory_space<vmem>>) semaphore(%arg21 : memref<!tpu.dma_semaphore, #tpu.memory_space<semaphore_mem>>) {add = true}
    %dma_wait3A_89 = arith.constant 157 : i32
    %dma_wait3A_90 = arith.constant 0 : i32
    %dma_wait3A_91 = tpu.memref_slice %arg6[%dma_wait3A_89, %dma_wait3A_90] : memref<160x125xi32, #tpu.memory_space<vmem>> -> memref<1x125xi32, #tpu.memory_space<vmem>>
    %dma_wait3A_92 = tpu.memref_squeeze %dma_wait3A_91 : memref<1x125xi32, #tpu.memory_space<vmem>> -> memref<125xi32, #tpu.memory_space<vmem>>
    %dma_wait3A_93 = arith.constant 0 : i32
    %dma_wait3A_94 = arith.constant 0 : i32
    %dma_wait3A_95 = tpu.memref_slice %arg2[%dma_wait3A_93, %dma_wait3A_94] : memref<20000x64xf32, #tpu.memory_space<hbm>> -> memref<20000x64xf32, #tpu.memory_space<hbm>>
    tpu.wait_indirect_dma semaphore(%arg17 : memref<!tpu.dma_semaphore, #tpu.memory_space<semaphore_mem>>) src(%dma_wait3A_95 : memref<20000x64xf32, #tpu.memory_space<hbm>>) dst(%arg10 : memref<125x64xf32, #tpu.memory_space<vmem>>)
    %dma_start3A_96 = arith.constant 157 : i32
    %dma_start3A_97 = arith.constant 0 : i32
    %dma_start3A_98 = tpu.memref_slice %arg7[%dma_start3A_96, %dma_start3A_97] : memref<160x125xi32, #tpu.memory_space<vmem>> -> memref<1x125xi32, #tpu.memory_space<vmem>>
    %dma_start3A_99 = tpu.memref_squeeze %dma_start3A_98 : memref<1x125xi32, #tpu.memory_space<vmem>> -> memref<125xi32, #tpu.memory_space<vmem>>
    %dma_start3A_100 = arith.constant 0 : i32
    %dma_start3A_101 = arith.constant 0 : i32
    %dma_start3A_102 = tpu.memref_slice %arg14[%dma_start3A_100, %dma_start3A_101] : memref<10000x64xf32, #tpu.memory_space<vmem_shared>> -> memref<10000x64xf32, #tpu.memory_space<vmem_shared>>
    tpu.enqueue_indirect_dma source(%arg10 : memref<125x64xf32, #tpu.memory_space<vmem>>) target(%dma_start3A_102 : memref<10000x64xf32, #tpu.memory_space<vmem_shared>>) offsets(%dma_start3A_99 : memref<125xi32, #tpu.memory_space<vmem>>) semaphore(%arg22 : memref<!tpu.dma_semaphore, #tpu.memory_space<semaphore_mem>>) {add = true}
    %dma_wait3A_103 = arith.constant 158 : i32
    %dma_wait3A_104 = arith.constant 0 : i32
    %dma_wait3A_105 = tpu.memref_slice %arg6[%dma_wait3A_103, %dma_wait3A_104] : memref<160x125xi32, #tpu.memory_space<vmem>> -> memref<1x125xi32, #tpu.memory_space<vmem>>
    %dma_wait3A_106 = tpu.memref_squeeze %dma_wait3A_105 : memref<1x125xi32, #tpu.memory_space<vmem>> -> memref<125xi32, #tpu.memory_space<vmem>>
    %dma_wait3A_107 = arith.constant 0 : i32
    %dma_wait3A_108 = arith.constant 0 : i32
    %dma_wait3A_109 = tpu.memref_slice %arg2[%dma_wait3A_107, %dma_wait3A_108] : memref<20000x64xf32, #tpu.memory_space<hbm>> -> memref<20000x64xf32, #tpu.memory_space<hbm>>
    tpu.wait_indirect_dma semaphore(%arg18 : memref<!tpu.dma_semaphore, #tpu.memory_space<semaphore_mem>>) src(%dma_wait3A_109 : memref<20000x64xf32, #tpu.memory_space<hbm>>) dst(%arg11 : memref<125x64xf32, #tpu.memory_space<vmem>>)
    %dma_start3A_110 = arith.constant 158 : i32
    %dma_start3A_111 = arith.constant 0 : i32
    %dma_start3A_112 = tpu.memref_slice %arg7[%dma_start3A_110, %dma_start3A_111] : memref<160x125xi32, #tpu.memory_space<vmem>> -> memref<1x125xi32, #tpu.memory_space<vmem>>
    %dma_start3A_113 = tpu.memref_squeeze %dma_start3A_112 : memref<1x125xi32, #tpu.memory_space<vmem>> -> memref<125xi32, #tpu.memory_space<vmem>>
    %dma_start3A_114 = arith.constant 0 : i32
    %dma_start3A_115 = arith.constant 0 : i32
    %dma_start3A_116 = tpu.memref_slice %arg14[%dma_start3A_114, %dma_start3A_115] : memref<10000x64xf32, #tpu.memory_space<vmem_shared>> -> memref<10000x64xf32, #tpu.memory_space<vmem_shared>>
    tpu.enqueue_indirect_dma source(%arg11 : memref<125x64xf32, #tpu.memory_space<vmem>>) target(%dma_start3A_116 : memref<10000x64xf32, #tpu.memory_space<vmem_shared>>) offsets(%dma_start3A_113 : memref<125xi32, #tpu.memory_space<vmem>>) semaphore(%arg23 : memref<!tpu.dma_semaphore, #tpu.memory_space<semaphore_mem>>) {add = true}
    %dma_wait3A_117 = arith.constant 159 : i32
    %dma_wait3A_118 = arith.constant 0 : i32
    %dma_wait3A_119 = tpu.memref_slice %arg6[%dma_wait3A_117, %dma_wait3A_118] : memref<160x125xi32, #tpu.memory_space<vmem>> -> memref<1x125xi32, #tpu.memory_space<vmem>>
    %dma_wait3A_120 = tpu.memref_squeeze %dma_wait3A_119 : memref<1x125xi32, #tpu.memory_space<vmem>> -> memref<125xi32, #tpu.memory_space<vmem>>
    %dma_wait3A_121 = arith.constant 0 : i32
    %dma_wait3A_122 = arith.constant 0 : i32
    %dma_wait3A_123 = tpu.memref_slice %arg2[%dma_wait3A_121, %dma_wait3A_122] : memref<20000x64xf32, #tpu.memory_space<hbm>> -> memref<20000x64xf32, #tpu.memory_space<hbm>>
    tpu.wait_indirect_dma semaphore(%arg19 : memref<!tpu.dma_semaphore, #tpu.memory_space<semaphore_mem>>) src(%dma_wait3A_123 : memref<20000x64xf32, #tpu.memory_space<hbm>>) dst(%arg12 : memref<125x64xf32, #tpu.memory_space<vmem>>)
    %dma_start3A_124 = arith.constant 159 : i32
    %dma_start3A_125 = arith.constant 0 : i32
    %dma_start3A_126 = tpu.memref_slice %arg7[%dma_start3A_124, %dma_start3A_125] : memref<160x125xi32, #tpu.memory_space<vmem>> -> memref<1x125xi32, #tpu.memory_space<vmem>>
    %dma_start3A_127 = tpu.memref_squeeze %dma_start3A_126 : memref<1x125xi32, #tpu.memory_space<vmem>> -> memref<125xi32, #tpu.memory_space<vmem>>
    %dma_start3A_128 = arith.constant 0 : i32
    %dma_start3A_129 = arith.constant 0 : i32
    %dma_start3A_130 = tpu.memref_slice %arg14[%dma_start3A_128, %dma_start3A_129] : memref<10000x64xf32, #tpu.memory_space<vmem_shared>> -> memref<10000x64xf32, #tpu.memory_space<vmem_shared>>
    tpu.enqueue_indirect_dma source(%arg12 : memref<125x64xf32, #tpu.memory_space<vmem>>) target(%dma_start3A_130 : memref<10000x64xf32, #tpu.memory_space<vmem_shared>>) offsets(%dma_start3A_127 : memref<125xi32, #tpu.memory_space<vmem>>) semaphore(%arg24 : memref<!tpu.dma_semaphore, #tpu.memory_space<semaphore_mem>>) {add = true}
    %dma_wait3A_131 = arith.constant 155 : i32
    %dma_wait3A_132 = arith.constant 0 : i32
    %dma_wait3A_133 = tpu.memref_slice %arg7[%dma_wait3A_131, %dma_wait3A_132] : memref<160x125xi32, #tpu.memory_space<vmem>> -> memref<1x125xi32, #tpu.memory_space<vmem>>
    %dma_wait3A_134 = tpu.memref_squeeze %dma_wait3A_133 : memref<1x125xi32, #tpu.memory_space<vmem>> -> memref<125xi32, #tpu.memory_space<vmem>>
    %dma_wait3A_135 = arith.constant 0 : i32
    %dma_wait3A_136 = arith.constant 0 : i32
    %dma_wait3A_137 = tpu.memref_slice %arg14[%dma_wait3A_135, %dma_wait3A_136] : memref<10000x64xf32, #tpu.memory_space<vmem_shared>> -> memref<10000x64xf32, #tpu.memory_space<vmem_shared>>
    tpu.wait_indirect_dma semaphore(%arg20 : memref<!tpu.dma_semaphore, #tpu.memory_space<semaphore_mem>>) src(%arg8 : memref<125x64xf32, #tpu.memory_space<vmem>>) dst(%dma_wait3A_137 : memref<10000x64xf32, #tpu.memory_space<vmem_shared>>)
    %dma_wait3A_138 = arith.constant 156 : i32
    %dma_wait3A_139 = arith.constant 0 : i32
    %dma_wait3A_140 = tpu.memref_slice %arg7[%dma_wait3A_138, %dma_wait3A_139] : memref<160x125xi32, #tpu.memory_space<vmem>> -> memref<1x125xi32, #tpu.memory_space<vmem>>
    %dma_wait3A_141 = tpu.memref_squeeze %dma_wait3A_140 : memref<1x125xi32, #tpu.memory_space<vmem>> -> memref<125xi32, #tpu.memory_space<vmem>>
    %dma_wait3A_142 = arith.constant 0 : i32
    %dma_wait3A_143 = arith.constant 0 : i32
    %dma_wait3A_144 = tpu.memref_slice %arg14[%dma_wait3A_142, %dma_wait3A_143] : memref<10000x64xf32, #tpu.memory_space<vmem_shared>> -> memref<10000x64xf32, #tpu.memory_space<vmem_shared>>
    tpu.wait_indirect_dma semaphore(%arg21 : memref<!tpu.dma_semaphore, #tpu.memory_space<semaphore_mem>>) src(%arg9 : memref<125x64xf32, #tpu.memory_space<vmem>>) dst(%dma_wait3A_144 : memref<10000x64xf32, #tpu.memory_space<vmem_shared>>)
    %dma_wait3A_145 = arith.constant 157 : i32
    %dma_wait3A_146 = arith.constant 0 : i32
    %dma_wait3A_147 = tpu.memref_slice %arg7[%dma_wait3A_145, %dma_wait3A_146] : memref<160x125xi32, #tpu.memory_space<vmem>> -> memref<1x125xi32, #tpu.memory_space<vmem>>
    %dma_wait3A_148 = tpu.memref_squeeze %dma_wait3A_147 : memref<1x125xi32, #tpu.memory_space<vmem>> -> memref<125xi32, #tpu.memory_space<vmem>>
    %dma_wait3A_149 = arith.constant 0 : i32
    %dma_wait3A_150 = arith.constant 0 : i32
    %dma_wait3A_151 = tpu.memref_slice %arg14[%dma_wait3A_149, %dma_wait3A_150] : memref<10000x64xf32, #tpu.memory_space<vmem_shared>> -> memref<10000x64xf32, #tpu.memory_space<vmem_shared>>
    tpu.wait_indirect_dma semaphore(%arg22 : memref<!tpu.dma_semaphore, #tpu.memory_space<semaphore_mem>>) src(%arg10 : memref<125x64xf32, #tpu.memory_space<vmem>>) dst(%dma_wait3A_151 : memref<10000x64xf32, #tpu.memory_space<vmem_shared>>)
    %dma_wait3A_152 = arith.constant 158 : i32
    %dma_wait3A_153 = arith.constant 0 : i32
    %dma_wait3A_154 = tpu.memref_slice %arg7[%dma_wait3A_152, %dma_wait3A_153] : memref<160x125xi32, #tpu.memory_space<vmem>> -> memref<1x125xi32, #tpu.memory_space<vmem>>
    %dma_wait3A_155 = tpu.memref_squeeze %dma_wait3A_154 : memref<1x125xi32, #tpu.memory_space<vmem>> -> memref<125xi32, #tpu.memory_space<vmem>>
    %dma_wait3A_156 = arith.constant 0 : i32
    %dma_wait3A_157 = arith.constant 0 : i32
    %dma_wait3A_158 = tpu.memref_slice %arg14[%dma_wait3A_156, %dma_wait3A_157] : memref<10000x64xf32, #tpu.memory_space<vmem_shared>> -> memref<10000x64xf32, #tpu.memory_space<vmem_shared>>
    tpu.wait_indirect_dma semaphore(%arg23 : memref<!tpu.dma_semaphore, #tpu.memory_space<semaphore_mem>>) src(%arg11 : memref<125x64xf32, #tpu.memory_space<vmem>>) dst(%dma_wait3A_158 : memref<10000x64xf32, #tpu.memory_space<vmem_shared>>)
    %dma_wait3A_159 = arith.constant 159 : i32
    %dma_wait3A_160 = arith.constant 0 : i32
    %dma_wait3A_161 = tpu.memref_slice %arg7[%dma_wait3A_159, %dma_wait3A_160] : memref<160x125xi32, #tpu.memory_space<vmem>> -> memref<1x125xi32, #tpu.memory_space<vmem>>
    %dma_wait3A_162 = tpu.memref_squeeze %dma_wait3A_161 : memref<1x125xi32, #tpu.memory_space<vmem>> -> memref<125xi32, #tpu.memory_space<vmem>>
    %dma_wait3A_163 = arith.constant 0 : i32
    %dma_wait3A_164 = arith.constant 0 : i32
    %dma_wait3A_165 = tpu.memref_slice %arg14[%dma_wait3A_163, %dma_wait3A_164] : memref<10000x64xf32, #tpu.memory_space<vmem_shared>> -> memref<10000x64xf32, #tpu.memory_space<vmem_shared>>
    tpu.wait_indirect_dma semaphore(%arg24 : memref<!tpu.dma_semaphore, #tpu.memory_space<semaphore_mem>>) src(%arg12 : memref<125x64xf32, #tpu.memory_space<vmem>>) dst(%dma_wait3A_165 : memref<10000x64xf32, #tpu.memory_space<vmem_shared>>)
    %barrier3A_166 = arith.constant 0 : index
    tpu.barrier barrier_id(%barrier3A_166)
    %while3A_167 = arith.constant 0 : i32
    %while3A_168 = arith.constant 0 : i32
    %while3A_169 = arith.subi %select_n3A, %while3A_168 : i32
    %while3A_170 = arith.addi %while3A_168, %while3A_169 : i32
    %while3A_171 = arith.constant 1 : i32
    %while3A_172 = arith.divsi %while3A_169, %while3A_171 : i32
    %while3A_173 = arith.muli %while3A_172, %while3A_171 : i32
    %while3A_174 = arith.addi %while3A_168, %while3A_173 : i32
    %while3A_175 = arith.constant 1 : i32
    scf.for %while3A_177 = %while3A_168 to %while3A_174 step %while3A_175  : i32 {
      %mul3A_178 = arith.constant 80 : i32
      %mul3A_179 = arith.muli %while3A_177, %mul3A_178 : i32
      %add3A_180 = arith.addi %mul3A_5, %mul3A_179 : i32
      %mul3A_181 = arith.constant 10000 : i32
      %mul3A_182 = arith.muli %arg0, %mul3A_181 : i32
      %add3A_183 = arith.addi %mul3A_182, %mul3A_5 : i32
      %mul3A_184 = arith.constant 80 : i32
      %mul3A_185 = arith.muli %while3A_177, %mul3A_184 : i32
      %add3A_186 = arith.addi %add3A_183, %mul3A_185 : i32
      "tpu.region"() ({
        %run_scoped3A = tpu.sem_alloc : memref<!tpu.dma_semaphore, #tpu.memory_space<semaphore_mem>>
        %dma_start3A_187 = arith.constant 0 : i32
        %dma_start3A_188 = tpu.memref_slice %arg5[%add3A_186, %dma_start3A_187] : memref<20000x64xf32, #tpu.memory_space<hbm>> -> memref<80x64xf32, #tpu.memory_space<hbm>>
        %dma_start3A_189 = arith.constant 0 : i32
        %dma_start3A_190 = tpu.memref_slice %arg14[%add3A_180, %dma_start3A_189] : memref<10000x64xf32, #tpu.memory_space<vmem_shared>> -> memref<80x64xf32, #tpu.memory_space<vmem_shared>>
        tpu.enqueue_dma source(%dma_start3A_190 : memref<80x64xf32, #tpu.memory_space<vmem_shared>>) target(%dma_start3A_188 : memref<80x64xf32, #tpu.memory_space<hbm>>) target_semaphore(%run_scoped3A : memref<!tpu.dma_semaphore, #tpu.memory_space<semaphore_mem>>)
        %dma_wait3A_191 = arith.constant 0 : i32
        %dma_wait3A_192 = tpu.memref_slice %arg5[%add3A_186, %dma_wait3A_191] : memref<20000x64xf32, #tpu.memory_space<hbm>> -> memref<80x64xf32, #tpu.memory_space<hbm>>
        %dma_wait3A_193 = arith.constant 0 : i32
        %dma_wait3A_194 = tpu.memref_slice %arg14[%add3A_180, %dma_wait3A_193] : memref<10000x64xf32, #tpu.memory_space<vmem_shared>> -> memref<80x64xf32, #tpu.memory_space<vmem_shared>>
        tpu.wait_dma2 semaphore(%run_scoped3A : memref<!tpu.dma_semaphore, #tpu.memory_space<semaphore_mem>>) src(%dma_wait3A_194 : memref<80x64xf32, #tpu.memory_space<vmem_shared>>) dst(%dma_wait3A_192 : memref<80x64xf32, #tpu.memory_space<hbm>>)
        tpu.yield
      }) : () -> ()
    }
    %while3A_176 = arith.constant 1 : i32
    scf.for %while3A_177 = %while3A_174 to %while3A_170 step %while3A_176  : i32 {
      %mul3A_178 = arith.constant 80 : i32
      %mul3A_179 = arith.muli %while3A_177, %mul3A_178 : i32
      %add3A_180 = arith.addi %mul3A_5, %mul3A_179 : i32
      %mul3A_181 = arith.constant 10000 : i32
      %mul3A_182 = arith.muli %arg0, %mul3A_181 : i32
      %add3A_183 = arith.addi %mul3A_182, %mul3A_5 : i32
      %mul3A_184 = arith.constant 80 : i32
      %mul3A_185 = arith.muli %while3A_177, %mul3A_184 : i32
      %add3A_186 = arith.addi %add3A_183, %mul3A_185 : i32
      "tpu.region"() ({
        %run_scoped3A = tpu.sem_alloc : memref<!tpu.dma_semaphore, #tpu.memory_space<semaphore_mem>>
        %dma_start3A_187 = arith.constant 0 : i32
        %dma_start3A_188 = tpu.memref_slice %arg5[%add3A_186, %dma_start3A_187] : memref<20000x64xf32, #tpu.memory_space<hbm>> -> memref<80x64xf32, #tpu.memory_space<hbm>>
        %dma_start3A_189 = arith.constant 0 : i32
        %dma_start3A_190 = tpu.memref_slice %arg14[%add3A_180, %dma_start3A_189] : memref<10000x64xf32, #tpu.memory_space<vmem_shared>> -> memref<80x64xf32, #tpu.memory_space<vmem_shared>>
        tpu.enqueue_dma source(%dma_start3A_190 : memref<80x64xf32, #tpu.memory_space<vmem_shared>>) target(%dma_start3A_188 : memref<80x64xf32, #tpu.memory_space<hbm>>) target_semaphore(%run_scoped3A : memref<!tpu.dma_semaphore, #tpu.memory_space<semaphore_mem>>)
        %dma_wait3A_191 = arith.constant 0 : i32
        %dma_wait3A_192 = tpu.memref_slice %arg5[%add3A_186, %dma_wait3A_191] : memref<20000x64xf32, #tpu.memory_space<hbm>> -> memref<80x64xf32, #tpu.memory_space<hbm>>
        %dma_wait3A_193 = arith.constant 0 : i32
        %dma_wait3A_194 = tpu.memref_slice %arg14[%add3A_180, %dma_wait3A_193] : memref<10000x64xf32, #tpu.memory_space<vmem_shared>> -> memref<80x64xf32, #tpu.memory_space<vmem_shared>>
        tpu.wait_dma2 semaphore(%run_scoped3A : memref<!tpu.dma_semaphore, #tpu.memory_space<semaphore_mem>>) src(%dma_wait3A_194 : memref<80x64xf32, #tpu.memory_space<vmem_shared>>) dst(%dma_wait3A_192 : memref<80x64xf32, #tpu.memory_space<hbm>>)
        tpu.yield
      }) : () -> ()
    }
    return
  }
}

#map = affine_map<(d0, d1) -> (0)>
#map1 = affine_map<(d0, d1) -> (0, 0)>
module attributes {stable_mosaic.version = 14 : i64} {
  func.func @k(%arg0: i32, %arg1: i32, %arg2: memref<10000xf32, #tpu.memory_space<hbm>>, %arg3: memref<4096x80xi32, #tpu.memory_space<hbm>>, %arg4: memref<4096x80xi32, #tpu.memory_space<hbm>>, %arg5: memref<20000x16xf32, #tpu.memory_space<hbm>>, %arg6: memref<128x80xi32, #tpu.memory_space<vmem>>, %arg7: memref<128x80xi32, #tpu.memory_space<vmem>>, %arg8: memref<10000xf32, #tpu.memory_space<vmem>>, %arg9: memref<80x16xf32, #tpu.memory_space<vmem>>, %arg10: memref<80x16xf32, #tpu.memory_space<vmem>>, %arg11: memref<80x16xf32, #tpu.memory_space<vmem>>, %arg12: memref<10000x16xf32, #tpu.memory_space<vmem_shared>>, %arg13: memref<!tpu.dma_semaphore, #tpu.memory_space<semaphore_mem>>, %arg14: memref<!tpu.dma_semaphore, #tpu.memory_space<semaphore_mem>>) attributes {dimension_semantics = [#tpu.dimension_semantics<core_parallel>, #tpu.dimension_semantics<subcore_parallel>], iteration_bounds = array<i64: 2, 16>, scalar_prefetch = 0 : i64, scratch_operands = 9 : i64, tpu.core_type = #tpu.core_type<sc_vector_subcore>, window_params = [{transform_indices = #map}, {transform_indices = #map1}, {transform_indices = #map1}, {transform_indices = #map1}]} {
    %broadcast_in_dim3A = arith.constant 0.000000e+00 : f32
    %broadcast_in_dim3A_0 = vector.broadcast %broadcast_in_dim3A : f32 to vector<16xf32>
    %iota3A = tpu.iota {dimensions = array<i32: 0>} : vector<16xi32>
    %broadcast_in_dim3A_1 = arith.constant 0 : i32
    %broadcast_in_dim3A_2 = vector.broadcast %broadcast_in_dim3A_1 : i32 to vector<16xi32>
    %scan3A = arith.constant 0 : i32
    %scan3A_3 = arith.constant 80 : i32
    %scan3A_4 = arith.addi %scan3A, %scan3A_3 : i32
    %scan3A_5 = arith.constant 1 : i32
    scf.for %scan3A_85 = %scan3A to %scan3A_4 step %scan3A_5  : i32 {
      %mul3A_86 = arith.constant 1 : i32
      %mul3A_87 = arith.muli %scan3A_85, %mul3A_86 : i32
      %add3A_88 = arith.constant 0 : i32
      %add3A_89 = arith.addi %add3A_88, %mul3A_87 : i32
      %swap3A = arith.index_cast %add3A_89 : i32 to index
      %swap3A_90 = arith.constant 0 : index
      %swap3A_91 = tpu.vector_load %arg11[%swap3A, %swap3A_90] {strides = array<i32>} : memref<80x16xf32, #tpu.memory_space<vmem>>, vector<16xf32>,
      tpu.vector_store %arg11[%swap3A, %swap3A_90], %broadcast_in_dim3A_0 {strides = array<i32>} : memref<80x16xf32, #tpu.memory_space<vmem>>, vector<16xf32>,
    }
    %scan3A_6 = arith.constant 80 : i32
    %scan3A_7 = arith.constant 0 : i32
    %scan3A_8 = arith.constant 80 : i32
    %scan3A_9 = arith.addi %scan3A_7, %scan3A_8 : i32
    %scan3A_10 = arith.constant 1 : i32
    scf.for %scan3A_85 = %scan3A_7 to %scan3A_9 step %scan3A_10  : i32 {
      %mul3A_86 = arith.constant 1 : i32
      %mul3A_87 = arith.muli %scan3A_85, %mul3A_86 : i32
      %add3A_88 = arith.constant 0 : i32
      %add3A_89 = arith.addi %add3A_88, %mul3A_87 : i32
      %swap3A = arith.index_cast %add3A_89 : i32 to index
      %swap3A_90 = arith.constant 0 : index
      %swap3A_91 = tpu.vector_load %arg9[%swap3A, %swap3A_90] {strides = array<i32>} : memref<80x16xf32, #tpu.memory_space<vmem>>, vector<16xf32>,
      tpu.vector_store %arg9[%swap3A, %swap3A_90], %broadcast_in_dim3A_0 {strides = array<i32>} : memref<80x16xf32, #tpu.memory_space<vmem>>, vector<16xf32>,
      %swap3A_92 = arith.index_cast %add3A_89 : i32 to index
      %swap3A_93 = arith.constant 0 : index
      %swap3A_94 = tpu.vector_load %arg10[%swap3A_92, %swap3A_93] {strides = array<i32>} : memref<80x16xf32, #tpu.memory_space<vmem>>, vector<16xf32>,
      tpu.vector_store %arg10[%swap3A_92, %swap3A_93], %broadcast_in_dim3A_0 {strides = array<i32>} : memref<80x16xf32, #tpu.memory_space<vmem>>, vector<16xf32>,
    }
    %scan3A_11 = arith.constant 80 : i32
    %mul3A = arith.constant 640 : i32
    %mul3A_12 = arith.muli %arg1, %mul3A : i32
    %eq3A = arith.constant 15 : i32
    %eq3A_13 = arith.cmpi eq, %arg1, %eq3A : i32
    %jit3A = arith.constant 5 : i32
    %jit3A_14 = arith.constant 8 : i32
    %select_n3A = arith.select %eq3A_13, %jit3A, %jit3A_14 : i32
    %while3A = arith.constant 0 : i32
    %while3A_15 = arith.constant 0 : i32
    %while3A_16 = arith.subi %select_n3A, %while3A_15 : i32
    %while3A_17 = arith.addi %while3A_15, %while3A_16 : i32
    %while3A_18 = arith.constant 1 : i32
    %while3A_19 = arith.divsi %while3A_16, %while3A_18 : i32
    %while3A_20 = arith.muli %while3A_19, %while3A_18 : i32
    %while3A_21 = arith.addi %while3A_15, %while3A_20 : i32
    %while3A_22 = arith.constant 1 : i32
    scf.for %while3A_85 = %while3A_15 to %while3A_21 step %while3A_22  : i32 {
      %mul3A_86 = arith.constant 80 : i32
      %mul3A_87 = arith.muli %while3A_85, %mul3A_86 : i32
      %add3A_88 = arith.addi %mul3A_12, %mul3A_87 : i32
      "tpu.region"() ({
        %run_scoped3A = tpu.sem_alloc : memref<!tpu.dma_semaphore, #tpu.memory_space<semaphore_mem>>
        %dma_start3A_89 = arith.constant 0 : i32
        %dma_start3A_90 = tpu.memref_slice %arg12[%add3A_88, %dma_start3A_89] : memref<10000x16xf32, #tpu.memory_space<vmem_shared>> -> memref<80x16xf32, #tpu.memory_space<vmem_shared>>
        %dma_start3A_91 = arith.constant 0 : i32
        %dma_start3A_92 = tpu.memref_slice %arg12[%add3A_88, %dma_start3A_91] : memref<10000x16xf32, #tpu.memory_space<vmem_shared>> -> memref<80x16xf32, #tpu.memory_space<vmem_shared>>
        tpu.enqueue_dma source(%arg11 : memref<80x16xf32, #tpu.memory_space<vmem>>) target(%dma_start3A_92 : memref<80x16xf32, #tpu.memory_space<vmem_shared>>) target_semaphore(%run_scoped3A : memref<!tpu.dma_semaphore, #tpu.memory_space<semaphore_mem>>)
        %dma_wait3A_93 = arith.constant 0 : i32
        %dma_wait3A_94 = tpu.memref_slice %arg12[%add3A_88, %dma_wait3A_93] : memref<10000x16xf32, #tpu.memory_space<vmem_shared>> -> memref<80x16xf32, #tpu.memory_space<vmem_shared>>
        %dma_wait3A_95 = arith.constant 0 : i32
        %dma_wait3A_96 = tpu.memref_slice %arg12[%add3A_88, %dma_wait3A_95] : memref<10000x16xf32, #tpu.memory_space<vmem_shared>> -> memref<80x16xf32, #tpu.memory_space<vmem_shared>>
        tpu.wait_dma2 semaphore(%run_scoped3A : memref<!tpu.dma_semaphore, #tpu.memory_space<semaphore_mem>>) src(%arg11 : memref<80x16xf32, #tpu.memory_space<vmem>>) dst(%dma_wait3A_96 : memref<80x16xf32, #tpu.memory_space<vmem_shared>>)
        tpu.yield
      }) : () -> ()
    }
    %while3A_23 = arith.constant 1 : i32
    scf.for %while3A_85 = %while3A_21 to %while3A_17 step %while3A_23  : i32 {
      %mul3A_86 = arith.constant 80 : i32
      %mul3A_87 = arith.muli %while3A_85, %mul3A_86 : i32
      %add3A_88 = arith.addi %mul3A_12, %mul3A_87 : i32
      "tpu.region"() ({
        %run_scoped3A = tpu.sem_alloc : memref<!tpu.dma_semaphore, #tpu.memory_space<semaphore_mem>>
        %dma_start3A_89 = arith.constant 0 : i32
        %dma_start3A_90 = tpu.memref_slice %arg12[%add3A_88, %dma_start3A_89] : memref<10000x16xf32, #tpu.memory_space<vmem_shared>> -> memref<80x16xf32, #tpu.memory_space<vmem_shared>>
        %dma_start3A_91 = arith.constant 0 : i32
        %dma_start3A_92 = tpu.memref_slice %arg12[%add3A_88, %dma_start3A_91] : memref<10000x16xf32, #tpu.memory_space<vmem_shared>> -> memref<80x16xf32, #tpu.memory_space<vmem_shared>>
        tpu.enqueue_dma source(%arg11 : memref<80x16xf32, #tpu.memory_space<vmem>>) target(%dma_start3A_92 : memref<80x16xf32, #tpu.memory_space<vmem_shared>>) target_semaphore(%run_scoped3A : memref<!tpu.dma_semaphore, #tpu.memory_space<semaphore_mem>>)
        %dma_wait3A_93 = arith.constant 0 : i32
        %dma_wait3A_94 = tpu.memref_slice %arg12[%add3A_88, %dma_wait3A_93] : memref<10000x16xf32, #tpu.memory_space<vmem_shared>> -> memref<80x16xf32, #tpu.memory_space<vmem_shared>>
        %dma_wait3A_95 = arith.constant 0 : i32
        %dma_wait3A_96 = tpu.memref_slice %arg12[%add3A_88, %dma_wait3A_95] : memref<10000x16xf32, #tpu.memory_space<vmem_shared>> -> memref<80x16xf32, #tpu.memory_space<vmem_shared>>
        tpu.wait_dma2 semaphore(%run_scoped3A : memref<!tpu.dma_semaphore, #tpu.memory_space<semaphore_mem>>) src(%arg11 : memref<80x16xf32, #tpu.memory_space<vmem>>) dst(%dma_wait3A_96 : memref<80x16xf32, #tpu.memory_space<vmem_shared>>)
        tpu.yield
      }) : () -> ()
    }
    "tpu.region"() ({
      %run_scoped3A = tpu.sem_alloc : memref<!tpu.dma_semaphore, #tpu.memory_space<semaphore_mem>>
      tpu.enqueue_dma source(%arg2 : memref<10000xf32, #tpu.memory_space<hbm>>) target(%arg8 : memref<10000xf32, #tpu.memory_space<vmem>>) target_semaphore(%run_scoped3A : memref<!tpu.dma_semaphore, #tpu.memory_space<semaphore_mem>>)
      tpu.wait_dma2 semaphore(%run_scoped3A : memref<!tpu.dma_semaphore, #tpu.memory_space<semaphore_mem>>) src(%arg2 : memref<10000xf32, #tpu.memory_space<hbm>>) dst(%arg8 : memref<10000xf32, #tpu.memory_space<vmem>>)
      tpu.yield
    }) : () -> ()
    %mul3A_24 = arith.constant 16 : i32
    %mul3A_25 = arith.muli %arg0, %mul3A_24 : i32
    %add3A = arith.addi %mul3A_25, %arg1 : i32
    %mul3A_26 = arith.constant 128 : i32
    %mul3A_27 = arith.muli %add3A, %mul3A_26 : i32
    "tpu.region"() ({
      %run_scoped3A = tpu.sem_alloc : memref<!tpu.dma_semaphore, #tpu.memory_space<semaphore_mem>>
      %dma_start3A_85 = arith.constant 0 : i32
      %dma_start3A_86 = tpu.memref_slice %arg3[%mul3A_27, %dma_start3A_85] : memref<4096x80xi32, #tpu.memory_space<hbm>> -> memref<128x80xi32, #tpu.memory_space<hbm>>
      %dma_start3A_87 = arith.constant 0 : i32
      %dma_start3A_88 = tpu.memref_slice %arg3[%mul3A_27, %dma_start3A_87] : memref<4096x80xi32, #tpu.memory_space<hbm>> -> memref<128x80xi32, #tpu.memory_space<hbm>>
      tpu.enqueue_dma source(%dma_start3A_88 : memref<128x80xi32, #tpu.memory_space<hbm>>) target(%arg6 : memref<128x80xi32, #tpu.memory_space<vmem>>) target_semaphore(%run_scoped3A : memref<!tpu.dma_semaphore, #tpu.memory_space<semaphore_mem>>)
      %dma_wait3A_89 = arith.constant 0 : i32
      %dma_wait3A_90 = tpu.memref_slice %arg3[%mul3A_27, %dma_wait3A_89] : memref<4096x80xi32, #tpu.memory_space<hbm>> -> memref<128x80xi32, #tpu.memory_space<hbm>>
      %dma_wait3A_91 = arith.constant 0 : i32
      %dma_wait3A_92 = tpu.memref_slice %arg3[%mul3A_27, %dma_wait3A_91] : memref<4096x80xi32, #tpu.memory_space<hbm>> -> memref<128x80xi32, #tpu.memory_space<hbm>>
      tpu.wait_dma2 semaphore(%run_scoped3A : memref<!tpu.dma_semaphore, #tpu.memory_space<semaphore_mem>>) src(%dma_wait3A_92 : memref<128x80xi32, #tpu.memory_space<hbm>>) dst(%arg6 : memref<128x80xi32, #tpu.memory_space<vmem>>)
      tpu.yield
    }) : () -> ()
    %mul3A_28 = arith.constant 16 : i32
    %mul3A_29 = arith.muli %arg0, %mul3A_28 : i32
    %add3A_30 = arith.addi %mul3A_29, %arg1 : i32
    %mul3A_31 = arith.constant 128 : i32
    %mul3A_32 = arith.muli %add3A_30, %mul3A_31 : i32
    "tpu.region"() ({
      %run_scoped3A = tpu.sem_alloc : memref<!tpu.dma_semaphore, #tpu.memory_space<semaphore_mem>>
      %dma_start3A_85 = arith.constant 0 : i32
      %dma_start3A_86 = tpu.memref_slice %arg4[%mul3A_32, %dma_start3A_85] : memref<4096x80xi32, #tpu.memory_space<hbm>> -> memref<128x80xi32, #tpu.memory_space<hbm>>
      %dma_start3A_87 = arith.constant 0 : i32
      %dma_start3A_88 = tpu.memref_slice %arg4[%mul3A_32, %dma_start3A_87] : memref<4096x80xi32, #tpu.memory_space<hbm>> -> memref<128x80xi32, #tpu.memory_space<hbm>>
      tpu.enqueue_dma source(%dma_start3A_88 : memref<128x80xi32, #tpu.memory_space<hbm>>) target(%arg7 : memref<128x80xi32, #tpu.memory_space<vmem>>) target_semaphore(%run_scoped3A : memref<!tpu.dma_semaphore, #tpu.memory_space<semaphore_mem>>)
      %dma_wait3A_89 = arith.constant 0 : i32
      %dma_wait3A_90 = tpu.memref_slice %arg4[%mul3A_32, %dma_wait3A_89] : memref<4096x80xi32, #tpu.memory_space<hbm>> -> memref<128x80xi32, #tpu.memory_space<hbm>>
      %dma_wait3A_91 = arith.constant 0 : i32
      %dma_wait3A_92 = tpu.memref_slice %arg4[%mul3A_32, %dma_wait3A_91] : memref<4096x80xi32, #tpu.memory_space<hbm>> -> memref<128x80xi32, #tpu.memory_space<hbm>>
      tpu.wait_dma2 semaphore(%run_scoped3A : memref<!tpu.dma_semaphore, #tpu.memory_space<semaphore_mem>>) src(%dma_wait3A_92 : memref<128x80xi32, #tpu.memory_space<hbm>>) dst(%arg7 : memref<128x80xi32, #tpu.memory_space<vmem>>)
      tpu.yield
    }) : () -> ()
    %barrier3A = arith.constant 0 : index
    tpu.barrier barrier_id(%barrier3A)
    %scan3A_33 = arith.constant 0 : i32
    %scan3A_34 = arith.constant 5 : i32
    %scan3A_35 = arith.addi %scan3A_33, %scan3A_34 : i32
    %scan3A_36 = arith.constant 1 : i32
    scf.for %scan3A_85 = %scan3A_33 to %scan3A_35 step %scan3A_36  : i32 {
      %mul3A_86 = arith.constant 1 : i32
      %mul3A_87 = arith.muli %scan3A_85, %mul3A_86 : i32
      %add3A_88 = arith.constant 0 : i32
      %add3A_89 = arith.addi %add3A_88, %mul3A_87 : i32
      %mul3A_90 = arith.constant 16 : i32
      %mul3A_91 = arith.muli %add3A_89, %mul3A_90 : i32
      %get3A = arith.constant 0 : i32
      %get3A_92 = arith.index_cast %get3A : i32 to index
      %get3A_93 = arith.index_cast %mul3A_91 : i32 to index
      %get3A_94 = tpu.vector_load %arg6[%get3A_92, %get3A_93] {strides = array<i32>} : memref<128x80xi32, #tpu.memory_space<vmem>>, vector<16xi32>,
      %mul3A_95 = arith.constant 16 : i32
      %mul3A_96 = arith.muli %add3A_89, %mul3A_95 : i32
      %get3A_97 = arith.constant 0 : i32
      %get3A_98 = arith.index_cast %get3A_97 : i32 to index
      %get3A_99 = arith.index_cast %mul3A_96 : i32 to index
      %get3A_100 = tpu.vector_load %arg7[%get3A_98, %get3A_99] {strides = array<i32>} : memref<128x80xi32, #tpu.memory_space<vmem>>, vector<16xi32>,
      %gather3A = tpu.vector_load_idx %arg8[%get3A_94] : memref<10000xf32, #tpu.memory_space<vmem>>[vector<16xi32>], vector<16xf32>,
      %gather3A_101 = tpu.vector_load_idx %arg8[%get3A_100] : memref<10000xf32, #tpu.memory_space<vmem>>[vector<16xi32>], vector<16xf32>,
      %gt3A = arith.cmpf ogt, %gather3A, %gather3A_101 : vector<16xf32>
      %jit3A_102 = arith.constant 1.000000e+00 : f32
      %jit3A_103 = arith.constant 0.000000e+00 : f32
      %broadcast_in_dim3A_104 = vector.broadcast %jit3A_102 : f32 to vector<16xf32>
      %broadcast_in_dim3A_105 = vector.broadcast %jit3A_103 : f32 to vector<16xf32>
      %select_n3A_106 = arith.select %gt3A, %broadcast_in_dim3A_104, %broadcast_in_dim3A_105 : vector<16xi1>, vector<16xf32>
      %mul3A_107 = arith.constant 16 : i32
      %mul3A_108 = arith.muli %add3A_89, %mul3A_107 : i32
      %add3A_109 = vector.broadcast %mul3A_108 : i32 to vector<16xi32>
      %add3A_110 = arith.addi %add3A_109, %iota3A : vector<16xi32>
      tpu.vector_store_idx %arg9[%add3A_110, %broadcast_in_dim3A_2], %select_n3A_106 : memref<80x16xf32, #tpu.memory_space<vmem>>[vector<16xi32>, vector<16xi32>], vector<16xf32>,
    }
    %scan3A_37 = arith.constant 5 : i32
    %dma_start3A = arith.constant 0 : i32
    %dma_start3A_38 = arith.constant 0 : i32
    %dma_start3A_39 = tpu.memref_slice %arg7[%dma_start3A, %dma_start3A_38] : memref<128x80xi32, #tpu.memory_space<vmem>> -> memref<1x80xi32, #tpu.memory_space<vmem>>
    %dma_start3A_40 = tpu.memref_squeeze %dma_start3A_39 : memref<1x80xi32, #tpu.memory_space<vmem>> -> memref<80xi32, #tpu.memory_space<vmem>>
    %dma_start3A_41 = arith.constant 0 : i32
    %dma_start3A_42 = arith.constant 0 : i32
    %dma_start3A_43 = tpu.memref_slice %arg12[%dma_start3A_41, %dma_start3A_42] : memref<10000x16xf32, #tpu.memory_space<vmem_shared>> -> memref<10000x16xf32, #tpu.memory_space<vmem_shared>>
    tpu.enqueue_indirect_dma source(%arg9 : memref<80x16xf32, #tpu.memory_space<vmem>>) target(%dma_start3A_43 : memref<10000x16xf32, #tpu.memory_space<vmem_shared>>) offsets(%dma_start3A_40 : memref<80xi32, #tpu.memory_space<vmem>>) semaphore(%arg13 : memref<!tpu.dma_semaphore, #tpu.memory_space<semaphore_mem>>) {add = true}
    %scan3A_44 = arith.constant 0 : i32
    %scan3A_45 = arith.constant 5 : i32
    %scan3A_46 = arith.addi %scan3A_44, %scan3A_45 : i32
    %scan3A_47 = arith.constant 1 : i32
    scf.for %scan3A_85 = %scan3A_44 to %scan3A_46 step %scan3A_47  : i32 {
      %mul3A_86 = arith.constant 1 : i32
      %mul3A_87 = arith.muli %scan3A_85, %mul3A_86 : i32
      %add3A_88 = arith.constant 0 : i32
      %add3A_89 = arith.addi %add3A_88, %mul3A_87 : i32
      %mul3A_90 = arith.constant 16 : i32
      %mul3A_91 = arith.muli %add3A_89, %mul3A_90 : i32
      %get3A = arith.constant 1 : i32
      %get3A_92 = arith.index_cast %get3A : i32 to index
      %get3A_93 = arith.index_cast %mul3A_91 : i32 to index
      %get3A_94 = tpu.vector_load %arg6[%get3A_92, %get3A_93] {strides = array<i32>} : memref<128x80xi32, #tpu.memory_space<vmem>>, vector<16xi32>,
      %mul3A_95 = arith.constant 16 : i32
      %mul3A_96 = arith.muli %add3A_89, %mul3A_95 : i32
      %get3A_97 = arith.constant 1 : i32
      %get3A_98 = arith.index_cast %get3A_97 : i32 to index
      %get3A_99 = arith.index_cast %mul3A_96 : i32 to index
      %get3A_100 = tpu.vector_load %arg7[%get3A_98, %get3A_99] {strides = array<i32>} : memref<128x80xi32, #tpu.memory_space<vmem>>, vector<16xi32>,
      %gather3A = tpu.vector_load_idx %arg8[%get3A_94] : memref<10000xf32, #tpu.memory_space<vmem>>[vector<16xi32>], vector<16xf32>,
      %gather3A_101 = tpu.vector_load_idx %arg8[%get3A_100] : memref<10000xf32, #tpu.memory_space<vmem>>[vector<16xi32>], vector<16xf32>,
      %gt3A = arith.cmpf ogt, %gather3A, %gather3A_101 : vector<16xf32>
      %jit3A_102 = arith.constant 1.000000e+00 : f32
      %jit3A_103 = arith.constant 0.000000e+00 : f32
      %broadcast_in_dim3A_104 = vector.broadcast %jit3A_102 : f32 to vector<16xf32>
      %broadcast_in_dim3A_105 = vector.broadcast %jit3A_103 : f32 to vector<16xf32>
      %select_n3A_106 = arith.select %gt3A, %broadcast_in_dim3A_104, %broadcast_in_dim3A_105 : vector<16xi1>, vector<16xf32>
      %mul3A_107 = arith.constant 16 : i32
      %mul3A_108 = arith.muli %add3A_89, %mul3A_107 : i32
      %add3A_109 = vector.broadcast %mul3A_108 : i32 to vector<16xi32>
      %add3A_110 = arith.addi %add3A_109, %iota3A : vector<16xi32>
      tpu.vector_store_idx %arg10[%add3A_110, %broadcast_in_dim3A_2], %select_n3A_106 : memref<80x16xf32, #tpu.memory_space<vmem>>[vector<16xi32>, vector<16xi32>], vector<16xf32>,
    }
    %scan3A_48 = arith.constant 5 : i32
    %dma_start3A_49 = arith.constant 1 : i32
    %dma_start3A_50 = arith.constant 0 : i32
    %dma_start3A_51 = tpu.memref_slice %arg7[%dma_start3A_49, %dma_start3A_50] : memref<128x80xi32, #tpu.memory_space<vmem>> -> memref<1x80xi32, #tpu.memory_space<vmem>>
    %dma_start3A_52 = tpu.memref_squeeze %dma_start3A_51 : memref<1x80xi32, #tpu.memory_space<vmem>> -> memref<80xi32, #tpu.memory_space<vmem>>
    %dma_start3A_53 = arith.constant 0 : i32
    %dma_start3A_54 = arith.constant 0 : i32
    %dma_start3A_55 = tpu.memref_slice %arg12[%dma_start3A_53, %dma_start3A_54] : memref<10000x16xf32, #tpu.memory_space<vmem_shared>> -> memref<10000x16xf32, #tpu.memory_space<vmem_shared>>
    tpu.enqueue_indirect_dma source(%arg10 : memref<80x16xf32, #tpu.memory_space<vmem>>) target(%dma_start3A_55 : memref<10000x16xf32, #tpu.memory_space<vmem_shared>>) offsets(%dma_start3A_52 : memref<80xi32, #tpu.memory_space<vmem>>) semaphore(%arg14 : memref<!tpu.dma_semaphore, #tpu.memory_space<semaphore_mem>>) {add = true}
    %scan3A_56 = arith.constant 0 : i32
    %scan3A_57 = arith.constant 63 : i32
    %scan3A_58 = arith.addi %scan3A_56, %scan3A_57 : i32
    %scan3A_59 = arith.constant 1 : i32
    scf.for %scan3A_85 = %scan3A_56 to %scan3A_58 step %scan3A_59  : i32 {
      %mul3A_86 = arith.constant 2 : i32
      %mul3A_87 = arith.muli %scan3A_85, %mul3A_86 : i32
      %add3A_88 = arith.constant 2 : i32
      %add3A_89 = arith.addi %add3A_88, %mul3A_87 : i32
      %sub3A = arith.constant 2 : i32
      %sub3A_90 = arith.subi %add3A_89, %sub3A : i32
      %dma_wait3A_91 = arith.constant 0 : i32
      %dma_wait3A_92 = tpu.memref_slice %arg7[%sub3A_90, %dma_wait3A_91] : memref<128x80xi32, #tpu.memory_space<vmem>> -> memref<1x80xi32, #tpu.memory_space<vmem>>
      %dma_wait3A_93 = tpu.memref_squeeze %dma_wait3A_92 : memref<1x80xi32, #tpu.memory_space<vmem>> -> memref<80xi32, #tpu.memory_space<vmem>>
      %dma_wait3A_94 = arith.constant 0 : i32
      %dma_wait3A_95 = arith.constant 0 : i32
      %dma_wait3A_96 = tpu.memref_slice %arg12[%dma_wait3A_94, %dma_wait3A_95] : memref<10000x16xf32, #tpu.memory_space<vmem_shared>> -> memref<10000x16xf32, #tpu.memory_space<vmem_shared>>
      tpu.wait_indirect_dma semaphore(%arg13 : memref<!tpu.dma_semaphore, #tpu.memory_space<semaphore_mem>>) src(%arg9 : memref<80x16xf32, #tpu.memory_space<vmem>>) dst(%dma_wait3A_96 : memref<10000x16xf32, #tpu.memory_space<vmem_shared>>)
      %scan3A_97 = arith.constant 0 : i32
      %scan3A_98 = arith.constant 5 : i32
      %scan3A_99 = arith.addi %scan3A_97, %scan3A_98 : i32
      %scan3A_100 = arith.constant 1 : i32
      scf.for %scan3A_131 = %scan3A_97 to %scan3A_99 step %scan3A_100  : i32 {
        %mul3A_132 = arith.constant 1 : i32
        %mul3A_133 = arith.muli %scan3A_131, %mul3A_132 : i32
        %add3A_134 = arith.constant 0 : i32
        %add3A_135 = arith.addi %add3A_134, %mul3A_133 : i32
        %mul3A_136 = arith.constant 16 : i32
        %mul3A_137 = arith.muli %add3A_135, %mul3A_136 : i32
        %get3A = arith.index_cast %add3A_89 : i32 to index
        %get3A_138 = arith.index_cast %mul3A_137 : i32 to index
        %get3A_139 = tpu.vector_load %arg6[%get3A, %get3A_138] {strides = array<i32>} : memref<128x80xi32, #tpu.memory_space<vmem>>, vector<16xi32>,
        %mul3A_140 = arith.constant 16 : i32
        %mul3A_141 = arith.muli %add3A_135, %mul3A_140 : i32
        %get3A_142 = arith.index_cast %add3A_89 : i32 to index
        %get3A_143 = arith.index_cast %mul3A_141 : i32 to index
        %get3A_144 = tpu.vector_load %arg7[%get3A_142, %get3A_143] {strides = array<i32>} : memref<128x80xi32, #tpu.memory_space<vmem>>, vector<16xi32>,
        %gather3A = tpu.vector_load_idx %arg8[%get3A_139] : memref<10000xf32, #tpu.memory_space<vmem>>[vector<16xi32>], vector<16xf32>,
        %gather3A_145 = tpu.vector_load_idx %arg8[%get3A_144] : memref<10000xf32, #tpu.memory_space<vmem>>[vector<16xi32>], vector<16xf32>,
        %gt3A = arith.cmpf ogt, %gather3A, %gather3A_145 : vector<16xf32>
        %jit3A_146 = arith.constant 1.000000e+00 : f32
        %jit3A_147 = arith.constant 0.000000e+00 : f32
        %broadcast_in_dim3A_148 = vector.broadcast %jit3A_146 : f32 to vector<16xf32>
        %broadcast_in_dim3A_149 = vector.broadcast %jit3A_147 : f32 to vector<16xf32>
        %select_n3A_150 = arith.select %gt3A, %broadcast_in_dim3A_148, %broadcast_in_dim3A_149 : vector<16xi1>, vector<16xf32>
        %mul3A_151 = arith.constant 16 : i32
        %mul3A_152 = arith.muli %add3A_135, %mul3A_151 : i32
        %add3A_153 = vector.broadcast %mul3A_152 : i32 to vector<16xi32>
        %add3A_154 = arith.addi %add3A_153, %iota3A : vector<16xi32>
        tpu.vector_store_idx %arg9[%add3A_154, %broadcast_in_dim3A_2], %select_n3A_150 : memref<80x16xf32, #tpu.memory_space<vmem>>[vector<16xi32>, vector<16xi32>], vector<16xf32>,
      }
      %scan3A_101 = arith.constant 5 : i32
      %dma_start3A_102 = arith.constant 0 : i32
      %dma_start3A_103 = tpu.memref_slice %arg7[%add3A_89, %dma_start3A_102] : memref<128x80xi32, #tpu.memory_space<vmem>> -> memref<1x80xi32, #tpu.memory_space<vmem>>
      %dma_start3A_104 = tpu.memref_squeeze %dma_start3A_103 : memref<1x80xi32, #tpu.memory_space<vmem>> -> memref<80xi32, #tpu.memory_space<vmem>>
      %dma_start3A_105 = arith.constant 0 : i32
      %dma_start3A_106 = arith.constant 0 : i32
      %dma_start3A_107 = tpu.memref_slice %arg12[%dma_start3A_105, %dma_start3A_106] : memref<10000x16xf32, #tpu.memory_space<vmem_shared>> -> memref<10000x16xf32, #tpu.memory_space<vmem_shared>>
      tpu.enqueue_indirect_dma source(%arg9 : memref<80x16xf32, #tpu.memory_space<vmem>>) target(%dma_start3A_107 : memref<10000x16xf32, #tpu.memory_space<vmem_shared>>) offsets(%dma_start3A_104 : memref<80xi32, #tpu.memory_space<vmem>>) semaphore(%arg13 : memref<!tpu.dma_semaphore, #tpu.memory_space<semaphore_mem>>) {add = true}
      %sub3A_108 = arith.constant 1 : i32
      %sub3A_109 = arith.subi %add3A_89, %sub3A_108 : i32
      %dma_wait3A_110 = arith.constant 0 : i32
      %dma_wait3A_111 = tpu.memref_slice %arg7[%sub3A_109, %dma_wait3A_110] : memref<128x80xi32, #tpu.memory_space<vmem>> -> memref<1x80xi32, #tpu.memory_space<vmem>>
      %dma_wait3A_112 = tpu.memref_squeeze %dma_wait3A_111 : memref<1x80xi32, #tpu.memory_space<vmem>> -> memref<80xi32, #tpu.memory_space<vmem>>
      %dma_wait3A_113 = arith.constant 0 : i32
      %dma_wait3A_114 = arith.constant 0 : i32
      %dma_wait3A_115 = tpu.memref_slice %arg12[%dma_wait3A_113, %dma_wait3A_114] : memref<10000x16xf32, #tpu.memory_space<vmem_shared>> -> memref<10000x16xf32, #tpu.memory_space<vmem_shared>>
      tpu.wait_indirect_dma semaphore(%arg14 : memref<!tpu.dma_semaphore, #tpu.memory_space<semaphore_mem>>) src(%arg10 : memref<80x16xf32, #tpu.memory_space<vmem>>) dst(%dma_wait3A_115 : memref<10000x16xf32, #tpu.memory_space<vmem_shared>>)
      %add3A_116 = arith.constant 1 : i32
      %add3A_117 = arith.addi %add3A_89, %add3A_116 : i32
      %scan3A_118 = arith.constant 0 : i32
      %scan3A_119 = arith.constant 5 : i32
      %scan3A_120 = arith.addi %scan3A_118, %scan3A_119 : i32
      %scan3A_121 = arith.constant 1 : i32
      scf.for %scan3A_131 = %scan3A_118 to %scan3A_120 step %scan3A_121  : i32 {
        %mul3A_132 = arith.constant 1 : i32
        %mul3A_133 = arith.muli %scan3A_131, %mul3A_132 : i32
        %add3A_134 = arith.constant 0 : i32
        %add3A_135 = arith.addi %add3A_134, %mul3A_133 : i32
        %mul3A_136 = arith.constant 16 : i32
        %mul3A_137 = arith.muli %add3A_135, %mul3A_136 : i32
        %get3A = arith.index_cast %add3A_117 : i32 to index
        %get3A_138 = arith.index_cast %mul3A_137 : i32 to index
        %get3A_139 = tpu.vector_load %arg6[%get3A, %get3A_138] {strides = array<i32>} : memref<128x80xi32, #tpu.memory_space<vmem>>, vector<16xi32>,
        %mul3A_140 = arith.constant 16 : i32
        %mul3A_141 = arith.muli %add3A_135, %mul3A_140 : i32
        %get3A_142 = arith.index_cast %add3A_117 : i32 to index
        %get3A_143 = arith.index_cast %mul3A_141 : i32 to index
        %get3A_144 = tpu.vector_load %arg7[%get3A_142, %get3A_143] {strides = array<i32>} : memref<128x80xi32, #tpu.memory_space<vmem>>, vector<16xi32>,
        %gather3A = tpu.vector_load_idx %arg8[%get3A_139] : memref<10000xf32, #tpu.memory_space<vmem>>[vector<16xi32>], vector<16xf32>,
        %gather3A_145 = tpu.vector_load_idx %arg8[%get3A_144] : memref<10000xf32, #tpu.memory_space<vmem>>[vector<16xi32>], vector<16xf32>,
        %gt3A = arith.cmpf ogt, %gather3A, %gather3A_145 : vector<16xf32>
        %jit3A_146 = arith.constant 1.000000e+00 : f32
        %jit3A_147 = arith.constant 0.000000e+00 : f32
        %broadcast_in_dim3A_148 = vector.broadcast %jit3A_146 : f32 to vector<16xf32>
        %broadcast_in_dim3A_149 = vector.broadcast %jit3A_147 : f32 to vector<16xf32>
        %select_n3A_150 = arith.select %gt3A, %broadcast_in_dim3A_148, %broadcast_in_dim3A_149 : vector<16xi1>, vector<16xf32>
        %mul3A_151 = arith.constant 16 : i32
        %mul3A_152 = arith.muli %add3A_135, %mul3A_151 : i32
        %add3A_153 = vector.broadcast %mul3A_152 : i32 to vector<16xi32>
        %add3A_154 = arith.addi %add3A_153, %iota3A : vector<16xi32>
        tpu.vector_store_idx %arg10[%add3A_154, %broadcast_in_dim3A_2], %select_n3A_150 : memref<80x16xf32, #tpu.memory_space<vmem>>[vector<16xi32>, vector<16xi32>], vector<16xf32>,
      }
      %scan3A_122 = arith.constant 5 : i32
      %add3A_123 = arith.constant 1 : i32
      %add3A_124 = arith.addi %add3A_89, %add3A_123 : i32
      %dma_start3A_125 = arith.constant 0 : i32
      %dma_start3A_126 = tpu.memref_slice %arg7[%add3A_124, %dma_start3A_125] : memref<128x80xi32, #tpu.memory_space<vmem>> -> memref<1x80xi32, #tpu.memory_space<vmem>>
      %dma_start3A_127 = tpu.memref_squeeze %dma_start3A_126 : memref<1x80xi32, #tpu.memory_space<vmem>> -> memref<80xi32, #tpu.memory_space<vmem>>
      %dma_start3A_128 = arith.constant 0 : i32
      %dma_start3A_129 = arith.constant 0 : i32
      %dma_start3A_130 = tpu.memref_slice %arg12[%dma_start3A_128, %dma_start3A_129] : memref<10000x16xf32, #tpu.memory_space<vmem_shared>> -> memref<10000x16xf32, #tpu.memory_space<vmem_shared>>
      tpu.enqueue_indirect_dma source(%arg10 : memref<80x16xf32, #tpu.memory_space<vmem>>) target(%dma_start3A_130 : memref<10000x16xf32, #tpu.memory_space<vmem_shared>>) offsets(%dma_start3A_127 : memref<80xi32, #tpu.memory_space<vmem>>) semaphore(%arg14 : memref<!tpu.dma_semaphore, #tpu.memory_space<semaphore_mem>>) {add = true}
    }
    %scan3A_60 = arith.constant 63 : i32
    %dma_wait3A = arith.constant 126 : i32
    %dma_wait3A_61 = arith.constant 0 : i32
    %dma_wait3A_62 = tpu.memref_slice %arg7[%dma_wait3A, %dma_wait3A_61] : memref<128x80xi32, #tpu.memory_space<vmem>> -> memref<1x80xi32, #tpu.memory_space<vmem>>
    %dma_wait3A_63 = tpu.memref_squeeze %dma_wait3A_62 : memref<1x80xi32, #tpu.memory_space<vmem>> -> memref<80xi32, #tpu.memory_space<vmem>>
    %dma_wait3A_64 = arith.constant 0 : i32
    %dma_wait3A_65 = arith.constant 0 : i32
    %dma_wait3A_66 = tpu.memref_slice %arg12[%dma_wait3A_64, %dma_wait3A_65] : memref<10000x16xf32, #tpu.memory_space<vmem_shared>> -> memref<10000x16xf32, #tpu.memory_space<vmem_shared>>
    tpu.wait_indirect_dma semaphore(%arg13 : memref<!tpu.dma_semaphore, #tpu.memory_space<semaphore_mem>>) src(%arg9 : memref<80x16xf32, #tpu.memory_space<vmem>>) dst(%dma_wait3A_66 : memref<10000x16xf32, #tpu.memory_space<vmem_shared>>)
    %dma_wait3A_67 = arith.constant 127 : i32
    %dma_wait3A_68 = arith.constant 0 : i32
    %dma_wait3A_69 = tpu.memref_slice %arg7[%dma_wait3A_67, %dma_wait3A_68] : memref<128x80xi32, #tpu.memory_space<vmem>> -> memref<1x80xi32, #tpu.memory_space<vmem>>
    %dma_wait3A_70 = tpu.memref_squeeze %dma_wait3A_69 : memref<1x80xi32, #tpu.memory_space<vmem>> -> memref<80xi32, #tpu.memory_space<vmem>>
    %dma_wait3A_71 = arith.constant 0 : i32
    %dma_wait3A_72 = arith.constant 0 : i32
    %dma_wait3A_73 = tpu.memref_slice %arg12[%dma_wait3A_71, %dma_wait3A_72] : memref<10000x16xf32, #tpu.memory_space<vmem_shared>> -> memref<10000x16xf32, #tpu.memory_space<vmem_shared>>
    tpu.wait_indirect_dma semaphore(%arg14 : memref<!tpu.dma_semaphore, #tpu.memory_space<semaphore_mem>>) src(%arg10 : memref<80x16xf32, #tpu.memory_space<vmem>>) dst(%dma_wait3A_73 : memref<10000x16xf32, #tpu.memory_space<vmem_shared>>)
    %barrier3A_74 = arith.constant 0 : index
    tpu.barrier barrier_id(%barrier3A_74)
    %while3A_75 = arith.constant 0 : i32
    %while3A_76 = arith.constant 0 : i32
    %while3A_77 = arith.subi %select_n3A, %while3A_76 : i32
    %while3A_78 = arith.addi %while3A_76, %while3A_77 : i32
    %while3A_79 = arith.constant 1 : i32
    %while3A_80 = arith.divsi %while3A_77, %while3A_79 : i32
    %while3A_81 = arith.muli %while3A_80, %while3A_79 : i32
    %while3A_82 = arith.addi %while3A_76, %while3A_81 : i32
    %while3A_83 = arith.constant 1 : i32
    scf.for %while3A_85 = %while3A_76 to %while3A_82 step %while3A_83  : i32 {
      %mul3A_86 = arith.constant 80 : i32
      %mul3A_87 = arith.muli %while3A_85, %mul3A_86 : i32
      %add3A_88 = arith.addi %mul3A_12, %mul3A_87 : i32
      %mul3A_89 = arith.constant 10000 : i32
      %mul3A_90 = arith.muli %arg0, %mul3A_89 : i32
      %add3A_91 = arith.addi %mul3A_90, %mul3A_12 : i32
      %mul3A_92 = arith.constant 80 : i32
      %mul3A_93 = arith.muli %while3A_85, %mul3A_92 : i32
      %add3A_94 = arith.addi %add3A_91, %mul3A_93 : i32
      "tpu.region"() ({
        %run_scoped3A = tpu.sem_alloc : memref<!tpu.dma_semaphore, #tpu.memory_space<semaphore_mem>>
        %dma_start3A_95 = arith.constant 0 : i32
        %dma_start3A_96 = tpu.memref_slice %arg5[%add3A_94, %dma_start3A_95] : memref<20000x16xf32, #tpu.memory_space<hbm>> -> memref<80x16xf32, #tpu.memory_space<hbm>>
        %dma_start3A_97 = arith.constant 0 : i32
        %dma_start3A_98 = tpu.memref_slice %arg12[%add3A_88, %dma_start3A_97] : memref<10000x16xf32, #tpu.memory_space<vmem_shared>> -> memref<80x16xf32, #tpu.memory_space<vmem_shared>>
        tpu.enqueue_dma source(%dma_start3A_98 : memref<80x16xf32, #tpu.memory_space<vmem_shared>>) target(%dma_start3A_96 : memref<80x16xf32, #tpu.memory_space<hbm>>) target_semaphore(%run_scoped3A : memref<!tpu.dma_semaphore, #tpu.memory_space<semaphore_mem>>)
        %dma_wait3A_99 = arith.constant 0 : i32
        %dma_wait3A_100 = tpu.memref_slice %arg5[%add3A_94, %dma_wait3A_99] : memref<20000x16xf32, #tpu.memory_space<hbm>> -> memref<80x16xf32, #tpu.memory_space<hbm>>
        %dma_wait3A_101 = arith.constant 0 : i32
        %dma_wait3A_102 = tpu.memref_slice %arg12[%add3A_88, %dma_wait3A_101] : memref<10000x16xf32, #tpu.memory_space<vmem_shared>> -> memref<80x16xf32, #tpu.memory_space<vmem_shared>>
        tpu.wait_dma2 semaphore(%run_scoped3A : memref<!tpu.dma_semaphore, #tpu.memory_space<semaphore_mem>>) src(%dma_wait3A_102 : memref<80x16xf32, #tpu.memory_space<vmem_shared>>) dst(%dma_wait3A_100 : memref<80x16xf32, #tpu.memory_space<hbm>>)
        tpu.yield
      }) : () -> ()
    }
    %while3A_84 = arith.constant 1 : i32
    scf.for %while3A_85 = %while3A_82 to %while3A_78 step %while3A_84  : i32 {
      %mul3A_86 = arith.constant 80 : i32
      %mul3A_87 = arith.muli %while3A_85, %mul3A_86 : i32
      %add3A_88 = arith.addi %mul3A_12, %mul3A_87 : i32
      %mul3A_89 = arith.constant 10000 : i32
      %mul3A_90 = arith.muli %arg0, %mul3A_89 : i32
      %add3A_91 = arith.addi %mul3A_90, %mul3A_12 : i32
      %mul3A_92 = arith.constant 80 : i32
      %mul3A_93 = arith.muli %while3A_85, %mul3A_92 : i32
      %add3A_94 = arith.addi %add3A_91, %mul3A_93 : i32
      "tpu.region"() ({
        %run_scoped3A = tpu.sem_alloc : memref<!tpu.dma_semaphore, #tpu.memory_space<semaphore_mem>>
        %dma_start3A_95 = arith.constant 0 : i32
        %dma_start3A_96 = tpu.memref_slice %arg5[%add3A_94, %dma_start3A_95] : memref<20000x16xf32, #tpu.memory_space<hbm>> -> memref<80x16xf32, #tpu.memory_space<hbm>>
        %dma_start3A_97 = arith.constant 0 : i32
        %dma_start3A_98 = tpu.memref_slice %arg12[%add3A_88, %dma_start3A_97] : memref<10000x16xf32, #tpu.memory_space<vmem_shared>> -> memref<80x16xf32, #tpu.memory_space<vmem_shared>>
        tpu.enqueue_dma source(%dma_start3A_98 : memref<80x16xf32, #tpu.memory_space<vmem_shared>>) target(%dma_start3A_96 : memref<80x16xf32, #tpu.memory_space<hbm>>) target_semaphore(%run_scoped3A : memref<!tpu.dma_semaphore, #tpu.memory_space<semaphore_mem>>)
        %dma_wait3A_99 = arith.constant 0 : i32
        %dma_wait3A_100 = tpu.memref_slice %arg5[%add3A_94, %dma_wait3A_99] : memref<20000x16xf32, #tpu.memory_space<hbm>> -> memref<80x16xf32, #tpu.memory_space<hbm>>
        %dma_wait3A_101 = arith.constant 0 : i32
        %dma_wait3A_102 = tpu.memref_slice %arg12[%add3A_88, %dma_wait3A_101] : memref<10000x16xf32, #tpu.memory_space<vmem_shared>> -> memref<80x16xf32, #tpu.memory_space<vmem_shared>>
        tpu.wait_dma2 semaphore(%run_scoped3A : memref<!tpu.dma_semaphore, #tpu.memory_space<semaphore_mem>>) src(%dma_wait3A_102 : memref<80x16xf32, #tpu.memory_space<vmem_shared>>) dst(%dma_wait3A_100 : memref<80x16xf32, #tpu.memory_space<hbm>>)
        tpu.yield
      }) : () -> ()
    }
    return
  }
}

#map = affine_map<(d0, d1) -> (0, 0)>
module attributes {stable_mosaic.version = 14 : i64} {
  func.func @k(%arg0: i32, %arg1: i32, %arg2: memref<20000x64xf32, #tpu.memory_space<hbm>>, %arg3: memref<5120x125xi32, #tpu.memory_space<hbm>>, %arg4: memref<2560x125xi32, #tpu.memory_space<hbm>>, %arg5: memref<20000x64xf32, #tpu.memory_space<hbm>>, %arg6: memref<160x125xi32, #tpu.memory_space<vmem>>, %arg7: memref<160x125xi32, #tpu.memory_space<vmem>>, %arg8: memref<125x64xf32, #tpu.memory_space<vmem>>, %arg9: memref<125x64xf32, #tpu.memory_space<vmem>>, %arg10: memref<125x64xf32, #tpu.memory_space<vmem>>, %arg11: memref<125x64xf32, #tpu.memory_space<vmem>>, %arg12: memref<125x64xf32, #tpu.memory_space<vmem>>, %arg13: memref<80x64xf32, #tpu.memory_space<vmem>>, %arg14: memref<10000x64xf32, #tpu.memory_space<vmem_shared>>, %arg15: memref<!tpu.dma_semaphore, #tpu.memory_space<semaphore_mem>>, %arg16: memref<!tpu.dma_semaphore, #tpu.memory_space<semaphore_mem>>, %arg17: memref<!tpu.dma_semaphore, #tpu.memory_space<semaphore_mem>>, %arg18: memref<!tpu.dma_semaphore, #tpu.memory_space<semaphore_mem>>, %arg19: memref<!tpu.dma_semaphore, #tpu.memory_space<semaphore_mem>>, %arg20: memref<!tpu.dma_semaphore, #tpu.memory_space<semaphore_mem>>, %arg21: memref<!tpu.dma_semaphore, #tpu.memory_space<semaphore_mem>>, %arg22: memref<!tpu.dma_semaphore, #tpu.memory_space<semaphore_mem>>, %arg23: memref<!tpu.dma_semaphore, #tpu.memory_space<semaphore_mem>>, %arg24: memref<!tpu.dma_semaphore, #tpu.memory_space<semaphore_mem>>) attributes {dimension_semantics = [#tpu.dimension_semantics<core_parallel>, #tpu.dimension_semantics<subcore_parallel>], iteration_bounds = array<i64: 2, 16>, scalar_prefetch = 0 : i64, scratch_operands = 19 : i64, tpu.core_type = #tpu.core_type<sc_vector_subcore>, window_params = [{transform_indices = #map}, {transform_indices = #map}, {transform_indices = #map}, {transform_indices = #map}]} {
    %broadcast_in_dim3A = arith.constant 0.000000e+00 : f32
    %broadcast_in_dim3A_0 = vector.broadcast %broadcast_in_dim3A : f32 to vector<16xf32>
    %scan3A = arith.constant 0 : i32
    %scan3A_1 = arith.constant 80 : i32
    %scan3A_2 = arith.addi %scan3A, %scan3A_1 : i32
    %scan3A_3 = arith.constant 1 : i32
    scf.for %scan3A_177 = %scan3A to %scan3A_2 step %scan3A_3  : i32 {
      %mul3A_178 = arith.constant 1 : i32
      %mul3A_179 = arith.muli %scan3A_177, %mul3A_178 : i32
      %add3A_180 = arith.constant 0 : i32
      %add3A_181 = arith.addi %add3A_180, %mul3A_179 : i32
      %swap3A = arith.index_cast %add3A_181 : i32 to index
      %swap3A_182 = arith.constant 0 : index
      %swap3A_183 = tpu.vector_load %arg13[%swap3A, %swap3A_182] {strides = array<i32>} : memref<80x64xf32, #tpu.memory_space<vmem>>, vector<1x16xf32>,
      %swap3A_184 = vector.shape_cast %swap3A_183 : vector<1x16xf32> to vector<16xf32>
      %swap3A_185 = vector.shape_cast %broadcast_in_dim3A_0 : vector<16xf32> to vector<1x16xf32>
      tpu.vector_store %arg13[%swap3A, %swap3A_182], %swap3A_185 {strides = array<i32>} : memref<80x64xf32, #tpu.memory_space<vmem>>, vector<1x16xf32>,
      %swap3A_186 = arith.index_cast %add3A_181 : i32 to index
      %swap3A_187 = arith.constant 16 : index
      %swap3A_188 = tpu.vector_load %arg13[%swap3A_186, %swap3A_187] {strides = array<i32>} : memref<80x64xf32, #tpu.memory_space<vmem>>, vector<1x16xf32>,
      %swap3A_189 = vector.shape_cast %swap3A_188 : vector<1x16xf32> to vector<16xf32>
      %swap3A_190 = vector.shape_cast %broadcast_in_dim3A_0 : vector<16xf32> to vector<1x16xf32>
      tpu.vector_store %arg13[%swap3A_186, %swap3A_187], %swap3A_190 {strides = array<i32>} : memref<80x64xf32, #tpu.memory_space<vmem>>, vector<1x16xf32>,
      %swap3A_191 = arith.index_cast %add3A_181 : i32 to index
      %swap3A_192 = arith.constant 32 : index
      %swap3A_193 = tpu.vector_load %arg13[%swap3A_191, %swap3A_192] {strides = array<i32>} : memref<80x64xf32, #tpu.memory_space<vmem>>, vector<1x16xf32>,
      %swap3A_194 = vector.shape_cast %swap3A_193 : vector<1x16xf32> to vector<16xf32>
      %swap3A_195 = vector.shape_cast %broadcast_in_dim3A_0 : vector<16xf32> to vector<1x16xf32>
      tpu.vector_store %arg13[%swap3A_191, %swap3A_192], %swap3A_195 {strides = array<i32>} : memref<80x64xf32, #tpu.memory_space<vmem>>, vector<1x16xf32>,
      %swap3A_196 = arith.index_cast %add3A_181 : i32 to index
      %swap3A_197 = arith.constant 48 : index
      %swap3A_198 = tpu.vector_load %arg13[%swap3A_196, %swap3A_197] {strides = array<i32>} : memref<80x64xf32, #tpu.memory_space<vmem>>, vector<1x16xf32>,
      %swap3A_199 = vector.shape_cast %swap3A_198 : vector<1x16xf32> to vector<16xf32>
      %swap3A_200 = vector.shape_cast %broadcast_in_dim3A_0 : vector<16xf32> to vector<1x16xf32>
      tpu.vector_store %arg13[%swap3A_196, %swap3A_197], %swap3A_200 {strides = array<i32>} : memref<80x64xf32, #tpu.memory_space<vmem>>, vector<1x16xf32>,
    }
    %scan3A_4 = arith.constant 80 : i32
    %mul3A = arith.constant 640 : i32
    %mul3A_5 = arith.muli %arg1, %mul3A : i32
    %eq3A = arith.constant 15 : i32
    %eq3A_6 = arith.cmpi eq, %arg1, %eq3A : i32
    %jit3A = arith.constant 5 : i32
    %jit3A_7 = arith.constant 8 : i32
    %select_n3A = arith.select %eq3A_6, %jit3A, %jit3A_7 : i32
    %while3A = arith.constant 0 : i32
    %while3A_8 = arith.constant 0 : i32
    %while3A_9 = arith.subi %select_n3A, %while3A_8 : i32
    %while3A_10 = arith.addi %while3A_8, %while3A_9 : i32
    %while3A_11 = arith.constant 1 : i32
    %while3A_12 = arith.divsi %while3A_9, %while3A_11 : i32
    %while3A_13 = arith.muli %while3A_12, %while3A_11 : i32
    %while3A_14 = arith.addi %while3A_8, %while3A_13 : i32
    %while3A_15 = arith.constant 1 : i32
    scf.for %while3A_177 = %while3A_8 to %while3A_14 step %while3A_15  : i32 {
      %mul3A_178 = arith.constant 80 : i32
      %mul3A_179 = arith.muli %while3A_177, %mul3A_178 : i32
      %add3A_180 = arith.addi %mul3A_5, %mul3A_179 : i32
      "tpu.region"() ({
        %run_scoped3A = tpu.sem_alloc : memref<!tpu.dma_semaphore, #tpu.memory_space<semaphore_mem>>
        %dma_start3A_181 = arith.constant 0 : i32
        %dma_start3A_182 = tpu.memref_slice %arg14[%add3A_180, %dma_start3A_181] : memref<10000x64xf32, #tpu.memory_space<vmem_shared>> -> memref<80x64xf32, #tpu.memory_space<vmem_shared>>
        %dma_start3A_183 = arith.constant 0 : i32
        %dma_start3A_184 = tpu.memref_slice %arg14[%add3A_180, %dma_start3A_183] : memref<10000x64xf32, #tpu.memory_space<vmem_shared>> -> memref<80x64xf32, #tpu.memory_space<vmem_shared>>
        tpu.enqueue_dma source(%arg13 : memref<80x64xf32, #tpu.memory_space<vmem>>) target(%dma_start3A_184 : memref<80x64xf32, #tpu.memory_space<vmem_shared>>) target_semaphore(%run_scoped3A : memref<!tpu.dma_semaphore, #tpu.memory_space<semaphore_mem>>)
        %dma_wait3A_185 = arith.constant 0 : i32
        %dma_wait3A_186 = tpu.memref_slice %arg14[%add3A_180, %dma_wait3A_185] : memref<10000x64xf32, #tpu.memory_space<vmem_shared>> -> memref<80x64xf32, #tpu.memory_space<vmem_shared>>
        %dma_wait3A_187 = arith.constant 0 : i32
        %dma_wait3A_188 = tpu.memref_slice %arg14[%add3A_180, %dma_wait3A_187] : memref<10000x64xf32, #tpu.memory_space<vmem_shared>> -> memref<80x64xf32, #tpu.memory_space<vmem_shared>>
        tpu.wait_dma2 semaphore(%run_scoped3A : memref<!tpu.dma_semaphore, #tpu.memory_space<semaphore_mem>>) src(%arg13 : memref<80x64xf32, #tpu.memory_space<vmem>>) dst(%dma_wait3A_188 : memref<80x64xf32, #tpu.memory_space<vmem_shared>>)
        tpu.yield
      }) : () -> ()
    }
    %while3A_16 = arith.constant 1 : i32
    scf.for %while3A_177 = %while3A_14 to %while3A_10 step %while3A_16  : i32 {
      %mul3A_178 = arith.constant 80 : i32
      %mul3A_179 = arith.muli %while3A_177, %mul3A_178 : i32
      %add3A_180 = arith.addi %mul3A_5, %mul3A_179 : i32
      "tpu.region"() ({
        %run_scoped3A = tpu.sem_alloc : memref<!tpu.dma_semaphore, #tpu.memory_space<semaphore_mem>>
        %dma_start3A_181 = arith.constant 0 : i32
        %dma_start3A_182 = tpu.memref_slice %arg14[%add3A_180, %dma_start3A_181] : memref<10000x64xf32, #tpu.memory_space<vmem_shared>> -> memref<80x64xf32, #tpu.memory_space<vmem_shared>>
        %dma_start3A_183 = arith.constant 0 : i32
        %dma_start3A_184 = tpu.memref_slice %arg14[%add3A_180, %dma_start3A_183] : memref<10000x64xf32, #tpu.memory_space<vmem_shared>> -> memref<80x64xf32, #tpu.memory_space<vmem_shared>>
        tpu.enqueue_dma source(%arg13 : memref<80x64xf32, #tpu.memory_space<vmem>>) target(%dma_start3A_184 : memref<80x64xf32, #tpu.memory_space<vmem_shared>>) target_semaphore(%run_scoped3A : memref<!tpu.dma_semaphore, #tpu.memory_space<semaphore_mem>>)
        %dma_wait3A_185 = arith.constant 0 : i32
        %dma_wait3A_186 = tpu.memref_slice %arg14[%add3A_180, %dma_wait3A_185] : memref<10000x64xf32, #tpu.memory_space<vmem_shared>> -> memref<80x64xf32, #tpu.memory_space<vmem_shared>>
        %dma_wait3A_187 = arith.constant 0 : i32
        %dma_wait3A_188 = tpu.memref_slice %arg14[%add3A_180, %dma_wait3A_187] : memref<10000x64xf32, #tpu.memory_space<vmem_shared>> -> memref<80x64xf32, #tpu.memory_space<vmem_shared>>
        tpu.wait_dma2 semaphore(%run_scoped3A : memref<!tpu.dma_semaphore, #tpu.memory_space<semaphore_mem>>) src(%arg13 : memref<80x64xf32, #tpu.memory_space<vmem>>) dst(%dma_wait3A_188 : memref<80x64xf32, #tpu.memory_space<vmem_shared>>)
        tpu.yield
      }) : () -> ()
    }
    %mul3A_17 = arith.constant 16 : i32
    %mul3A_18 = arith.muli %arg0, %mul3A_17 : i32
    %add3A = arith.addi %mul3A_18, %arg1 : i32
    %mul3A_19 = arith.constant 160 : i32
    %mul3A_20 = arith.muli %add3A, %mul3A_19 : i32
    "tpu.region"() ({
      %run_scoped3A = tpu.sem_alloc : memref<!tpu.dma_semaphore, #tpu.memory_space<semaphore_mem>>
      %dma_start3A_177 = arith.constant 0 : i32
      %dma_start3A_178 = tpu.memref_slice %arg3[%mul3A_20, %dma_start3A_177] : memref<5120x125xi32, #tpu.memory_space<hbm>> -> memref<160x125xi32, #tpu.memory_space<hbm>>
      %dma_start3A_179 = arith.constant 0 : i32
      %dma_start3A_180 = tpu.memref_slice %arg3[%mul3A_20, %dma_start3A_179] : memref<5120x125xi32, #tpu.memory_space<hbm>> -> memref<160x125xi32, #tpu.memory_space<hbm>>
      tpu.enqueue_dma source(%dma_start3A_180 : memref<160x125xi32, #tpu.memory_space<hbm>>) target(%arg6 : memref<160x125xi32, #tpu.memory_space<vmem>>) target_semaphore(%run_scoped3A : memref<!tpu.dma_semaphore, #tpu.memory_space<semaphore_mem>>)
      %dma_wait3A_181 = arith.constant 0 : i32
      %dma_wait3A_182 = tpu.memref_slice %arg3[%mul3A_20, %dma_wait3A_181] : memref<5120x125xi32, #tpu.memory_space<hbm>> -> memref<160x125xi32, #tpu.memory_space<hbm>>
      %dma_wait3A_183 = arith.constant 0 : i32
      %dma_wait3A_184 = tpu.memref_slice %arg3[%mul3A_20, %dma_wait3A_183] : memref<5120x125xi32, #tpu.memory_space<hbm>> -> memref<160x125xi32, #tpu.memory_space<hbm>>
      tpu.wait_dma2 semaphore(%run_scoped3A : memref<!tpu.dma_semaphore, #tpu.memory_space<semaphore_mem>>) src(%dma_wait3A_184 : memref<160x125xi32, #tpu.memory_space<hbm>>) dst(%arg6 : memref<160x125xi32, #tpu.memory_space<vmem>>)
      tpu.yield
    }) : () -> ()
    %mul3A_21 = arith.constant 160 : i32
    %mul3A_22 = arith.muli %arg1, %mul3A_21 : i32
    "tpu.region"() ({
      %run_scoped3A = tpu.sem_alloc : memref<!tpu.dma_semaphore, #tpu.memory_space<semaphore_mem>>
      %dma_start3A_177 = arith.constant 0 : i32
      %dma_start3A_178 = tpu.memref_slice %arg4[%mul3A_22, %dma_start3A_177] : memref<2560x125xi32, #tpu.memory_space<hbm>> -> memref<160x125xi32, #tpu.memory_space<hbm>>
      %dma_start3A_179 = arith.constant 0 : i32
      %dma_start3A_180 = tpu.memref_slice %arg4[%mul3A_22, %dma_start3A_179] : memref<2560x125xi32, #tpu.memory_space<hbm>> -> memref<160x125xi32, #tpu.memory_space<hbm>>
      tpu.enqueue_dma source(%dma_start3A_180 : memref<160x125xi32, #tpu.memory_space<hbm>>) target(%arg7 : memref<160x125xi32, #tpu.memory_space<vmem>>) target_semaphore(%run_scoped3A : memref<!tpu.dma_semaphore, #tpu.memory_space<semaphore_mem>>)
      %dma_wait3A_181 = arith.constant 0 : i32
      %dma_wait3A_182 = tpu.memref_slice %arg4[%mul3A_22, %dma_wait3A_181] : memref<2560x125xi32, #tpu.memory_space<hbm>> -> memref<160x125xi32, #tpu.memory_space<hbm>>
      %dma_wait3A_183 = arith.constant 0 : i32
      %dma_wait3A_184 = tpu.memref_slice %arg4[%mul3A_22, %dma_wait3A_183] : memref<2560x125xi32, #tpu.memory_space<hbm>> -> memref<160x125xi32, #tpu.memory_space<hbm>>
      tpu.wait_dma2 semaphore(%run_scoped3A : memref<!tpu.dma_semaphore, #tpu.memory_space<semaphore_mem>>) src(%dma_wait3A_184 : memref<160x125xi32, #tpu.memory_space<hbm>>) dst(%arg7 : memref<160x125xi32, #tpu.memory_space<vmem>>)
      tpu.yield
    }) : () -> ()
    %barrier3A = arith.constant 0 : index
    tpu.barrier barrier_id(%barrier3A)
    %dma_start3A = arith.constant 0 : i32
    %dma_start3A_23 = arith.constant 0 : i32
    %dma_start3A_24 = tpu.memref_slice %arg6[%dma_start3A, %dma_start3A_23] : memref<160x125xi32, #tpu.memory_space<vmem>> -> memref<1x125xi32, #tpu.memory_space<vmem>>
    %dma_start3A_25 = tpu.memref_squeeze %dma_start3A_24 : memref<1x125xi32, #tpu.memory_space<vmem>> -> memref<125xi32, #tpu.memory_space<vmem>>
    %dma_start3A_26 = arith.constant 0 : i32
    %dma_start3A_27 = arith.constant 0 : i32
    %dma_start3A_28 = tpu.memref_slice %arg2[%dma_start3A_26, %dma_start3A_27] : memref<20000x64xf32, #tpu.memory_space<hbm>> -> memref<20000x64xf32, #tpu.memory_space<hbm>>
    tpu.enqueue_indirect_dma source(%dma_start3A_28 : memref<20000x64xf32, #tpu.memory_space<hbm>>) target(%arg8 : memref<125x64xf32, #tpu.memory_space<vmem>>) offsets(%dma_start3A_25 : memref<125xi32, #tpu.memory_space<vmem>>) semaphore(%arg15 : memref<!tpu.dma_semaphore, #tpu.memory_space<semaphore_mem>>)
    %dma_start3A_29 = arith.constant 1 : i32
    %dma_start3A_30 = arith.constant 0 : i32
    %dma_start3A_31 = tpu.memref_slice %arg6[%dma_start3A_29, %dma_start3A_30] : memref<160x125xi32, #tpu.memory_space<vmem>> -> memref<1x125xi32, #tpu.memory_space<vmem>>
    %dma_start3A_32 = tpu.memref_squeeze %dma_start3A_31 : memref<1x125xi32, #tpu.memory_space<vmem>> -> memref<125xi32, #tpu.memory_space<vmem>>
    %dma_start3A_33 = arith.constant 0 : i32
    %dma_start3A_34 = arith.constant 0 : i32
    %dma_start3A_35 = tpu.memref_slice %arg2[%dma_start3A_33, %dma_start3A_34] : memref<20000x64xf32, #tpu.memory_space<hbm>> -> memref<20000x64xf32, #tpu.memory_space<hbm>>
    tpu.enqueue_indirect_dma source(%dma_start3A_35 : memref<20000x64xf32, #tpu.memory_space<hbm>>) target(%arg9 : memref<125x64xf32, #tpu.memory_space<vmem>>) offsets(%dma_start3A_32 : memref<125xi32, #tpu.memory_space<vmem>>) semaphore(%arg16 : memref<!tpu.dma_semaphore, #tpu.memory_space<semaphore_mem>>)
    %dma_start3A_36 = arith.constant 2 : i32
    %dma_start3A_37 = arith.constant 0 : i32
    %dma_start3A_38 = tpu.memref_slice %arg6[%dma_start3A_36, %dma_start3A_37] : memref<160x125xi32, #tpu.memory_space<vmem>> -> memref<1x125xi32, #tpu.memory_space<vmem>>
    %dma_start3A_39 = tpu.memref_squeeze %dma_start3A_38 : memref<1x125xi32, #tpu.memory_space<vmem>> -> memref<125xi32, #tpu.memory_space<vmem>>
    %dma_start3A_40 = arith.constant 0 : i32
    %dma_start3A_41 = arith.constant 0 : i32
    %dma_start3A_42 = tpu.memref_slice %arg2[%dma_start3A_40, %dma_start3A_41] : memref<20000x64xf32, #tpu.memory_space<hbm>> -> memref<20000x64xf32, #tpu.memory_space<hbm>>
    tpu.enqueue_indirect_dma source(%dma_start3A_42 : memref<20000x64xf32, #tpu.memory_space<hbm>>) target(%arg10 : memref<125x64xf32, #tpu.memory_space<vmem>>) offsets(%dma_start3A_39 : memref<125xi32, #tpu.memory_space<vmem>>) semaphore(%arg17 : memref<!tpu.dma_semaphore, #tpu.memory_space<semaphore_mem>>)
    %dma_start3A_43 = arith.constant 3 : i32
    %dma_start3A_44 = arith.constant 0 : i32
    %dma_start3A_45 = tpu.memref_slice %arg6[%dma_start3A_43, %dma_start3A_44] : memref<160x125xi32, #tpu.memory_space<vmem>> -> memref<1x125xi32, #tpu.memory_space<vmem>>
    %dma_start3A_46 = tpu.memref_squeeze %dma_start3A_45 : memref<1x125xi32, #tpu.memory_space<vmem>> -> memref<125xi32, #tpu.memory_space<vmem>>
    %dma_start3A_47 = arith.constant 0 : i32
    %dma_start3A_48 = arith.constant 0 : i32
    %dma_start3A_49 = tpu.memref_slice %arg2[%dma_start3A_47, %dma_start3A_48] : memref<20000x64xf32, #tpu.memory_space<hbm>> -> memref<20000x64xf32, #tpu.memory_space<hbm>>
    tpu.enqueue_indirect_dma source(%dma_start3A_49 : memref<20000x64xf32, #tpu.memory_space<hbm>>) target(%arg11 : memref<125x64xf32, #tpu.memory_space<vmem>>) offsets(%dma_start3A_46 : memref<125xi32, #tpu.memory_space<vmem>>) semaphore(%arg18 : memref<!tpu.dma_semaphore, #tpu.memory_space<semaphore_mem>>)
    %dma_start3A_50 = arith.constant 4 : i32
    %dma_start3A_51 = arith.constant 0 : i32
    %dma_start3A_52 = tpu.memref_slice %arg6[%dma_start3A_50, %dma_start3A_51] : memref<160x125xi32, #tpu.memory_space<vmem>> -> memref<1x125xi32, #tpu.memory_space<vmem>>
    %dma_start3A_53 = tpu.memref_squeeze %dma_start3A_52 : memref<1x125xi32, #tpu.memory_space<vmem>> -> memref<125xi32, #tpu.memory_space<vmem>>
    %dma_start3A_54 = arith.constant 0 : i32
    %dma_start3A_55 = arith.constant 0 : i32
    %dma_start3A_56 = tpu.memref_slice %arg2[%dma_start3A_54, %dma_start3A_55] : memref<20000x64xf32, #tpu.memory_space<hbm>> -> memref<20000x64xf32, #tpu.memory_space<hbm>>
    tpu.enqueue_indirect_dma source(%dma_start3A_56 : memref<20000x64xf32, #tpu.memory_space<hbm>>) target(%arg12 : memref<125x64xf32, #tpu.memory_space<vmem>>) offsets(%dma_start3A_53 : memref<125xi32, #tpu.memory_space<vmem>>) semaphore(%arg19 : memref<!tpu.dma_semaphore, #tpu.memory_space<semaphore_mem>>)
    %scan3A_57 = arith.constant 0 : i32
    %scan3A_58 = arith.constant 31 : i32
    %scan3A_59 = arith.addi %scan3A_57, %scan3A_58 : i32
    %scan3A_60 = arith.constant 1 : i32
    scf.for %scan3A_177 = %scan3A_57 to %scan3A_59 step %scan3A_60  : i32 {
      %mul3A_178 = arith.constant 5 : i32
      %mul3A_179 = arith.muli %scan3A_177, %mul3A_178 : i32
      %add3A_180 = arith.constant 0 : i32
      %add3A_181 = arith.addi %add3A_180, %mul3A_179 : i32
      %add3A_182 = arith.constant 0 : i32
      %add3A_183 = arith.addi %add3A_181, %add3A_182 : i32
      %dma_wait3A_184 = arith.constant 0 : i32
      %dma_wait3A_185 = tpu.memref_slice %arg6[%add3A_183, %dma_wait3A_184] : memref<160x125xi32, #tpu.memory_space<vmem>> -> memref<1x125xi32, #tpu.memory_space<vmem>>
      %dma_wait3A_186 = tpu.memref_squeeze %dma_wait3A_185 : memref<1x125xi32, #tpu.memory_space<vmem>> -> memref<125xi32, #tpu.memory_space<vmem>>
      %dma_wait3A_187 = arith.constant 0 : i32
      %dma_wait3A_188 = arith.constant 0 : i32
      %dma_wait3A_189 = tpu.memref_slice %arg2[%dma_wait3A_187, %dma_wait3A_188] : memref<20000x64xf32, #tpu.memory_space<hbm>> -> memref<20000x64xf32, #tpu.memory_space<hbm>>
      tpu.wait_indirect_dma semaphore(%arg15 : memref<!tpu.dma_semaphore, #tpu.memory_space<semaphore_mem>>) src(%dma_wait3A_189 : memref<20000x64xf32, #tpu.memory_space<hbm>>) dst(%arg8 : memref<125x64xf32, #tpu.memory_space<vmem>>)
      %add3A_190 = arith.constant 0 : i32
      %add3A_191 = arith.addi %add3A_181, %add3A_190 : i32
      %dma_start3A_192 = arith.constant 0 : i32
      %dma_start3A_193 = tpu.memref_slice %arg7[%add3A_191, %dma_start3A_192] : memref<160x125xi32, #tpu.memory_space<vmem>> -> memref<1x125xi32, #tpu.memory_space<vmem>>
      %dma_start3A_194 = tpu.memref_squeeze %dma_start3A_193 : memref<1x125xi32, #tpu.memory_space<vmem>> -> memref<125xi32, #tpu.memory_space<vmem>>
      %dma_start3A_195 = arith.constant 0 : i32
      %dma_start3A_196 = arith.constant 0 : i32
      %dma_start3A_197 = tpu.memref_slice %arg14[%dma_start3A_195, %dma_start3A_196] : memref<10000x64xf32, #tpu.memory_space<vmem_shared>> -> memref<10000x64xf32, #tpu.memory_space<vmem_shared>>
      tpu.enqueue_indirect_dma source(%arg8 : memref<125x64xf32, #tpu.memory_space<vmem>>) target(%dma_start3A_197 : memref<10000x64xf32, #tpu.memory_space<vmem_shared>>) offsets(%dma_start3A_194 : memref<125xi32, #tpu.memory_space<vmem>>) semaphore(%arg20 : memref<!tpu.dma_semaphore, #tpu.memory_space<semaphore_mem>>) {add = true}
      %add3A_198 = arith.constant 1 : i32
      %add3A_199 = arith.addi %add3A_181, %add3A_198 : i32
      %dma_wait3A_200 = arith.constant 0 : i32
      %dma_wait3A_201 = tpu.memref_slice %arg6[%add3A_199, %dma_wait3A_200] : memref<160x125xi32, #tpu.memory_space<vmem>> -> memref<1x125xi32, #tpu.memory_space<vmem>>
      %dma_wait3A_202 = tpu.memref_squeeze %dma_wait3A_201 : memref<1x125xi32, #tpu.memory_space<vmem>> -> memref<125xi32, #tpu.memory_space<vmem>>
      %dma_wait3A_203 = arith.constant 0 : i32
      %dma_wait3A_204 = arith.constant 0 : i32
      %dma_wait3A_205 = tpu.memref_slice %arg2[%dma_wait3A_203, %dma_wait3A_204] : memref<20000x64xf32, #tpu.memory_space<hbm>> -> memref<20000x64xf32, #tpu.memory_space<hbm>>
      tpu.wait_indirect_dma semaphore(%arg16 : memref<!tpu.dma_semaphore, #tpu.memory_space<semaphore_mem>>) src(%dma_wait3A_205 : memref<20000x64xf32, #tpu.memory_space<hbm>>) dst(%arg9 : memref<125x64xf32, #tpu.memory_space<vmem>>)
      %add3A_206 = arith.constant 1 : i32
      %add3A_207 = arith.addi %add3A_181, %add3A_206 : i32
      %dma_start3A_208 = arith.constant 0 : i32
      %dma_start3A_209 = tpu.memref_slice %arg7[%add3A_207, %dma_start3A_208] : memref<160x125xi32, #tpu.memory_space<vmem>> -> memref<1x125xi32, #tpu.memory_space<vmem>>
      %dma_start3A_210 = tpu.memref_squeeze %dma_start3A_209 : memref<1x125xi32, #tpu.memory_space<vmem>> -> memref<125xi32, #tpu.memory_space<vmem>>
      %dma_start3A_211 = arith.constant 0 : i32
      %dma_start3A_212 = arith.constant 0 : i32
      %dma_start3A_213 = tpu.memref_slice %arg14[%dma_start3A_211, %dma_start3A_212] : memref<10000x64xf32, #tpu.memory_space<vmem_shared>> -> memref<10000x64xf32, #tpu.memory_space<vmem_shared>>
      tpu.enqueue_indirect_dma source(%arg9 : memref<125x64xf32, #tpu.memory_space<vmem>>) target(%dma_start3A_213 : memref<10000x64xf32, #tpu.memory_space<vmem_shared>>) offsets(%dma_start3A_210 : memref<125xi32, #tpu.memory_space<vmem>>) semaphore(%arg21 : memref<!tpu.dma_semaphore, #tpu.memory_space<semaphore_mem>>) {add = true}
      %add3A_214 = arith.constant 2 : i32
      %add3A_215 = arith.addi %add3A_181, %add3A_214 : i32
      %dma_wait3A_216 = arith.constant 0 : i32
      %dma_wait3A_217 = tpu.memref_slice %arg6[%add3A_215, %dma_wait3A_216] : memref<160x125xi32, #tpu.memory_space<vmem>> -> memref<1x125xi32, #tpu.memory_space<vmem>>
      %dma_wait3A_218 = tpu.memref_squeeze %dma_wait3A_217 : memref<1x125xi32, #tpu.memory_space<vmem>> -> memref<125xi32, #tpu.memory_space<vmem>>
      %dma_wait3A_219 = arith.constant 0 : i32
      %dma_wait3A_220 = arith.constant 0 : i32
      %dma_wait3A_221 = tpu.memref_slice %arg2[%dma_wait3A_219, %dma_wait3A_220] : memref<20000x64xf32, #tpu.memory_space<hbm>> -> memref<20000x64xf32, #tpu.memory_space<hbm>>
      tpu.wait_indirect_dma semaphore(%arg17 : memref<!tpu.dma_semaphore, #tpu.memory_space<semaphore_mem>>) src(%dma_wait3A_221 : memref<20000x64xf32, #tpu.memory_space<hbm>>) dst(%arg10 : memref<125x64xf32, #tpu.memory_space<vmem>>)
      %add3A_222 = arith.constant 2 : i32
      %add3A_223 = arith.addi %add3A_181, %add3A_222 : i32
      %dma_start3A_224 = arith.constant 0 : i32
      %dma_start3A_225 = tpu.memref_slice %arg7[%add3A_223, %dma_start3A_224] : memref<160x125xi32, #tpu.memory_space<vmem>> -> memref<1x125xi32, #tpu.memory_space<vmem>>
      %dma_start3A_226 = tpu.memref_squeeze %dma_start3A_225 : memref<1x125xi32, #tpu.memory_space<vmem>> -> memref<125xi32, #tpu.memory_space<vmem>>
      %dma_start3A_227 = arith.constant 0 : i32
      %dma_start3A_228 = arith.constant 0 : i32
      %dma_start3A_229 = tpu.memref_slice %arg14[%dma_start3A_227, %dma_start3A_228] : memref<10000x64xf32, #tpu.memory_space<vmem_shared>> -> memref<10000x64xf32, #tpu.memory_space<vmem_shared>>
      tpu.enqueue_indirect_dma source(%arg10 : memref<125x64xf32, #tpu.memory_space<vmem>>) target(%dma_start3A_229 : memref<10000x64xf32, #tpu.memory_space<vmem_shared>>) offsets(%dma_start3A_226 : memref<125xi32, #tpu.memory_space<vmem>>) semaphore(%arg22 : memref<!tpu.dma_semaphore, #tpu.memory_space<semaphore_mem>>) {add = true}
      %add3A_230 = arith.constant 3 : i32
      %add3A_231 = arith.addi %add3A_181, %add3A_230 : i32
      %dma_wait3A_232 = arith.constant 0 : i32
      %dma_wait3A_233 = tpu.memref_slice %arg6[%add3A_231, %dma_wait3A_232] : memref<160x125xi32, #tpu.memory_space<vmem>> -> memref<1x125xi32, #tpu.memory_space<vmem>>
      %dma_wait3A_234 = tpu.memref_squeeze %dma_wait3A_233 : memref<1x125xi32, #tpu.memory_space<vmem>> -> memref<125xi32, #tpu.memory_space<vmem>>
      %dma_wait3A_235 = arith.constant 0 : i32
      %dma_wait3A_236 = arith.constant 0 : i32
      %dma_wait3A_237 = tpu.memref_slice %arg2[%dma_wait3A_235, %dma_wait3A_236] : memref<20000x64xf32, #tpu.memory_space<hbm>> -> memref<20000x64xf32, #tpu.memory_space<hbm>>
      tpu.wait_indirect_dma semaphore(%arg18 : memref<!tpu.dma_semaphore, #tpu.memory_space<semaphore_mem>>) src(%dma_wait3A_237 : memref<20000x64xf32, #tpu.memory_space<hbm>>) dst(%arg11 : memref<125x64xf32, #tpu.memory_space<vmem>>)
      %add3A_238 = arith.constant 3 : i32
      %add3A_239 = arith.addi %add3A_181, %add3A_238 : i32
      %dma_start3A_240 = arith.constant 0 : i32
      %dma_start3A_241 = tpu.memref_slice %arg7[%add3A_239, %dma_start3A_240] : memref<160x125xi32, #tpu.memory_space<vmem>> -> memref<1x125xi32, #tpu.memory_space<vmem>>
      %dma_start3A_242 = tpu.memref_squeeze %dma_start3A_241 : memref<1x125xi32, #tpu.memory_space<vmem>> -> memref<125xi32, #tpu.memory_space<vmem>>
      %dma_start3A_243 = arith.constant 0 : i32
      %dma_start3A_244 = arith.constant 0 : i32
      %dma_start3A_245 = tpu.memref_slice %arg14[%dma_start3A_243, %dma_start3A_244] : memref<10000x64xf32, #tpu.memory_space<vmem_shared>> -> memref<10000x64xf32, #tpu.memory_space<vmem_shared>>
      tpu.enqueue_indirect_dma source(%arg11 : memref<125x64xf32, #tpu.memory_space<vmem>>) target(%dma_start3A_245 : memref<10000x64xf32, #tpu.memory_space<vmem_shared>>) offsets(%dma_start3A_242 : memref<125xi32, #tpu.memory_space<vmem>>) semaphore(%arg23 : memref<!tpu.dma_semaphore, #tpu.memory_space<semaphore_mem>>) {add = true}
      %add3A_246 = arith.constant 4 : i32
      %add3A_247 = arith.addi %add3A_181, %add3A_246 : i32
      %dma_wait3A_248 = arith.constant 0 : i32
      %dma_wait3A_249 = tpu.memref_slice %arg6[%add3A_247, %dma_wait3A_248] : memref<160x125xi32, #tpu.memory_space<vmem>> -> memref<1x125xi32, #tpu.memory_space<vmem>>
      %dma_wait3A_250 = tpu.memref_squeeze %dma_wait3A_249 : memref<1x125xi32, #tpu.memory_space<vmem>> -> memref<125xi32, #tpu.memory_space<vmem>>
      %dma_wait3A_251 = arith.constant 0 : i32
      %dma_wait3A_252 = arith.constant 0 : i32
      %dma_wait3A_253 = tpu.memref_slice %arg2[%dma_wait3A_251, %dma_wait3A_252] : memref<20000x64xf32, #tpu.memory_space<hbm>> -> memref<20000x64xf32, #tpu.memory_space<hbm>>
      tpu.wait_indirect_dma semaphore(%arg19 : memref<!tpu.dma_semaphore, #tpu.memory_space<semaphore_mem>>) src(%dma_wait3A_253 : memref<20000x64xf32, #tpu.memory_space<hbm>>) dst(%arg12 : memref<125x64xf32, #tpu.memory_space<vmem>>)
      %add3A_254 = arith.constant 4 : i32
      %add3A_255 = arith.addi %add3A_181, %add3A_254 : i32
      %dma_start3A_256 = arith.constant 0 : i32
      %dma_start3A_257 = tpu.memref_slice %arg7[%add3A_255, %dma_start3A_256] : memref<160x125xi32, #tpu.memory_space<vmem>> -> memref<1x125xi32, #tpu.memory_space<vmem>>
      %dma_start3A_258 = tpu.memref_squeeze %dma_start3A_257 : memref<1x125xi32, #tpu.memory_space<vmem>> -> memref<125xi32, #tpu.memory_space<vmem>>
      %dma_start3A_259 = arith.constant 0 : i32
      %dma_start3A_260 = arith.constant 0 : i32
      %dma_start3A_261 = tpu.memref_slice %arg14[%dma_start3A_259, %dma_start3A_260] : memref<10000x64xf32, #tpu.memory_space<vmem_shared>> -> memref<10000x64xf32, #tpu.memory_space<vmem_shared>>
      tpu.enqueue_indirect_dma source(%arg12 : memref<125x64xf32, #tpu.memory_space<vmem>>) target(%dma_start3A_261 : memref<10000x64xf32, #tpu.memory_space<vmem_shared>>) offsets(%dma_start3A_258 : memref<125xi32, #tpu.memory_space<vmem>>) semaphore(%arg24 : memref<!tpu.dma_semaphore, #tpu.memory_space<semaphore_mem>>) {add = true}
      %add3A_262 = arith.constant 0 : i32
      %add3A_263 = arith.addi %add3A_181, %add3A_262 : i32
      %dma_wait3A_264 = arith.constant 0 : i32
      %dma_wait3A_265 = tpu.memref_slice %arg7[%add3A_263, %dma_wait3A_264] : memref<160x125xi32, #tpu.memory_space<vmem>> -> memref<1x125xi32, #tpu.memory_space<vmem>>
      %dma_wait3A_266 = tpu.memref_squeeze %dma_wait3A_265 : memref<1x125xi32, #tpu.memory_space<vmem>> -> memref<125xi32, #tpu.memory_space<vmem>>
      %dma_wait3A_267 = arith.constant 0 : i32
      %dma_wait3A_268 = arith.constant 0 : i32
      %dma_wait3A_269 = tpu.memref_slice %arg14[%dma_wait3A_267, %dma_wait3A_268] : memref<10000x64xf32, #tpu.memory_space<vmem_shared>> -> memref<10000x64xf32, #tpu.memory_space<vmem_shared>>
      tpu.wait_indirect_dma semaphore(%arg20 : memref<!tpu.dma_semaphore, #tpu.memory_space<semaphore_mem>>) src(%arg8 : memref<125x64xf32, #tpu.memory_space<vmem>>) dst(%dma_wait3A_269 : memref<10000x64xf32, #tpu.memory_space<vmem_shared>>)
      %add3A_270 = arith.constant 5 : i32
      %add3A_271 = arith.addi %add3A_181, %add3A_270 : i32
      %add3A_272 = arith.constant 0 : i32
      %add3A_273 = arith.addi %add3A_271, %add3A_272 : i32
      %dma_start3A_274 = arith.constant 0 : i32
      %dma_start3A_275 = tpu.memref_slice %arg6[%add3A_273, %dma_start3A_274] : memref<160x125xi32, #tpu.memory_space<vmem>> -> memref<1x125xi32, #tpu.memory_space<vmem>>
      %dma_start3A_276 = tpu.memref_squeeze %dma_start3A_275 : memref<1x125xi32, #tpu.memory_space<vmem>> -> memref<125xi32, #tpu.memory_space<vmem>>
      %dma_start3A_277 = arith.constant 0 : i32
      %dma_start3A_278 = arith.constant 0 : i32
      %dma_start3A_279 = tpu.memref_slice %arg2[%dma_start3A_277, %dma_start3A_278] : memref<20000x64xf32, #tpu.memory_space<hbm>> -> memref<20000x64xf32, #tpu.memory_space<hbm>>
      tpu.enqueue_indirect_dma source(%dma_start3A_279 : memref<20000x64xf32, #tpu.memory_space<hbm>>) target(%arg8 : memref<125x64xf32, #tpu.memory_space<vmem>>) offsets(%dma_start3A_276 : memref<125xi32, #tpu.memory_space<vmem>>) semaphore(%arg15 : memref<!tpu.dma_semaphore, #tpu.memory_space<semaphore_mem>>)
      %add3A_280 = arith.constant 1 : i32
      %add3A_281 = arith.addi %add3A_181, %add3A_280 : i32
      %dma_wait3A_282 = arith.constant 0 : i32
      %dma_wait3A_283 = tpu.memref_slice %arg7[%add3A_281, %dma_wait3A_282] : memref<160x125xi32, #tpu.memory_space<vmem>> -> memref<1x125xi32, #tpu.memory_space<vmem>>
      %dma_wait3A_284 = tpu.memref_squeeze %dma_wait3A_283 : memref<1x125xi32, #tpu.memory_space<vmem>> -> memref<125xi32, #tpu.memory_space<vmem>>
      %dma_wait3A_285 = arith.constant 0 : i32
      %dma_wait3A_286 = arith.constant 0 : i32
      %dma_wait3A_287 = tpu.memref_slice %arg14[%dma_wait3A_285, %dma_wait3A_286] : memref<10000x64xf32, #tpu.memory_space<vmem_shared>> -> memref<10000x64xf32, #tpu.memory_space<vmem_shared>>
      tpu.wait_indirect_dma semaphore(%arg21 : memref<!tpu.dma_semaphore, #tpu.memory_space<semaphore_mem>>) src(%arg9 : memref<125x64xf32, #tpu.memory_space<vmem>>) dst(%dma_wait3A_287 : memref<10000x64xf32, #tpu.memory_space<vmem_shared>>)
      %add3A_288 = arith.constant 5 : i32
      %add3A_289 = arith.addi %add3A_181, %add3A_288 : i32
      %add3A_290 = arith.constant 1 : i32
      %add3A_291 = arith.addi %add3A_289, %add3A_290 : i32
      %dma_start3A_292 = arith.constant 0 : i32
      %dma_start3A_293 = tpu.memref_slice %arg6[%add3A_291, %dma_start3A_292] : memref<160x125xi32, #tpu.memory_space<vmem>> -> memref<1x125xi32, #tpu.memory_space<vmem>>
      %dma_start3A_294 = tpu.memref_squeeze %dma_start3A_293 : memref<1x125xi32, #tpu.memory_space<vmem>> -> memref<125xi32, #tpu.memory_space<vmem>>
      %dma_start3A_295 = arith.constant 0 : i32
      %dma_start3A_296 = arith.constant 0 : i32
      %dma_start3A_297 = tpu.memref_slice %arg2[%dma_start3A_295, %dma_start3A_296] : memref<20000x64xf32, #tpu.memory_space<hbm>> -> memref<20000x64xf32, #tpu.memory_space<hbm>>
      tpu.enqueue_indirect_dma source(%dma_start3A_297 : memref<20000x64xf32, #tpu.memory_space<hbm>>) target(%arg9 : memref<125x64xf32, #tpu.memory_space<vmem>>) offsets(%dma_start3A_294 : memref<125xi32, #tpu.memory_space<vmem>>) semaphore(%arg16 : memref<!tpu.dma_semaphore, #tpu.memory_space<semaphore_mem>>)
      %add3A_298 = arith.constant 2 : i32
      %add3A_299 = arith.addi %add3A_181, %add3A_298 : i32
      %dma_wait3A_300 = arith.constant 0 : i32
      %dma_wait3A_301 = tpu.memref_slice %arg7[%add3A_299, %dma_wait3A_300] : memref<160x125xi32, #tpu.memory_space<vmem>> -> memref<1x125xi32, #tpu.memory_space<vmem>>
      %dma_wait3A_302 = tpu.memref_squeeze %dma_wait3A_301 : memref<1x125xi32, #tpu.memory_space<vmem>> -> memref<125xi32, #tpu.memory_space<vmem>>
      %dma_wait3A_303 = arith.constant 0 : i32
      %dma_wait3A_304 = arith.constant 0 : i32
      %dma_wait3A_305 = tpu.memref_slice %arg14[%dma_wait3A_303, %dma_wait3A_304] : memref<10000x64xf32, #tpu.memory_space<vmem_shared>> -> memref<10000x64xf32, #tpu.memory_space<vmem_shared>>
      tpu.wait_indirect_dma semaphore(%arg22 : memref<!tpu.dma_semaphore, #tpu.memory_space<semaphore_mem>>) src(%arg10 : memref<125x64xf32, #tpu.memory_space<vmem>>) dst(%dma_wait3A_305 : memref<10000x64xf32, #tpu.memory_space<vmem_shared>>)
      %add3A_306 = arith.constant 5 : i32
      %add3A_307 = arith.addi %add3A_181, %add3A_306 : i32
      %add3A_308 = arith.constant 2 : i32
      %add3A_309 = arith.addi %add3A_307, %add3A_308 : i32
      %dma_start3A_310 = arith.constant 0 : i32
      %dma_start3A_311 = tpu.memref_slice %arg6[%add3A_309, %dma_start3A_310] : memref<160x125xi32, #tpu.memory_space<vmem>> -> memref<1x125xi32, #tpu.memory_space<vmem>>
      %dma_start3A_312 = tpu.memref_squeeze %dma_start3A_311 : memref<1x125xi32, #tpu.memory_space<vmem>> -> memref<125xi32, #tpu.memory_space<vmem>>
      %dma_start3A_313 = arith.constant 0 : i32
      %dma_start3A_314 = arith.constant 0 : i32
      %dma_start3A_315 = tpu.memref_slice %arg2[%dma_start3A_313, %dma_start3A_314] : memref<20000x64xf32, #tpu.memory_space<hbm>> -> memref<20000x64xf32, #tpu.memory_space<hbm>>
      tpu.enqueue_indirect_dma source(%dma_start3A_315 : memref<20000x64xf32, #tpu.memory_space<hbm>>) target(%arg10 : memref<125x64xf32, #tpu.memory_space<vmem>>) offsets(%dma_start3A_312 : memref<125xi32, #tpu.memory_space<vmem>>) semaphore(%arg17 : memref<!tpu.dma_semaphore, #tpu.memory_space<semaphore_mem>>)
      %add3A_316 = arith.constant 3 : i32
      %add3A_317 = arith.addi %add3A_181, %add3A_316 : i32
      %dma_wait3A_318 = arith.constant 0 : i32
      %dma_wait3A_319 = tpu.memref_slice %arg7[%add3A_317, %dma_wait3A_318] : memref<160x125xi32, #tpu.memory_space<vmem>> -> memref<1x125xi32, #tpu.memory_space<vmem>>
      %dma_wait3A_320 = tpu.memref_squeeze %dma_wait3A_319 : memref<1x125xi32, #tpu.memory_space<vmem>> -> memref<125xi32, #tpu.memory_space<vmem>>
      %dma_wait3A_321 = arith.constant 0 : i32
      %dma_wait3A_322 = arith.constant 0 : i32
      %dma_wait3A_323 = tpu.memref_slice %arg14[%dma_wait3A_321, %dma_wait3A_322] : memref<10000x64xf32, #tpu.memory_space<vmem_shared>> -> memref<10000x64xf32, #tpu.memory_space<vmem_shared>>
      tpu.wait_indirect_dma semaphore(%arg23 : memref<!tpu.dma_semaphore, #tpu.memory_space<semaphore_mem>>) src(%arg11 : memref<125x64xf32, #tpu.memory_space<vmem>>) dst(%dma_wait3A_323 : memref<10000x64xf32, #tpu.memory_space<vmem_shared>>)
      %add3A_324 = arith.constant 5 : i32
      %add3A_325 = arith.addi %add3A_181, %add3A_324 : i32
      %add3A_326 = arith.constant 3 : i32
      %add3A_327 = arith.addi %add3A_325, %add3A_326 : i32
      %dma_start3A_328 = arith.constant 0 : i32
      %dma_start3A_329 = tpu.memref_slice %arg6[%add3A_327, %dma_start3A_328] : memref<160x125xi32, #tpu.memory_space<vmem>> -> memref<1x125xi32, #tpu.memory_space<vmem>>
      %dma_start3A_330 = tpu.memref_squeeze %dma_start3A_329 : memref<1x125xi32, #tpu.memory_space<vmem>> -> memref<125xi32, #tpu.memory_space<vmem>>
      %dma_start3A_331 = arith.constant 0 : i32
      %dma_start3A_332 = arith.constant 0 : i32
      %dma_start3A_333 = tpu.memref_slice %arg2[%dma_start3A_331, %dma_start3A_332] : memref<20000x64xf32, #tpu.memory_space<hbm>> -> memref<20000x64xf32, #tpu.memory_space<hbm>>
      tpu.enqueue_indirect_dma source(%dma_start3A_333 : memref<20000x64xf32, #tpu.memory_space<hbm>>) target(%arg11 : memref<125x64xf32, #tpu.memory_space<vmem>>) offsets(%dma_start3A_330 : memref<125xi32, #tpu.memory_space<vmem>>) semaphore(%arg18 : memref<!tpu.dma_semaphore, #tpu.memory_space<semaphore_mem>>)
      %add3A_334 = arith.constant 4 : i32
      %add3A_335 = arith.addi %add3A_181, %add3A_334 : i32
      %dma_wait3A_336 = arith.constant 0 : i32
      %dma_wait3A_337 = tpu.memref_slice %arg7[%add3A_335, %dma_wait3A_336] : memref<160x125xi32, #tpu.memory_space<vmem>> -> memref<1x125xi32, #tpu.memory_space<vmem>>
      %dma_wait3A_338 = tpu.memref_squeeze %dma_wait3A_337 : memref<1x125xi32, #tpu.memory_space<vmem>> -> memref<125xi32, #tpu.memory_space<vmem>>
      %dma_wait3A_339 = arith.constant 0 : i32
      %dma_wait3A_340 = arith.constant 0 : i32
      %dma_wait3A_341 = tpu.memref_slice %arg14[%dma_wait3A_339, %dma_wait3A_340] : memref<10000x64xf32, #tpu.memory_space<vmem_shared>> -> memref<10000x64xf32, #tpu.memory_space<vmem_shared>>
      tpu.wait_indirect_dma semaphore(%arg24 : memref<!tpu.dma_semaphore, #tpu.memory_space<semaphore_mem>>) src(%arg12 : memref<125x64xf32, #tpu.memory_space<vmem>>) dst(%dma_wait3A_341 : memref<10000x64xf32, #tpu.memory_space<vmem_shared>>)
      %add3A_342 = arith.constant 5 : i32
      %add3A_343 = arith.addi %add3A_181, %add3A_342 : i32
      %add3A_344 = arith.constant 4 : i32
      %add3A_345 = arith.addi %add3A_343, %add3A_344 : i32
      %dma_start3A_346 = arith.constant 0 : i32
      %dma_start3A_347 = tpu.memref_slice %arg6[%add3A_345, %dma_start3A_346] : memref<160x125xi32, #tpu.memory_space<vmem>> -> memref<1x125xi32, #tpu.memory_space<vmem>>
      %dma_start3A_348 = tpu.memref_squeeze %dma_start3A_347 : memref<1x125xi32, #tpu.memory_space<vmem>> -> memref<125xi32, #tpu.memory_space<vmem>>
      %dma_start3A_349 = arith.constant 0 : i32
      %dma_start3A_350 = arith.constant 0 : i32
      %dma_start3A_351 = tpu.memref_slice %arg2[%dma_start3A_349, %dma_start3A_350] : memref<20000x64xf32, #tpu.memory_space<hbm>> -> memref<20000x64xf32, #tpu.memory_space<hbm>>
      tpu.enqueue_indirect_dma source(%dma_start3A_351 : memref<20000x64xf32, #tpu.memory_space<hbm>>) target(%arg12 : memref<125x64xf32, #tpu.memory_space<vmem>>) offsets(%dma_start3A_348 : memref<125xi32, #tpu.memory_space<vmem>>) semaphore(%arg19 : memref<!tpu.dma_semaphore, #tpu.memory_space<semaphore_mem>>)
    }
    %scan3A_61 = arith.constant 31 : i32
    %dma_wait3A = arith.constant 155 : i32
    %dma_wait3A_62 = arith.constant 0 : i32
    %dma_wait3A_63 = tpu.memref_slice %arg6[%dma_wait3A, %dma_wait3A_62] : memref<160x125xi32, #tpu.memory_space<vmem>> -> memref<1x125xi32, #tpu.memory_space<vmem>>
    %dma_wait3A_64 = tpu.memref_squeeze %dma_wait3A_63 : memref<1x125xi32, #tpu.memory_space<vmem>> -> memref<125xi32, #tpu.memory_space<vmem>>
    %dma_wait3A_65 = arith.constant 0 : i32
    %dma_wait3A_66 = arith.constant 0 : i32
    %dma_wait3A_67 = tpu.memref_slice %arg2[%dma_wait3A_65, %dma_wait3A_66] : memref<20000x64xf32, #tpu.memory_space<hbm>> -> memref<20000x64xf32, #tpu.memory_space<hbm>>
    tpu.wait_indirect_dma semaphore(%arg15 : memref<!tpu.dma_semaphore, #tpu.memory_space<semaphore_mem>>) src(%dma_wait3A_67 : memref<20000x64xf32, #tpu.memory_space<hbm>>) dst(%arg8 : memref<125x64xf32, #tpu.memory_space<vmem>>)
    %dma_start3A_68 = arith.constant 155 : i32
    %dma_start3A_69 = arith.constant 0 : i32
    %dma_start3A_70 = tpu.memref_slice %arg7[%dma_start3A_68, %dma_start3A_69] : memref<160x125xi32, #tpu.memory_space<vmem>> -> memref<1x125xi32, #tpu.memory_space<vmem>>
    %dma_start3A_71 = tpu.memref_squeeze %dma_start3A_70 : memref<1x125xi32, #tpu.memory_space<vmem>> -> memref<125xi32, #tpu.memory_space<vmem>>
    %dma_start3A_72 = arith.constant 0 : i32
    %dma_start3A_73 = arith.constant 0 : i32
    %dma_start3A_74 = tpu.memref_slice %arg14[%dma_start3A_72, %dma_start3A_73] : memref<10000x64xf32, #tpu.memory_space<vmem_shared>> -> memref<10000x64xf32, #tpu.memory_space<vmem_shared>>
    tpu.enqueue_indirect_dma source(%arg8 : memref<125x64xf32, #tpu.memory_space<vmem>>) target(%dma_start3A_74 : memref<10000x64xf32, #tpu.memory_space<vmem_shared>>) offsets(%dma_start3A_71 : memref<125xi32, #tpu.memory_space<vmem>>) semaphore(%arg20 : memref<!tpu.dma_semaphore, #tpu.memory_space<semaphore_mem>>) {add = true}
    %dma_wait3A_75 = arith.constant 156 : i32
    %dma_wait3A_76 = arith.constant 0 : i32
    %dma_wait3A_77 = tpu.memref_slice %arg6[%dma_wait3A_75, %dma_wait3A_76] : memref<160x125xi32, #tpu.memory_space<vmem>> -> memref<1x125xi32, #tpu.memory_space<vmem>>
    %dma_wait3A_78 = tpu.memref_squeeze %dma_wait3A_77 : memref<1x125xi32, #tpu.memory_space<vmem>> -> memref<125xi32, #tpu.memory_space<vmem>>
    %dma_wait3A_79 = arith.constant 0 : i32
    %dma_wait3A_80 = arith.constant 0 : i32
    %dma_wait3A_81 = tpu.memref_slice %arg2[%dma_wait3A_79, %dma_wait3A_80] : memref<20000x64xf32, #tpu.memory_space<hbm>> -> memref<20000x64xf32, #tpu.memory_space<hbm>>
    tpu.wait_indirect_dma semaphore(%arg16 : memref<!tpu.dma_semaphore, #tpu.memory_space<semaphore_mem>>) src(%dma_wait3A_81 : memref<20000x64xf32, #tpu.memory_space<hbm>>) dst(%arg9 : memref<125x64xf32, #tpu.memory_space<vmem>>)
    %dma_start3A_82 = arith.constant 156 : i32
    %dma_start3A_83 = arith.constant 0 : i32
    %dma_start3A_84 = tpu.memref_slice %arg7[%dma_start3A_82, %dma_start3A_83] : memref<160x125xi32, #tpu.memory_space<vmem>> -> memref<1x125xi32, #tpu.memory_space<vmem>>
    %dma_start3A_85 = tpu.memref_squeeze %dma_start3A_84 : memref<1x125xi32, #tpu.memory_space<vmem>> -> memref<125xi32, #tpu.memory_space<vmem>>
    %dma_start3A_86 = arith.constant 0 : i32
    %dma_start3A_87 = arith.constant 0 : i32
    %dma_start3A_88 = tpu.memref_slice %arg14[%dma_start3A_86, %dma_start3A_87] : memref<10000x64xf32, #tpu.memory_space<vmem_shared>> -> memref<10000x64xf32, #tpu.memory_space<vmem_shared>>
    tpu.enqueue_indirect_dma source(%arg9 : memref<125x64xf32, #tpu.memory_space<vmem>>) target(%dma_start3A_88 : memref<10000x64xf32, #tpu.memory_space<vmem_shared>>) offsets(%dma_start3A_85 : memref<125xi32, #tpu.memory_space<vmem>>) semaphore(%arg21 : memref<!tpu.dma_semaphore, #tpu.memory_space<semaphore_mem>>) {add = true}
    %dma_wait3A_89 = arith.constant 157 : i32
    %dma_wait3A_90 = arith.constant 0 : i32
    %dma_wait3A_91 = tpu.memref_slice %arg6[%dma_wait3A_89, %dma_wait3A_90] : memref<160x125xi32, #tpu.memory_space<vmem>> -> memref<1x125xi32, #tpu.memory_space<vmem>>
    %dma_wait3A_92 = tpu.memref_squeeze %dma_wait3A_91 : memref<1x125xi32, #tpu.memory_space<vmem>> -> memref<125xi32, #tpu.memory_space<vmem>>
    %dma_wait3A_93 = arith.constant 0 : i32
    %dma_wait3A_94 = arith.constant 0 : i32
    %dma_wait3A_95 = tpu.memref_slice %arg2[%dma_wait3A_93, %dma_wait3A_94] : memref<20000x64xf32, #tpu.memory_space<hbm>> -> memref<20000x64xf32, #tpu.memory_space<hbm>>
    tpu.wait_indirect_dma semaphore(%arg17 : memref<!tpu.dma_semaphore, #tpu.memory_space<semaphore_mem>>) src(%dma_wait3A_95 : memref<20000x64xf32, #tpu.memory_space<hbm>>) dst(%arg10 : memref<125x64xf32, #tpu.memory_space<vmem>>)
    %dma_start3A_96 = arith.constant 157 : i32
    %dma_start3A_97 = arith.constant 0 : i32
    %dma_start3A_98 = tpu.memref_slice %arg7[%dma_start3A_96, %dma_start3A_97] : memref<160x125xi32, #tpu.memory_space<vmem>> -> memref<1x125xi32, #tpu.memory_space<vmem>>
    %dma_start3A_99 = tpu.memref_squeeze %dma_start3A_98 : memref<1x125xi32, #tpu.memory_space<vmem>> -> memref<125xi32, #tpu.memory_space<vmem>>
    %dma_start3A_100 = arith.constant 0 : i32
    %dma_start3A_101 = arith.constant 0 : i32
    %dma_start3A_102 = tpu.memref_slice %arg14[%dma_start3A_100, %dma_start3A_101] : memref<10000x64xf32, #tpu.memory_space<vmem_shared>> -> memref<10000x64xf32, #tpu.memory_space<vmem_shared>>
    tpu.enqueue_indirect_dma source(%arg10 : memref<125x64xf32, #tpu.memory_space<vmem>>) target(%dma_start3A_102 : memref<10000x64xf32, #tpu.memory_space<vmem_shared>>) offsets(%dma_start3A_99 : memref<125xi32, #tpu.memory_space<vmem>>) semaphore(%arg22 : memref<!tpu.dma_semaphore, #tpu.memory_space<semaphore_mem>>) {add = true}
    %dma_wait3A_103 = arith.constant 158 : i32
    %dma_wait3A_104 = arith.constant 0 : i32
    %dma_wait3A_105 = tpu.memref_slice %arg6[%dma_wait3A_103, %dma_wait3A_104] : memref<160x125xi32, #tpu.memory_space<vmem>> -> memref<1x125xi32, #tpu.memory_space<vmem>>
    %dma_wait3A_106 = tpu.memref_squeeze %dma_wait3A_105 : memref<1x125xi32, #tpu.memory_space<vmem>> -> memref<125xi32, #tpu.memory_space<vmem>>
    %dma_wait3A_107 = arith.constant 0 : i32
    %dma_wait3A_108 = arith.constant 0 : i32
    %dma_wait3A_109 = tpu.memref_slice %arg2[%dma_wait3A_107, %dma_wait3A_108] : memref<20000x64xf32, #tpu.memory_space<hbm>> -> memref<20000x64xf32, #tpu.memory_space<hbm>>
    tpu.wait_indirect_dma semaphore(%arg18 : memref<!tpu.dma_semaphore, #tpu.memory_space<semaphore_mem>>) src(%dma_wait3A_109 : memref<20000x64xf32, #tpu.memory_space<hbm>>) dst(%arg11 : memref<125x64xf32, #tpu.memory_space<vmem>>)
    %dma_start3A_110 = arith.constant 158 : i32
    %dma_start3A_111 = arith.constant 0 : i32
    %dma_start3A_112 = tpu.memref_slice %arg7[%dma_start3A_110, %dma_start3A_111] : memref<160x125xi32, #tpu.memory_space<vmem>> -> memref<1x125xi32, #tpu.memory_space<vmem>>
    %dma_start3A_113 = tpu.memref_squeeze %dma_start3A_112 : memref<1x125xi32, #tpu.memory_space<vmem>> -> memref<125xi32, #tpu.memory_space<vmem>>
    %dma_start3A_114 = arith.constant 0 : i32
    %dma_start3A_115 = arith.constant 0 : i32
    %dma_start3A_116 = tpu.memref_slice %arg14[%dma_start3A_114, %dma_start3A_115] : memref<10000x64xf32, #tpu.memory_space<vmem_shared>> -> memref<10000x64xf32, #tpu.memory_space<vmem_shared>>
    tpu.enqueue_indirect_dma source(%arg11 : memref<125x64xf32, #tpu.memory_space<vmem>>) target(%dma_start3A_116 : memref<10000x64xf32, #tpu.memory_space<vmem_shared>>) offsets(%dma_start3A_113 : memref<125xi32, #tpu.memory_space<vmem>>) semaphore(%arg23 : memref<!tpu.dma_semaphore, #tpu.memory_space<semaphore_mem>>) {add = true}
    %dma_wait3A_117 = arith.constant 159 : i32
    %dma_wait3A_118 = arith.constant 0 : i32
    %dma_wait3A_119 = tpu.memref_slice %arg6[%dma_wait3A_117, %dma_wait3A_118] : memref<160x125xi32, #tpu.memory_space<vmem>> -> memref<1x125xi32, #tpu.memory_space<vmem>>
    %dma_wait3A_120 = tpu.memref_squeeze %dma_wait3A_119 : memref<1x125xi32, #tpu.memory_space<vmem>> -> memref<125xi32, #tpu.memory_space<vmem>>
    %dma_wait3A_121 = arith.constant 0 : i32
    %dma_wait3A_122 = arith.constant 0 : i32
    %dma_wait3A_123 = tpu.memref_slice %arg2[%dma_wait3A_121, %dma_wait3A_122] : memref<20000x64xf32, #tpu.memory_space<hbm>> -> memref<20000x64xf32, #tpu.memory_space<hbm>>
    tpu.wait_indirect_dma semaphore(%arg19 : memref<!tpu.dma_semaphore, #tpu.memory_space<semaphore_mem>>) src(%dma_wait3A_123 : memref<20000x64xf32, #tpu.memory_space<hbm>>) dst(%arg12 : memref<125x64xf32, #tpu.memory_space<vmem>>)
    %dma_start3A_124 = arith.constant 159 : i32
    %dma_start3A_125 = arith.constant 0 : i32
    %dma_start3A_126 = tpu.memref_slice %arg7[%dma_start3A_124, %dma_start3A_125] : memref<160x125xi32, #tpu.memory_space<vmem>> -> memref<1x125xi32, #tpu.memory_space<vmem>>
    %dma_start3A_127 = tpu.memref_squeeze %dma_start3A_126 : memref<1x125xi32, #tpu.memory_space<vmem>> -> memref<125xi32, #tpu.memory_space<vmem>>
    %dma_start3A_128 = arith.constant 0 : i32
    %dma_start3A_129 = arith.constant 0 : i32
    %dma_start3A_130 = tpu.memref_slice %arg14[%dma_start3A_128, %dma_start3A_129] : memref<10000x64xf32, #tpu.memory_space<vmem_shared>> -> memref<10000x64xf32, #tpu.memory_space<vmem_shared>>
    tpu.enqueue_indirect_dma source(%arg12 : memref<125x64xf32, #tpu.memory_space<vmem>>) target(%dma_start3A_130 : memref<10000x64xf32, #tpu.memory_space<vmem_shared>>) offsets(%dma_start3A_127 : memref<125xi32, #tpu.memory_space<vmem>>) semaphore(%arg24 : memref<!tpu.dma_semaphore, #tpu.memory_space<semaphore_mem>>) {add = true}
    %dma_wait3A_131 = arith.constant 155 : i32
    %dma_wait3A_132 = arith.constant 0 : i32
    %dma_wait3A_133 = tpu.memref_slice %arg7[%dma_wait3A_131, %dma_wait3A_132] : memref<160x125xi32, #tpu.memory_space<vmem>> -> memref<1x125xi32, #tpu.memory_space<vmem>>
    %dma_wait3A_134 = tpu.memref_squeeze %dma_wait3A_133 : memref<1x125xi32, #tpu.memory_space<vmem>> -> memref<125xi32, #tpu.memory_space<vmem>>
    %dma_wait3A_135 = arith.constant 0 : i32
    %dma_wait3A_136 = arith.constant 0 : i32
    %dma_wait3A_137 = tpu.memref_slice %arg14[%dma_wait3A_135, %dma_wait3A_136] : memref<10000x64xf32, #tpu.memory_space<vmem_shared>> -> memref<10000x64xf32, #tpu.memory_space<vmem_shared>>
    tpu.wait_indirect_dma semaphore(%arg20 : memref<!tpu.dma_semaphore, #tpu.memory_space<semaphore_mem>>) src(%arg8 : memref<125x64xf32, #tpu.memory_space<vmem>>) dst(%dma_wait3A_137 : memref<10000x64xf32, #tpu.memory_space<vmem_shared>>)
    %dma_wait3A_138 = arith.constant 156 : i32
    %dma_wait3A_139 = arith.constant 0 : i32
    %dma_wait3A_140 = tpu.memref_slice %arg7[%dma_wait3A_138, %dma_wait3A_139] : memref<160x125xi32, #tpu.memory_space<vmem>> -> memref<1x125xi32, #tpu.memory_space<vmem>>
    %dma_wait3A_141 = tpu.memref_squeeze %dma_wait3A_140 : memref<1x125xi32, #tpu.memory_space<vmem>> -> memref<125xi32, #tpu.memory_space<vmem>>
    %dma_wait3A_142 = arith.constant 0 : i32
    %dma_wait3A_143 = arith.constant 0 : i32
    %dma_wait3A_144 = tpu.memref_slice %arg14[%dma_wait3A_142, %dma_wait3A_143] : memref<10000x64xf32, #tpu.memory_space<vmem_shared>> -> memref<10000x64xf32, #tpu.memory_space<vmem_shared>>
    tpu.wait_indirect_dma semaphore(%arg21 : memref<!tpu.dma_semaphore, #tpu.memory_space<semaphore_mem>>) src(%arg9 : memref<125x64xf32, #tpu.memory_space<vmem>>) dst(%dma_wait3A_144 : memref<10000x64xf32, #tpu.memory_space<vmem_shared>>)
    %dma_wait3A_145 = arith.constant 157 : i32
    %dma_wait3A_146 = arith.constant 0 : i32
    %dma_wait3A_147 = tpu.memref_slice %arg7[%dma_wait3A_145, %dma_wait3A_146] : memref<160x125xi32, #tpu.memory_space<vmem>> -> memref<1x125xi32, #tpu.memory_space<vmem>>
    %dma_wait3A_148 = tpu.memref_squeeze %dma_wait3A_147 : memref<1x125xi32, #tpu.memory_space<vmem>> -> memref<125xi32, #tpu.memory_space<vmem>>
    %dma_wait3A_149 = arith.constant 0 : i32
    %dma_wait3A_150 = arith.constant 0 : i32
    %dma_wait3A_151 = tpu.memref_slice %arg14[%dma_wait3A_149, %dma_wait3A_150] : memref<10000x64xf32, #tpu.memory_space<vmem_shared>> -> memref<10000x64xf32, #tpu.memory_space<vmem_shared>>
    tpu.wait_indirect_dma semaphore(%arg22 : memref<!tpu.dma_semaphore, #tpu.memory_space<semaphore_mem>>) src(%arg10 : memref<125x64xf32, #tpu.memory_space<vmem>>) dst(%dma_wait3A_151 : memref<10000x64xf32, #tpu.memory_space<vmem_shared>>)
    %dma_wait3A_152 = arith.constant 158 : i32
    %dma_wait3A_153 = arith.constant 0 : i32
    %dma_wait3A_154 = tpu.memref_slice %arg7[%dma_wait3A_152, %dma_wait3A_153] : memref<160x125xi32, #tpu.memory_space<vmem>> -> memref<1x125xi32, #tpu.memory_space<vmem>>
    %dma_wait3A_155 = tpu.memref_squeeze %dma_wait3A_154 : memref<1x125xi32, #tpu.memory_space<vmem>> -> memref<125xi32, #tpu.memory_space<vmem>>
    %dma_wait3A_156 = arith.constant 0 : i32
    %dma_wait3A_157 = arith.constant 0 : i32
    %dma_wait3A_158 = tpu.memref_slice %arg14[%dma_wait3A_156, %dma_wait3A_157] : memref<10000x64xf32, #tpu.memory_space<vmem_shared>> -> memref<10000x64xf32, #tpu.memory_space<vmem_shared>>
    tpu.wait_indirect_dma semaphore(%arg23 : memref<!tpu.dma_semaphore, #tpu.memory_space<semaphore_mem>>) src(%arg11 : memref<125x64xf32, #tpu.memory_space<vmem>>) dst(%dma_wait3A_158 : memref<10000x64xf32, #tpu.memory_space<vmem_shared>>)
    %dma_wait3A_159 = arith.constant 159 : i32
    %dma_wait3A_160 = arith.constant 0 : i32
    %dma_wait3A_161 = tpu.memref_slice %arg7[%dma_wait3A_159, %dma_wait3A_160] : memref<160x125xi32, #tpu.memory_space<vmem>> -> memref<1x125xi32, #tpu.memory_space<vmem>>
    %dma_wait3A_162 = tpu.memref_squeeze %dma_wait3A_161 : memref<1x125xi32, #tpu.memory_space<vmem>> -> memref<125xi32, #tpu.memory_space<vmem>>
    %dma_wait3A_163 = arith.constant 0 : i32
    %dma_wait3A_164 = arith.constant 0 : i32
    %dma_wait3A_165 = tpu.memref_slice %arg14[%dma_wait3A_163, %dma_wait3A_164] : memref<10000x64xf32, #tpu.memory_space<vmem_shared>> -> memref<10000x64xf32, #tpu.memory_space<vmem_shared>>
    tpu.wait_indirect_dma semaphore(%arg24 : memref<!tpu.dma_semaphore, #tpu.memory_space<semaphore_mem>>) src(%arg12 : memref<125x64xf32, #tpu.memory_space<vmem>>) dst(%dma_wait3A_165 : memref<10000x64xf32, #tpu.memory_space<vmem_shared>>)
    %barrier3A_166 = arith.constant 0 : index
    tpu.barrier barrier_id(%barrier3A_166)
    %while3A_167 = arith.constant 0 : i32
    %while3A_168 = arith.constant 0 : i32
    %while3A_169 = arith.subi %select_n3A, %while3A_168 : i32
    %while3A_170 = arith.addi %while3A_168, %while3A_169 : i32
    %while3A_171 = arith.constant 1 : i32
    %while3A_172 = arith.divsi %while3A_169, %while3A_171 : i32
    %while3A_173 = arith.muli %while3A_172, %while3A_171 : i32
    %while3A_174 = arith.addi %while3A_168, %while3A_173 : i32
    %while3A_175 = arith.constant 1 : i32
    scf.for %while3A_177 = %while3A_168 to %while3A_174 step %while3A_175  : i32 {
      %mul3A_178 = arith.constant 80 : i32
      %mul3A_179 = arith.muli %while3A_177, %mul3A_178 : i32
      %add3A_180 = arith.addi %mul3A_5, %mul3A_179 : i32
      %mul3A_181 = arith.constant 10000 : i32
      %mul3A_182 = arith.muli %arg0, %mul3A_181 : i32
      %add3A_183 = arith.addi %mul3A_182, %mul3A_5 : i32
      %mul3A_184 = arith.constant 80 : i32
      %mul3A_185 = arith.muli %while3A_177, %mul3A_184 : i32
      %add3A_186 = arith.addi %add3A_183, %mul3A_185 : i32
      "tpu.region"() ({
        %run_scoped3A = tpu.sem_alloc : memref<!tpu.dma_semaphore, #tpu.memory_space<semaphore_mem>>
        %dma_start3A_187 = arith.constant 0 : i32
        %dma_start3A_188 = tpu.memref_slice %arg5[%add3A_186, %dma_start3A_187] : memref<20000x64xf32, #tpu.memory_space<hbm>> -> memref<80x64xf32, #tpu.memory_space<hbm>>
        %dma_start3A_189 = arith.constant 0 : i32
        %dma_start3A_190 = tpu.memref_slice %arg14[%add3A_180, %dma_start3A_189] : memref<10000x64xf32, #tpu.memory_space<vmem_shared>> -> memref<80x64xf32, #tpu.memory_space<vmem_shared>>
        tpu.enqueue_dma source(%dma_start3A_190 : memref<80x64xf32, #tpu.memory_space<vmem_shared>>) target(%dma_start3A_188 : memref<80x64xf32, #tpu.memory_space<hbm>>) target_semaphore(%run_scoped3A : memref<!tpu.dma_semaphore, #tpu.memory_space<semaphore_mem>>)
        %dma_wait3A_191 = arith.constant 0 : i32
        %dma_wait3A_192 = tpu.memref_slice %arg5[%add3A_186, %dma_wait3A_191] : memref<20000x64xf32, #tpu.memory_space<hbm>> -> memref<80x64xf32, #tpu.memory_space<hbm>>
        %dma_wait3A_193 = arith.constant 0 : i32
        %dma_wait3A_194 = tpu.memref_slice %arg14[%add3A_180, %dma_wait3A_193] : memref<10000x64xf32, #tpu.memory_space<vmem_shared>> -> memref<80x64xf32, #tpu.memory_space<vmem_shared>>
        tpu.wait_dma2 semaphore(%run_scoped3A : memref<!tpu.dma_semaphore, #tpu.memory_space<semaphore_mem>>) src(%dma_wait3A_194 : memref<80x64xf32, #tpu.memory_space<vmem_shared>>) dst(%dma_wait3A_192 : memref<80x64xf32, #tpu.memory_space<hbm>>)
        tpu.yield
      }) : () -> ()
    }
    %while3A_176 = arith.constant 1 : i32
    scf.for %while3A_177 = %while3A_174 to %while3A_170 step %while3A_176  : i32 {
      %mul3A_178 = arith.constant 80 : i32
      %mul3A_179 = arith.muli %while3A_177, %mul3A_178 : i32
      %add3A_180 = arith.addi %mul3A_5, %mul3A_179 : i32
      %mul3A_181 = arith.constant 10000 : i32
      %mul3A_182 = arith.muli %arg0, %mul3A_181 : i32
      %add3A_183 = arith.addi %mul3A_182, %mul3A_5 : i32
      %mul3A_184 = arith.constant 80 : i32
      %mul3A_185 = arith.muli %while3A_177, %mul3A_184 : i32
      %add3A_186 = arith.addi %add3A_183, %mul3A_185 : i32
      "tpu.region"() ({
        %run_scoped3A = tpu.sem_alloc : memref<!tpu.dma_semaphore, #tpu.memory_space<semaphore_mem>>
        %dma_start3A_187 = arith.constant 0 : i32
        %dma_start3A_188 = tpu.memref_slice %arg5[%add3A_186, %dma_start3A_187] : memref<20000x64xf32, #tpu.memory_space<hbm>> -> memref<80x64xf32, #tpu.memory_space<hbm>>
        %dma_start3A_189 = arith.constant 0 : i32
        %dma_start3A_190 = tpu.memref_slice %arg14[%add3A_180, %dma_start3A_189] : memref<10000x64xf32, #tpu.memory_space<vmem_shared>> -> memref<80x64xf32, #tpu.memory_space<vmem_shared>>
        tpu.enqueue_dma source(%dma_start3A_190 : memref<80x64xf32, #tpu.memory_space<vmem_shared>>) target(%dma_start3A_188 : memref<80x64xf32, #tpu.memory_space<hbm>>) target_semaphore(%run_scoped3A : memref<!tpu.dma_semaphore, #tpu.memory_space<semaphore_mem>>)
        %dma_wait3A_191 = arith.constant 0 : i32
        %dma_wait3A_192 = tpu.memref_slice %arg5[%add3A_186, %dma_wait3A_191] : memref<20000x64xf32, #tpu.memory_space<hbm>> -> memref<80x64xf32, #tpu.memory_space<hbm>>
        %dma_wait3A_193 = arith.constant 0 : i32
        %dma_wait3A_194 = tpu.memref_slice %arg14[%add3A_180, %dma_wait3A_193] : memref<10000x64xf32, #tpu.memory_space<vmem_shared>> -> memref<80x64xf32, #tpu.memory_space<vmem_shared>>
        tpu.wait_dma2 semaphore(%run_scoped3A : memref<!tpu.dma_semaphore, #tpu.memory_space<semaphore_mem>>) src(%dma_wait3A_194 : memref<80x64xf32, #tpu.memory_space<vmem_shared>>) dst(%dma_wait3A_192 : memref<80x64xf32, #tpu.memory_space<hbm>>)
        tpu.yield
      }) : () -> ()
    }
    return
  }
}

module attributes {stable_mosaic.version = 14 : i64} {
  func.func @_tc_pre_body(%arg0: i32, %arg1: memref<1000x128xf32, #tpu.memory_space<vmem>>, %arg2: memref<128x64xf32, #tpu.memory_space<vmem>>, %arg3: memref<8x64xf32, #tpu.memory_space<vmem>>, %arg4: memref<8x128xf32, #tpu.memory_space<vmem>>, %arg5: memref<1000x64xf32, #tpu.memory_space<vmem>>, %arg6: memref<2x1000x64xf32, #tpu.memory_space<vmem>>) attributes {dimension_semantics = [#tpu.dimension_semantics<arbitrary>], iteration_bounds = array<i64: 10>, scalar_prefetch = 0 : i64, scratch_operands = 0 : i64, tpu.core_type = #tpu.core_type<tc>, window_params = [{transform_indices = @transform_0, window_bounds = array<i64: 1000, 128>}, {pipeline_mode = #tpu.pipeline_mode<synchronous>, transform_indices = @transform_1, window_bounds = array<i64: 128, 64>}, {pipeline_mode = #tpu.pipeline_mode<synchronous>, transform_indices = @transform_2, window_bounds = array<i64: 8, 64>}, {pipeline_mode = #tpu.pipeline_mode<synchronous>, transform_indices = @transform_3, window_bounds = array<i64: 8, 128>}, {transform_indices = @transform_4, window_bounds = array<i64: 1000, 64>}, {transform_indices = @transform_5, window_bounds = array<i64: 2, 1000, 64>}]} {
    %get3A = arith.constant 0 : index
    %get3A_0 = arith.constant 0 : index
    %get3A_1 = vector.load %arg1[%get3A, %get3A_0] : memref<1000x128xf32, #tpu.memory_space<vmem>>, vector<1000x128xf32>
    %get3A_2 = arith.constant 0 : index
    %get3A_3 = arith.constant 0 : index
    %get3A_4 = vector.load %arg2[%get3A_2, %get3A_3] : memref<128x64xf32, #tpu.memory_space<vmem>>, vector<128x64xf32>
    %dot_general3A = arith.constant dense<0.000000e+00> : vector<1000x64xf32>
    %dot_general3A_5 = tpu.matmul %get3A_1, %get3A_4, %dot_general3A {dimension_numbers = #tpu.dot_dimension_numbers<[1], [0], [0], [1], [0, 0, 1, 1], [], []>, transpose_lhs_hint = false} : vector<1000x128xf32>, vector<128x64xf32>, vector<1000x64xf32> -> vector<1000x64xf32>
    %get3A_6 = arith.constant 0 : index
    %get3A_7 = arith.constant 0 : index
    %get3A_8 = vector.load %arg3[%get3A_6, %get3A_7] : memref<8x64xf32, #tpu.memory_space<vmem>>, vector<1x64xf32>
    %add3A = vector.broadcast %get3A_8 : vector<1x64xf32> to vector<1000x64xf32>
    %add3A_9 = arith.addf %dot_general3A_5, %add3A : vector<1000x64xf32>
    %swap3A = arith.constant 0 : index
    %swap3A_10 = arith.constant 0 : index
    %swap3A_11 = vector.load %arg5[%swap3A, %swap3A_10] : memref<1000x64xf32, #tpu.memory_space<vmem>>, vector<1000x64xf32>
    tpu.vector_store %arg5[%swap3A, %swap3A_10], %add3A_9 {strides = array<i32>} : memref<1000x64xf32, #tpu.memory_space<vmem>>, vector<1000x64xf32>,
    %get3A_12 = arith.constant 0 : index
    %get3A_13 = arith.constant 0 : index
    %get3A_14 = vector.load %arg4[%get3A_12, %get3A_13] : memref<8x128xf32, #tpu.memory_space<vmem>>, vector<1x1xf32>
    %get3A_15 = vector.extract %get3A_14[0, 0] : f32 from vector<1x1xf32>
    %max3A = arith.constant 0.000000e+00 : f32
    %max3A_16 = vector.broadcast %max3A : f32 to vector<1000x64xf32>
    %max3A_17 = arith.maximumf %add3A_9, %max3A_16 : vector<1000x64xf32>
    %add3A_18 = arith.constant 1.000000e-07 : f32
    %add3A_19 = vector.broadcast %add3A_18 : f32 to vector<1000x64xf32>
    %add3A_20 = arith.addf %max3A_17, %add3A_19 : vector<1000x64xf32>
    %mul3A = vector.broadcast %get3A_15 : f32 to vector<1000x64xf32>
    %mul3A_21 = arith.mulf %mul3A, %add3A_20 : vector<1000x64xf32>
    %exp3A = math.exp %mul3A_21 : vector<1000x64xf32>
    %mul3A_22 = arith.mulf %add3A_20, %exp3A : vector<1000x64xf32>
    %swap3A_23 = arith.constant 0 : index
    %swap3A_24 = arith.constant 0 : index
    %swap3A_25 = arith.constant 0 : index
    %swap3A_26 = vector.load %arg6[%swap3A_23, %swap3A_24, %swap3A_25] : memref<2x1000x64xf32, #tpu.memory_space<vmem>>, vector<1x1000x64xf32>
    %swap3A_27 = vector.shape_cast %swap3A_26 : vector<1x1000x64xf32> to vector<1000x64xf32>
    %swap3A_28 = vector.shape_cast %exp3A : vector<1000x64xf32> to vector<1x1000x64xf32>
    tpu.vector_store %arg6[%swap3A_23, %swap3A_24, %swap3A_25], %swap3A_28 {strides = array<i32>} : memref<2x1000x64xf32, #tpu.memory_space<vmem>>, vector<1x1000x64xf32>,
    %swap3A_29 = arith.constant 1 : index
    %swap3A_30 = arith.constant 0 : index
    %swap3A_31 = arith.constant 0 : index
    %swap3A_32 = vector.load %arg6[%swap3A_29, %swap3A_30, %swap3A_31] : memref<2x1000x64xf32, #tpu.memory_space<vmem>>, vector<1x1000x64xf32>
    %swap3A_33 = vector.shape_cast %swap3A_32 : vector<1x1000x64xf32> to vector<1000x64xf32>
    %swap3A_34 = vector.shape_cast %mul3A_22 : vector<1000x64xf32> to vector<1x1000x64xf32>
    tpu.vector_store %arg6[%swap3A_29, %swap3A_30, %swap3A_31], %swap3A_34 {strides = array<i32>} : memref<2x1000x64xf32, #tpu.memory_space<vmem>>, vector<1x1000x64xf32>,
    return
  }
  func.func @transform_0(%arg0: i32) -> (i32, i32) {
    %c0_i32 = arith.constant 0 : i32
    %c0_i32_0 = arith.constant 0 : i32
    return %arg0, %c0_i32 : i32, i32
  }
  func.func @transform_1(%arg0: i32) -> (i32, i32) {
    %c0_i32 = arith.constant 0 : i32
    %c0_i32_0 = arith.constant 0 : i32
    %c0_i32_1 = arith.constant 0 : i32
    return %c0_i32, %c0_i32_0 : i32, i32
  }
  func.func @transform_2(%arg0: i32) -> (i32, i32) {
    %c0_i32 = arith.constant 0 : i32
    %c0_i32_0 = arith.constant 0 : i32
    %c0_i32_1 = arith.constant 0 : i32
    return %c0_i32, %c0_i32_0 : i32, i32
  }
  func.func @transform_3(%arg0: i32) -> (i32, i32) {
    %c0_i32 = arith.constant 0 : i32
    %c0_i32_0 = arith.constant 0 : i32
    %c0_i32_1 = arith.constant 0 : i32
    return %c0_i32, %c0_i32_0 : i32, i32
  }
  func.func @transform_4(%arg0: i32) -> (i32, i32) {
    %c0_i32 = arith.constant 0 : i32
    %c0_i32_0 = arith.constant 0 : i32
    return %arg0, %c0_i32 : i32, i32
  }
  func.func @transform_5(%arg0: i32) -> (i32, i32, i32) {
    %c0_i32 = arith.constant 0 : i32
    %c0_i32_0 = arith.constant 0 : i32
    %c0_i32_1 = arith.constant 0 : i32
    return %c0_i32, %arg0, %c0_i32_0 : i32, i32, i32
  }
}

module attributes {stable_mosaic.version = 14 : i64} {
  func.func @_tc_mid_body(%arg0: i32, %arg1: memref<1000x64xf32, #tpu.memory_space<vmem>>, %arg2: memref<2x1000x64xf32, #tpu.memory_space<vmem>>, %arg3: memref<64x128xf32, #tpu.memory_space<vmem>>, %arg4: memref<8x128xf32, #tpu.memory_space<vmem>>, %arg5: memref<8x128xf32, #tpu.memory_space<vmem>>, %arg6: memref<8x128xf32, #tpu.memory_space<vmem>>, %arg7: memref<128x64xf32, #tpu.memory_space<vmem>>, %arg8: memref<8x64xf32, #tpu.memory_space<vmem>>, %arg9: memref<8x64xf32, #tpu.memory_space<vmem>>, %arg10: memref<8x64xf32, #tpu.memory_space<vmem>>, %arg11: memref<8x128xf32, #tpu.memory_space<vmem>>, %arg12: memref<1000x64xf32, #tpu.memory_space<vmem>>, %arg13: memref<1000x64xf32, #tpu.memory_space<vmem>>, %arg14: memref<2x1000x64xf32, #tpu.memory_space<vmem>>) attributes {dimension_semantics = [#tpu.dimension_semantics<arbitrary>], iteration_bounds = array<i64: 10>, scalar_prefetch = 0 : i64, scratch_operands = 0 : i64, tpu.core_type = #tpu.core_type<tc>, window_params = [{transform_indices = @transform_0, window_bounds = array<i64: 1000, 64>}, {transform_indices = @transform_1, window_bounds = array<i64: 2, 1000, 64>}, {pipeline_mode = #tpu.pipeline_mode<synchronous>, transform_indices = @transform_2, window_bounds = array<i64: 64, 128>}, {pipeline_mode = #tpu.pipeline_mode<synchronous>, transform_indices = @transform_3, window_bounds = array<i64: 8, 128>}, {pipeline_mode = #tpu.pipeline_mode<synchronous>, transform_indices = @transform_4, window_bounds = array<i64: 8, 128>}, {pipeline_mode = #tpu.pipeline_mode<synchronous>, transform_indices = @transform_5, window_bounds = array<i64: 8, 128>}, {pipeline_mode = #tpu.pipeline_mode<synchronous>, transform_indices = @transform_6, window_bounds = array<i64: 128, 64>}, {pipeline_mode = #tpu.pipeline_mode<synchronous>, transform_indices = @transform_7, window_bounds = array<i64: 8, 64>}, {pipeline_mode = #tpu.pipeline_mode<synchronous>, transform_indices = @transform_8, window_bounds = array<i64: 8, 64>}, {pipeline_mode = #tpu.pipeline_mode<synchronous>, transform_indices = @transform_9, window_bounds = array<i64: 8, 64>}, {pipeline_mode = #tpu.pipeline_mode<synchronous>, transform_indices = @transform_10, window_bounds = array<i64: 8, 128>}, {transform_indices = @transform_11, window_bounds = array<i64: 1000, 64>}, {transform_indices = @transform_12, window_bounds = array<i64: 1000, 64>}, {transform_indices = @transform_13, window_bounds = array<i64: 2, 1000, 64>}]} {
    %get3A = arith.constant 0 : index
    %get3A_0 = arith.constant 0 : index
    %get3A_1 = arith.constant 0 : index
    %get3A_2 = vector.load %arg2[%get3A, %get3A_0, %get3A_1] : memref<2x1000x64xf32, #tpu.memory_space<vmem>>, vector<1x1000x64xf32>
    %get3A_3 = vector.shape_cast %get3A_2 : vector<1x1000x64xf32> to vector<1000x64xf32>
    %get3A_4 = arith.constant 1 : index
    %get3A_5 = arith.constant 0 : index
    %get3A_6 = arith.constant 0 : index
    %get3A_7 = vector.load %arg2[%get3A_4, %get3A_5, %get3A_6] : memref<2x1000x64xf32, #tpu.memory_space<vmem>>, vector<1x1000x64xf32>
    %get3A_8 = vector.shape_cast %get3A_7 : vector<1x1000x64xf32> to vector<1000x64xf32>
    %add3A = arith.constant 1.000000e-16 : f32
    %add3A_9 = vector.broadcast %add3A : f32 to vector<1000x64xf32>
    %add3A_10 = arith.addf %get3A_3, %add3A_9 : vector<1000x64xf32>
    %div3A = arith.divf %get3A_8, %add3A_10 : vector<1000x64xf32>
    %get3A_11 = arith.constant 0 : index
    %get3A_12 = arith.constant 0 : index
    %get3A_13 = vector.load %arg1[%get3A_11, %get3A_12] : memref<1000x64xf32, #tpu.memory_space<vmem>>, vector<1000x64xf32>
    %add3A_14 = arith.addf %div3A, %get3A_13 : vector<1000x64xf32>
    %get3A_15 = arith.constant 0 : index
    %get3A_16 = arith.constant 0 : index
    %get3A_17 = vector.load %arg3[%get3A_15, %get3A_16] : memref<64x128xf32, #tpu.memory_space<vmem>>, vector<64x128xf32>
    %dot_general3A = arith.constant dense<0.000000e+00> : vector<1000x128xf32>
    %dot_general3A_18 = tpu.matmul %add3A_14, %get3A_17, %dot_general3A {dimension_numbers = #tpu.dot_dimension_numbers<[1], [0], [0], [1], [0, 0, 1, 1], [], []>, transpose_lhs_hint = false} : vector<1000x64xf32>, vector<64x128xf32>, vector<1000x128xf32> -> vector<1000x128xf32>
    %get3A_19 = arith.constant 0 : index
    %get3A_20 = arith.constant 0 : index
    %get3A_21 = vector.load %arg4[%get3A_19, %get3A_20] : memref<8x128xf32, #tpu.memory_space<vmem>>, vector<1x128xf32>
    %add3A_22 = vector.broadcast %get3A_21 : vector<1x128xf32> to vector<1000x128xf32>
    %add3A_23 = arith.addf %dot_general3A_18, %add3A_22 : vector<1000x128xf32>
    %get3A_24 = arith.constant 0 : index
    %get3A_25 = arith.constant 0 : index
    %get3A_26 = vector.load %arg5[%get3A_24, %get3A_25] : memref<8x128xf32, #tpu.memory_space<vmem>>, vector<1x128xf32>
    %get3A_27 = arith.constant 0 : index
    %get3A_28 = arith.constant 0 : index
    %get3A_29 = vector.load %arg6[%get3A_27, %get3A_28] : memref<8x128xf32, #tpu.memory_space<vmem>>, vector<1x128xf32>
    %reduce_sum3A = arith.constant dense<0.000000e+00> : vector<1000xf32>
    %reduce_sum3A_30 = vector.multi_reduction <add>, %add3A_23, %reduce_sum3A [1] : vector<1000x128xf32> to vector<1000xf32>
    %broadcast_in_dim3A = vector.shape_cast %reduce_sum3A_30 : vector<1000xf32> to vector<1000x1xf32>
    %div3A_31 = arith.constant 1.280000e+02 : f32
    %div3A_32 = vector.broadcast %div3A_31 : f32 to vector<1000x1xf32>
    %div3A_33 = arith.divf %broadcast_in_dim3A, %div3A_32 : vector<1000x1xf32>
    %sub3A = vector.broadcast %div3A_33 : vector<1000x1xf32> to vector<1000x128xf32>
    %sub3A_34 = arith.subf %add3A_23, %sub3A : vector<1000x128xf32>
    %integer_pow3A = arith.mulf %sub3A_34, %sub3A_34 : vector<1000x128xf32>
    %reduce_sum3A_35 = arith.constant dense<0.000000e+00> : vector<1000xf32>
    %reduce_sum3A_36 = vector.multi_reduction <add>, %integer_pow3A, %reduce_sum3A_35 [1] : vector<1000x128xf32> to vector<1000xf32>
    %broadcast_in_dim3A_37 = vector.shape_cast %reduce_sum3A_36 : vector<1000xf32> to vector<1000x1xf32>
    %div3A_38 = arith.constant 1.280000e+02 : f32
    %div3A_39 = vector.broadcast %div3A_38 : f32 to vector<1000x1xf32>
    %div3A_40 = arith.divf %broadcast_in_dim3A_37, %div3A_39 : vector<1000x1xf32>
    %sub3A_41 = vector.broadcast %div3A_33 : vector<1000x1xf32> to vector<1000x128xf32>
    %sub3A_42 = arith.subf %add3A_23, %sub3A_41 : vector<1000x128xf32>
    %add3A_43 = arith.constant 9.99999974E-6 : f32
    %add3A_44 = vector.broadcast %add3A_43 : f32 to vector<1000x1xf32>
    %add3A_45 = arith.addf %div3A_40, %add3A_44 : vector<1000x1xf32>
    %sqrt3A = math.sqrt %add3A_45 : vector<1000x1xf32>
    %div3A_46 = vector.broadcast %sqrt3A : vector<1000x1xf32> to vector<1000x128xf32>
    %div3A_47 = arith.divf %sub3A_42, %div3A_46 : vector<1000x128xf32>
    %mul3A = vector.broadcast %get3A_26 : vector<1x128xf32> to vector<1000x128xf32>
    %mul3A_48 = arith.mulf %div3A_47, %mul3A : vector<1000x128xf32>
    %add3A_49 = vector.broadcast %get3A_29 : vector<1x128xf32> to vector<1000x128xf32>
    %add3A_50 = arith.addf %mul3A_48, %add3A_49 : vector<1000x128xf32>
    %max3A = arith.constant 0.000000e+00 : f32
    %max3A_51 = vector.broadcast %max3A : f32 to vector<1000x128xf32>
    %max3A_52 = arith.maximumf %add3A_50, %max3A_51 : vector<1000x128xf32>
    %get3A_53 = arith.constant 0 : index
    %get3A_54 = arith.constant 0 : index
    %get3A_55 = vector.load %arg7[%get3A_53, %get3A_54] : memref<128x64xf32, #tpu.memory_space<vmem>>, vector<128x64xf32>
    %dot_general3A_56 = arith.constant dense<0.000000e+00> : vector<1000x64xf32>
    %dot_general3A_57 = tpu.matmul %max3A_52, %get3A_55, %dot_general3A_56 {dimension_numbers = #tpu.dot_dimension_numbers<[1], [0], [0], [1], [0, 0, 1, 1], [], []>, transpose_lhs_hint = false} : vector<1000x128xf32>, vector<128x64xf32>, vector<1000x64xf32> -> vector<1000x64xf32>
    %get3A_58 = arith.constant 0 : index
    %get3A_59 = arith.constant 0 : index
    %get3A_60 = vector.load %arg8[%get3A_58, %get3A_59] : memref<8x64xf32, #tpu.memory_space<vmem>>, vector<1x64xf32>
    %add3A_61 = vector.broadcast %get3A_60 : vector<1x64xf32> to vector<1000x64xf32>
    %add3A_62 = arith.addf %dot_general3A_57, %add3A_61 : vector<1000x64xf32>
    %swap3A = arith.constant 0 : index
    %swap3A_63 = arith.constant 0 : index
    %swap3A_64 = vector.load %arg12[%swap3A, %swap3A_63] : memref<1000x64xf32, #tpu.memory_space<vmem>>, vector<1000x64xf32>
    tpu.vector_store %arg12[%swap3A, %swap3A_63], %add3A_62 {strides = array<i32>} : memref<1000x64xf32, #tpu.memory_space<vmem>>, vector<1000x64xf32>,
    %get3A_65 = arith.constant 0 : index
    %get3A_66 = arith.constant 0 : index
    %get3A_67 = vector.load %arg9[%get3A_65, %get3A_66] : memref<8x64xf32, #tpu.memory_space<vmem>>, vector<1x64xf32>
    %get3A_68 = arith.constant 0 : index
    %get3A_69 = arith.constant 0 : index
    %get3A_70 = vector.load %arg10[%get3A_68, %get3A_69] : memref<8x64xf32, #tpu.memory_space<vmem>>, vector<1x64xf32>
    %reduce_sum3A_71 = arith.constant dense<0.000000e+00> : vector<1000xf32>
    %reduce_sum3A_72 = vector.multi_reduction <add>, %add3A_62, %reduce_sum3A_71 [1] : vector<1000x64xf32> to vector<1000xf32>
    %broadcast_in_dim3A_73 = vector.shape_cast %reduce_sum3A_72 : vector<1000xf32> to vector<1000x1xf32>
    %div3A_74 = arith.constant 6.400000e+01 : f32
    %div3A_75 = vector.broadcast %div3A_74 : f32 to vector<1000x1xf32>
    %div3A_76 = arith.divf %broadcast_in_dim3A_73, %div3A_75 : vector<1000x1xf32>
    %sub3A_77 = vector.broadcast %div3A_76 : vector<1000x1xf32> to vector<1000x64xf32>
    %sub3A_78 = arith.subf %add3A_62, %sub3A_77 : vector<1000x64xf32>
    %integer_pow3A_79 = arith.mulf %sub3A_78, %sub3A_78 : vector<1000x64xf32>
    %reduce_sum3A_80 = arith.constant dense<0.000000e+00> : vector<1000xf32>
    %reduce_sum3A_81 = vector.multi_reduction <add>, %integer_pow3A_79, %reduce_sum3A_80 [1] : vector<1000x64xf32> to vector<1000xf32>
    %broadcast_in_dim3A_82 = vector.shape_cast %reduce_sum3A_81 : vector<1000xf32> to vector<1000x1xf32>
    %div3A_83 = arith.constant 6.400000e+01 : f32
    %div3A_84 = vector.broadcast %div3A_83 : f32 to vector<1000x1xf32>
    %div3A_85 = arith.divf %broadcast_in_dim3A_82, %div3A_84 : vector<1000x1xf32>
    %sub3A_86 = vector.broadcast %div3A_76 : vector<1000x1xf32> to vector<1000x64xf32>
    %sub3A_87 = arith.subf %add3A_62, %sub3A_86 : vector<1000x64xf32>
    %add3A_88 = arith.constant 9.99999974E-6 : f32
    %add3A_89 = vector.broadcast %add3A_88 : f32 to vector<1000x1xf32>
    %add3A_90 = arith.addf %div3A_85, %add3A_89 : vector<1000x1xf32>
    %sqrt3A_91 = math.sqrt %add3A_90 : vector<1000x1xf32>
    %div3A_92 = vector.broadcast %sqrt3A_91 : vector<1000x1xf32> to vector<1000x64xf32>
    %div3A_93 = arith.divf %sub3A_87, %div3A_92 : vector<1000x64xf32>
    %mul3A_94 = vector.broadcast %get3A_67 : vector<1x64xf32> to vector<1000x64xf32>
    %mul3A_95 = arith.mulf %div3A_93, %mul3A_94 : vector<1000x64xf32>
    %add3A_96 = vector.broadcast %get3A_70 : vector<1x64xf32> to vector<1000x64xf32>
    %add3A_97 = arith.addf %mul3A_95, %add3A_96 : vector<1000x64xf32>
    %max3A_98 = arith.constant 0.000000e+00 : f32
    %max3A_99 = vector.broadcast %max3A_98 : f32 to vector<1000x64xf32>
    %max3A_100 = arith.maximumf %add3A_97, %max3A_99 : vector<1000x64xf32>
    %swap3A_101 = arith.constant 0 : index
    %swap3A_102 = arith.constant 0 : index
    %swap3A_103 = vector.load %arg13[%swap3A_101, %swap3A_102] : memref<1000x64xf32, #tpu.memory_space<vmem>>, vector<1000x64xf32>
    tpu.vector_store %arg13[%swap3A_101, %swap3A_102], %max3A_100 {strides = array<i32>} : memref<1000x64xf32, #tpu.memory_space<vmem>>, vector<1000x64xf32>,
    %get3A_104 = arith.constant 0 : index
    %get3A_105 = arith.constant 0 : index
    %get3A_106 = vector.load %arg11[%get3A_104, %get3A_105] : memref<8x128xf32, #tpu.memory_space<vmem>>, vector<1x1xf32>
    %get3A_107 = vector.extract %get3A_106[0, 0] : f32 from vector<1x1xf32>
    %max3A_108 = arith.constant 0.000000e+00 : f32
    %max3A_109 = vector.broadcast %max3A_108 : f32 to vector<1000x64xf32>
    %max3A_110 = arith.maximumf %max3A_100, %max3A_109 : vector<1000x64xf32>
    %add3A_111 = arith.constant 1.000000e-07 : f32
    %add3A_112 = vector.broadcast %add3A_111 : f32 to vector<1000x64xf32>
    %add3A_113 = arith.addf %max3A_110, %add3A_112 : vector<1000x64xf32>
    %mul3A_114 = vector.broadcast %get3A_107 : f32 to vector<1000x64xf32>
    %mul3A_115 = arith.mulf %mul3A_114, %add3A_113 : vector<1000x64xf32>
    %exp3A = math.exp %mul3A_115 : vector<1000x64xf32>
    %mul3A_116 = arith.mulf %add3A_113, %exp3A : vector<1000x64xf32>
    %swap3A_117 = arith.constant 0 : index
    %swap3A_118 = arith.constant 0 : index
    %swap3A_119 = arith.constant 0 : index
    %swap3A_120 = vector.load %arg14[%swap3A_117, %swap3A_118, %swap3A_119] : memref<2x1000x64xf32, #tpu.memory_space<vmem>>, vector<1x1000x64xf32>
    %swap3A_121 = vector.shape_cast %swap3A_120 : vector<1x1000x64xf32> to vector<1000x64xf32>
    %swap3A_122 = vector.shape_cast %exp3A : vector<1000x64xf32> to vector<1x1000x64xf32>
    tpu.vector_store %arg14[%swap3A_117, %swap3A_118, %swap3A_119], %swap3A_122 {strides = array<i32>} : memref<2x1000x64xf32, #tpu.memory_space<vmem>>, vector<1x1000x64xf32>,
    %swap3A_123 = arith.constant 1 : index
    %swap3A_124 = arith.constant 0 : index
    %swap3A_125 = arith.constant 0 : index
    %swap3A_126 = vector.load %arg14[%swap3A_123, %swap3A_124, %swap3A_125] : memref<2x1000x64xf32, #tpu.memory_space<vmem>>, vector<1x1000x64xf32>
    %swap3A_127 = vector.shape_cast %swap3A_126 : vector<1x1000x64xf32> to vector<1000x64xf32>
    %swap3A_128 = vector.shape_cast %mul3A_116 : vector<1000x64xf32> to vector<1x1000x64xf32>
    tpu.vector_store %arg14[%swap3A_123, %swap3A_124, %swap3A_125], %swap3A_128 {strides = array<i32>} : memref<2x1000x64xf32, #tpu.memory_space<vmem>>, vector<1x1000x64xf32>,
    return
  }
  func.func @transform_0(%arg0: i32) -> (i32, i32) {
    %c0_i32 = arith.constant 0 : i32
    %c0_i32_0 = arith.constant 0 : i32
    return %arg0, %c0_i32 : i32, i32
  }
  func.func @transform_1(%arg0: i32) -> (i32, i32, i32) {
    %c0_i32 = arith.constant 0 : i32
    %c0_i32_0 = arith.constant 0 : i32
    %c0_i32_1 = arith.constant 0 : i32
    return %c0_i32, %arg0, %c0_i32_0 : i32, i32, i32
  }
  func.func @transform_2(%arg0: i32) -> (i32, i32) {
    %c0_i32 = arith.constant 0 : i32
    %c0_i32_0 = arith.constant 0 : i32
    %c0_i32_1 = arith.constant 0 : i32
    return %c0_i32, %c0_i32_0 : i32, i32
  }
  func.func @transform_3(%arg0: i32) -> (i32, i32) {
    %c0_i32 = arith.constant 0 : i32
    %c0_i32_0 = arith.constant 0 : i32
    %c0_i32_1 = arith.constant 0 : i32
    return %c0_i32, %c0_i32_0 : i32, i32
  }
  func.func @transform_4(%arg0: i32) -> (i32, i32) {
    %c0_i32 = arith.constant 0 : i32
    %c0_i32_0 = arith.constant 0 : i32
    %c0_i32_1 = arith.constant 0 : i32
    return %c0_i32, %c0_i32_0 : i32, i32
  }
  func.func @transform_5(%arg0: i32) -> (i32, i32) {
    %c0_i32 = arith.constant 0 : i32
    %c0_i32_0 = arith.constant 0 : i32
    %c0_i32_1 = arith.constant 0 : i32
    return %c0_i32, %c0_i32_0 : i32, i32
  }
  func.func @transform_6(%arg0: i32) -> (i32, i32) {
    %c0_i32 = arith.constant 0 : i32
    %c0_i32_0 = arith.constant 0 : i32
    %c0_i32_1 = arith.constant 0 : i32
    return %c0_i32, %c0_i32_0 : i32, i32
  }
  func.func @transform_7(%arg0: i32) -> (i32, i32) {
    %c0_i32 = arith.constant 0 : i32
    %c0_i32_0 = arith.constant 0 : i32
    %c0_i32_1 = arith.constant 0 : i32
    return %c0_i32, %c0_i32_0 : i32, i32
  }
  func.func @transform_8(%arg0: i32) -> (i32, i32) {
    %c0_i32 = arith.constant 0 : i32
    %c0_i32_0 = arith.constant 0 : i32
    %c0_i32_1 = arith.constant 0 : i32
    return %c0_i32, %c0_i32_0 : i32, i32
  }
  func.func @transform_9(%arg0: i32) -> (i32, i32) {
    %c0_i32 = arith.constant 0 : i32
    %c0_i32_0 = arith.constant 0 : i32
    %c0_i32_1 = arith.constant 0 : i32
    return %c0_i32, %c0_i32_0 : i32, i32
  }
  func.func @transform_10(%arg0: i32) -> (i32, i32) {
    %c0_i32 = arith.constant 0 : i32
    %c0_i32_0 = arith.constant 0 : i32
    %c0_i32_1 = arith.constant 0 : i32
    return %c0_i32, %c0_i32_0 : i32, i32
  }
  func.func @transform_11(%arg0: i32) -> (i32, i32) {
    %c0_i32 = arith.constant 0 : i32
    %c0_i32_0 = arith.constant 0 : i32
    return %arg0, %c0_i32 : i32, i32
  }
  func.func @transform_12(%arg0: i32) -> (i32, i32) {
    %c0_i32 = arith.constant 0 : i32
    %c0_i32_0 = arith.constant 0 : i32
    return %arg0, %c0_i32 : i32, i32
  }
  func.func @transform_13(%arg0: i32) -> (i32, i32, i32) {
    %c0_i32 = arith.constant 0 : i32
    %c0_i32_0 = arith.constant 0 : i32
    %c0_i32_1 = arith.constant 0 : i32
    return %c0_i32, %arg0, %c0_i32_0 : i32, i32, i32
  }
}

module attributes {stable_mosaic.version = 14 : i64} {
  func.func @_tc_post_body(%arg0: i32, %arg1: memref<1000x64xf32, #tpu.memory_space<vmem>>, %arg2: memref<1000x64xf32, #tpu.memory_space<vmem>>, %arg3: memref<2x1000x64xf32, #tpu.memory_space<vmem>>, %arg4: memref<64x128xf32, #tpu.memory_space<vmem>>, %arg5: memref<8x128xf32, #tpu.memory_space<vmem>>, %arg6: memref<8x128xf32, #tpu.memory_space<vmem>>, %arg7: memref<8x128xf32, #tpu.memory_space<vmem>>, %arg8: memref<128x64xf32, #tpu.memory_space<vmem>>, %arg9: memref<8x64xf32, #tpu.memory_space<vmem>>, %arg10: memref<8x64xf32, #tpu.memory_space<vmem>>, %arg11: memref<8x64xf32, #tpu.memory_space<vmem>>, %arg12: memref<64x1xf32, #tpu.memory_space<vmem>>, %arg13: memref<8x128xf32, #tpu.memory_space<vmem>>, %arg14: memref<1000x1xf32, #tpu.memory_space<vmem>>) attributes {dimension_semantics = [#tpu.dimension_semantics<arbitrary>], iteration_bounds = array<i64: 10>, scalar_prefetch = 0 : i64, scratch_operands = 0 : i64, tpu.core_type = #tpu.core_type<tc>, window_params = [{transform_indices = @transform_0, window_bounds = array<i64: 1000, 64>}, {transform_indices = @transform_1, window_bounds = array<i64: 1000, 64>}, {transform_indices = @transform_2, window_bounds = array<i64: 2, 1000, 64>}, {pipeline_mode = #tpu.pipeline_mode<synchronous>, transform_indices = @transform_3, window_bounds = array<i64: 64, 128>}, {pipeline_mode = #tpu.pipeline_mode<synchronous>, transform_indices = @transform_4, window_bounds = array<i64: 8, 128>}, {pipeline_mode = #tpu.pipeline_mode<synchronous>, transform_indices = @transform_5, window_bounds = array<i64: 8, 128>}, {pipeline_mode = #tpu.pipeline_mode<synchronous>, transform_indices = @transform_6, window_bounds = array<i64: 8, 128>}, {pipeline_mode = #tpu.pipeline_mode<synchronous>, transform_indices = @transform_7, window_bounds = array<i64: 128, 64>}, {pipeline_mode = #tpu.pipeline_mode<synchronous>, transform_indices = @transform_8, window_bounds = array<i64: 8, 64>}, {pipeline_mode = #tpu.pipeline_mode<synchronous>, transform_indices = @transform_9, window_bounds = array<i64: 8, 64>}, {pipeline_mode = #tpu.pipeline_mode<synchronous>, transform_indices = @transform_10, window_bounds = array<i64: 8, 64>}, {pipeline_mode = #tpu.pipeline_mode<synchronous>, transform_indices = @transform_11, window_bounds = array<i64: 64, 1>}, {pipeline_mode = #tpu.pipeline_mode<synchronous>, transform_indices = @transform_12, window_bounds = array<i64: 8, 128>}, {transform_indices = @transform_13, window_bounds = array<i64: 1000, 1>}]} {
    %get3A = arith.constant 0 : index
    %get3A_0 = arith.constant 0 : index
    %get3A_1 = arith.constant 0 : index
    %get3A_2 = vector.load %arg3[%get3A, %get3A_0, %get3A_1] : memref<2x1000x64xf32, #tpu.memory_space<vmem>>, vector<1x1000x64xf32>
    %get3A_3 = vector.shape_cast %get3A_2 : vector<1x1000x64xf32> to vector<1000x64xf32>
    %get3A_4 = arith.constant 1 : index
    %get3A_5 = arith.constant 0 : index
    %get3A_6 = arith.constant 0 : index
    %get3A_7 = vector.load %arg3[%get3A_4, %get3A_5, %get3A_6] : memref<2x1000x64xf32, #tpu.memory_space<vmem>>, vector<1x1000x64xf32>
    %get3A_8 = vector.shape_cast %get3A_7 : vector<1x1000x64xf32> to vector<1000x64xf32>
    %add3A = arith.constant 1.000000e-16 : f32
    %add3A_9 = vector.broadcast %add3A : f32 to vector<1000x64xf32>
    %add3A_10 = arith.addf %get3A_3, %add3A_9 : vector<1000x64xf32>
    %div3A = arith.divf %get3A_8, %add3A_10 : vector<1000x64xf32>
    %get3A_11 = arith.constant 0 : index
    %get3A_12 = arith.constant 0 : index
    %get3A_13 = vector.load %arg2[%get3A_11, %get3A_12] : memref<1000x64xf32, #tpu.memory_space<vmem>>, vector<1000x64xf32>
    %add3A_14 = arith.addf %div3A, %get3A_13 : vector<1000x64xf32>
    %get3A_15 = arith.constant 0 : index
    %get3A_16 = arith.constant 0 : index
    %get3A_17 = vector.load %arg4[%get3A_15, %get3A_16] : memref<64x128xf32, #tpu.memory_space<vmem>>, vector<64x128xf32>
    %dot_general3A = arith.constant dense<0.000000e+00> : vector<1000x128xf32>
    %dot_general3A_18 = tpu.matmul %add3A_14, %get3A_17, %dot_general3A {dimension_numbers = #tpu.dot_dimension_numbers<[1], [0], [0], [1], [0, 0, 1, 1], [], []>, transpose_lhs_hint = false} : vector<1000x64xf32>, vector<64x128xf32>, vector<1000x128xf32> -> vector<1000x128xf32>
    %get3A_19 = arith.constant 0 : index
    %get3A_20 = arith.constant 0 : index
    %get3A_21 = vector.load %arg5[%get3A_19, %get3A_20] : memref<8x128xf32, #tpu.memory_space<vmem>>, vector<1x128xf32>
    %add3A_22 = vector.broadcast %get3A_21 : vector<1x128xf32> to vector<1000x128xf32>
    %add3A_23 = arith.addf %dot_general3A_18, %add3A_22 : vector<1000x128xf32>
    %get3A_24 = arith.constant 0 : index
    %get3A_25 = arith.constant 0 : index
    %get3A_26 = vector.load %arg6[%get3A_24, %get3A_25] : memref<8x128xf32, #tpu.memory_space<vmem>>, vector<1x128xf32>
    %get3A_27 = arith.constant 0 : index
    %get3A_28 = arith.constant 0 : index
    %get3A_29 = vector.load %arg7[%get3A_27, %get3A_28] : memref<8x128xf32, #tpu.memory_space<vmem>>, vector<1x128xf32>
    %reduce_sum3A = arith.constant dense<0.000000e+00> : vector<1000xf32>
    %reduce_sum3A_30 = vector.multi_reduction <add>, %add3A_23, %reduce_sum3A [1] : vector<1000x128xf32> to vector<1000xf32>
    %broadcast_in_dim3A = vector.shape_cast %reduce_sum3A_30 : vector<1000xf32> to vector<1000x1xf32>
    %div3A_31 = arith.constant 1.280000e+02 : f32
    %div3A_32 = vector.broadcast %div3A_31 : f32 to vector<1000x1xf32>
    %div3A_33 = arith.divf %broadcast_in_dim3A, %div3A_32 : vector<1000x1xf32>
    %sub3A = vector.broadcast %div3A_33 : vector<1000x1xf32> to vector<1000x128xf32>
    %sub3A_34 = arith.subf %add3A_23, %sub3A : vector<1000x128xf32>
    %integer_pow3A = arith.mulf %sub3A_34, %sub3A_34 : vector<1000x128xf32>
    %reduce_sum3A_35 = arith.constant dense<0.000000e+00> : vector<1000xf32>
    %reduce_sum3A_36 = vector.multi_reduction <add>, %integer_pow3A, %reduce_sum3A_35 [1] : vector<1000x128xf32> to vector<1000xf32>
    %broadcast_in_dim3A_37 = vector.shape_cast %reduce_sum3A_36 : vector<1000xf32> to vector<1000x1xf32>
    %div3A_38 = arith.constant 1.280000e+02 : f32
    %div3A_39 = vector.broadcast %div3A_38 : f32 to vector<1000x1xf32>
    %div3A_40 = arith.divf %broadcast_in_dim3A_37, %div3A_39 : vector<1000x1xf32>
    %sub3A_41 = vector.broadcast %div3A_33 : vector<1000x1xf32> to vector<1000x128xf32>
    %sub3A_42 = arith.subf %add3A_23, %sub3A_41 : vector<1000x128xf32>
    %add3A_43 = arith.constant 9.99999974E-6 : f32
    %add3A_44 = vector.broadcast %add3A_43 : f32 to vector<1000x1xf32>
    %add3A_45 = arith.addf %div3A_40, %add3A_44 : vector<1000x1xf32>
    %sqrt3A = math.sqrt %add3A_45 : vector<1000x1xf32>
    %div3A_46 = vector.broadcast %sqrt3A : vector<1000x1xf32> to vector<1000x128xf32>
    %div3A_47 = arith.divf %sub3A_42, %div3A_46 : vector<1000x128xf32>
    %mul3A = vector.broadcast %get3A_26 : vector<1x128xf32> to vector<1000x128xf32>
    %mul3A_48 = arith.mulf %div3A_47, %mul3A : vector<1000x128xf32>
    %add3A_49 = vector.broadcast %get3A_29 : vector<1x128xf32> to vector<1000x128xf32>
    %add3A_50 = arith.addf %mul3A_48, %add3A_49 : vector<1000x128xf32>
    %max3A = arith.constant 0.000000e+00 : f32
    %max3A_51 = vector.broadcast %max3A : f32 to vector<1000x128xf32>
    %max3A_52 = arith.maximumf %add3A_50, %max3A_51 : vector<1000x128xf32>
    %get3A_53 = arith.constant 0 : index
    %get3A_54 = arith.constant 0 : index
    %get3A_55 = vector.load %arg8[%get3A_53, %get3A_54] : memref<128x64xf32, #tpu.memory_space<vmem>>, vector<128x64xf32>
    %dot_general3A_56 = arith.constant dense<0.000000e+00> : vector<1000x64xf32>
    %dot_general3A_57 = tpu.matmul %max3A_52, %get3A_55, %dot_general3A_56 {dimension_numbers = #tpu.dot_dimension_numbers<[1], [0], [0], [1], [0, 0, 1, 1], [], []>, transpose_lhs_hint = false} : vector<1000x128xf32>, vector<128x64xf32>, vector<1000x64xf32> -> vector<1000x64xf32>
    %get3A_58 = arith.constant 0 : index
    %get3A_59 = arith.constant 0 : index
    %get3A_60 = vector.load %arg9[%get3A_58, %get3A_59] : memref<8x64xf32, #tpu.memory_space<vmem>>, vector<1x64xf32>
    %add3A_61 = vector.broadcast %get3A_60 : vector<1x64xf32> to vector<1000x64xf32>
    %add3A_62 = arith.addf %dot_general3A_57, %add3A_61 : vector<1000x64xf32>
    %get3A_63 = arith.constant 0 : index
    %get3A_64 = arith.constant 0 : index
    %get3A_65 = vector.load %arg1[%get3A_63, %get3A_64] : memref<1000x64xf32, #tpu.memory_space<vmem>>, vector<1000x64xf32>
    %add3A_66 = arith.addf %get3A_65, %add3A_62 : vector<1000x64xf32>
    %get3A_67 = arith.constant 0 : index
    %get3A_68 = arith.constant 0 : index
    %get3A_69 = vector.load %arg10[%get3A_67, %get3A_68] : memref<8x64xf32, #tpu.memory_space<vmem>>, vector<1x64xf32>
    %get3A_70 = arith.constant 0 : index
    %get3A_71 = arith.constant 0 : index
    %get3A_72 = vector.load %arg11[%get3A_70, %get3A_71] : memref<8x64xf32, #tpu.memory_space<vmem>>, vector<1x64xf32>
    %reduce_sum3A_73 = arith.constant dense<0.000000e+00> : vector<1000xf32>
    %reduce_sum3A_74 = vector.multi_reduction <add>, %add3A_66, %reduce_sum3A_73 [1] : vector<1000x64xf32> to vector<1000xf32>
    %broadcast_in_dim3A_75 = vector.shape_cast %reduce_sum3A_74 : vector<1000xf32> to vector<1000x1xf32>
    %div3A_76 = arith.constant 6.400000e+01 : f32
    %div3A_77 = vector.broadcast %div3A_76 : f32 to vector<1000x1xf32>
    %div3A_78 = arith.divf %broadcast_in_dim3A_75, %div3A_77 : vector<1000x1xf32>
    %sub3A_79 = vector.broadcast %div3A_78 : vector<1000x1xf32> to vector<1000x64xf32>
    %sub3A_80 = arith.subf %add3A_66, %sub3A_79 : vector<1000x64xf32>
    %integer_pow3A_81 = arith.mulf %sub3A_80, %sub3A_80 : vector<1000x64xf32>
    %reduce_sum3A_82 = arith.constant dense<0.000000e+00> : vector<1000xf32>
    %reduce_sum3A_83 = vector.multi_reduction <add>, %integer_pow3A_81, %reduce_sum3A_82 [1] : vector<1000x64xf32> to vector<1000xf32>
    %broadcast_in_dim3A_84 = vector.shape_cast %reduce_sum3A_83 : vector<1000xf32> to vector<1000x1xf32>
    %div3A_85 = arith.constant 6.400000e+01 : f32
    %div3A_86 = vector.broadcast %div3A_85 : f32 to vector<1000x1xf32>
    %div3A_87 = arith.divf %broadcast_in_dim3A_84, %div3A_86 : vector<1000x1xf32>
    %sub3A_88 = vector.broadcast %div3A_78 : vector<1000x1xf32> to vector<1000x64xf32>
    %sub3A_89 = arith.subf %add3A_66, %sub3A_88 : vector<1000x64xf32>
    %add3A_90 = arith.constant 9.99999974E-6 : f32
    %add3A_91 = vector.broadcast %add3A_90 : f32 to vector<1000x1xf32>
    %add3A_92 = arith.addf %div3A_87, %add3A_91 : vector<1000x1xf32>
    %sqrt3A_93 = math.sqrt %add3A_92 : vector<1000x1xf32>
    %div3A_94 = vector.broadcast %sqrt3A_93 : vector<1000x1xf32> to vector<1000x64xf32>
    %div3A_95 = arith.divf %sub3A_89, %div3A_94 : vector<1000x64xf32>
    %mul3A_96 = vector.broadcast %get3A_69 : vector<1x64xf32> to vector<1000x64xf32>
    %mul3A_97 = arith.mulf %div3A_95, %mul3A_96 : vector<1000x64xf32>
    %add3A_98 = vector.broadcast %get3A_72 : vector<1x64xf32> to vector<1000x64xf32>
    %add3A_99 = arith.addf %mul3A_97, %add3A_98 : vector<1000x64xf32>
    %max3A_100 = arith.constant 0.000000e+00 : f32
    %max3A_101 = vector.broadcast %max3A_100 : f32 to vector<1000x64xf32>
    %max3A_102 = arith.maximumf %add3A_99, %max3A_101 : vector<1000x64xf32>
    %get3A_103 = arith.constant 0 : index
    %get3A_104 = arith.constant 0 : index
    %get3A_105 = vector.load %arg12[%get3A_103, %get3A_104] : memref<64x1xf32, #tpu.memory_space<vmem>>, vector<64x1xf32>
    %dot_general3A_106 = arith.constant dense<0.000000e+00> : vector<1000x1xf32>
    %dot_general3A_107 = tpu.matmul %max3A_102, %get3A_105, %dot_general3A_106 {dimension_numbers = #tpu.dot_dimension_numbers<[1], [0], [0], [1], [0, 0, 1, 1], [], []>, transpose_lhs_hint = false} : vector<1000x64xf32>, vector<64x1xf32>, vector<1000x1xf32> -> vector<1000x1xf32>
    %get3A_108 = arith.constant 0 : index
    %get3A_109 = arith.constant 0 : index
    %get3A_110 = vector.load %arg13[%get3A_108, %get3A_109] : memref<8x128xf32, #tpu.memory_space<vmem>>, vector<1x1xf32>
    %get3A_111 = vector.extract %get3A_110[0, 0] : f32 from vector<1x1xf32>
    %add3A_112 = vector.broadcast %get3A_111 : f32 to vector<1000x1xf32>
    %add3A_113 = arith.addf %dot_general3A_107, %add3A_112 : vector<1000x1xf32>
    %swap3A = arith.constant 0 : index
    %swap3A_114 = arith.constant 0 : index
    %swap3A_115 = vector.load %arg14[%swap3A, %swap3A_114] : memref<1000x1xf32, #tpu.memory_space<vmem>>, vector<1000x1xf32>
    tpu.vector_store %arg14[%swap3A, %swap3A_114], %add3A_113 {strides = array<i32>} : memref<1000x1xf32, #tpu.memory_space<vmem>>, vector<1000x1xf32>,
    return
  }
  func.func @transform_0(%arg0: i32) -> (i32, i32) {
    %c0_i32 = arith.constant 0 : i32
    %c0_i32_0 = arith.constant 0 : i32
    return %arg0, %c0_i32 : i32, i32
  }
  func.func @transform_1(%arg0: i32) -> (i32, i32) {
    %c0_i32 = arith.constant 0 : i32
    %c0_i32_0 = arith.constant 0 : i32
    return %arg0, %c0_i32 : i32, i32
  }
  func.func @transform_2(%arg0: i32) -> (i32, i32, i32) {
    %c0_i32 = arith.constant 0 : i32
    %c0_i32_0 = arith.constant 0 : i32
    %c0_i32_1 = arith.constant 0 : i32
    return %c0_i32, %arg0, %c0_i32_0 : i32, i32, i32
  }
  func.func @transform_3(%arg0: i32) -> (i32, i32) {
    %c0_i32 = arith.constant 0 : i32
    %c0_i32_0 = arith.constant 0 : i32
    %c0_i32_1 = arith.constant 0 : i32
    return %c0_i32, %c0_i32_0 : i32, i32
  }
  func.func @transform_4(%arg0: i32) -> (i32, i32) {
    %c0_i32 = arith.constant 0 : i32
    %c0_i32_0 = arith.constant 0 : i32
    %c0_i32_1 = arith.constant 0 : i32
    return %c0_i32, %c0_i32_0 : i32, i32
  }
  func.func @transform_5(%arg0: i32) -> (i32, i32) {
    %c0_i32 = arith.constant 0 : i32
    %c0_i32_0 = arith.constant 0 : i32
    %c0_i32_1 = arith.constant 0 : i32
    return %c0_i32, %c0_i32_0 : i32, i32
  }
  func.func @transform_6(%arg0: i32) -> (i32, i32) {
    %c0_i32 = arith.constant 0 : i32
    %c0_i32_0 = arith.constant 0 : i32
    %c0_i32_1 = arith.constant 0 : i32
    return %c0_i32, %c0_i32_0 : i32, i32
  }
  func.func @transform_7(%arg0: i32) -> (i32, i32) {
    %c0_i32 = arith.constant 0 : i32
    %c0_i32_0 = arith.constant 0 : i32
    %c0_i32_1 = arith.constant 0 : i32
    return %c0_i32, %c0_i32_0 : i32, i32
  }
  func.func @transform_8(%arg0: i32) -> (i32, i32) {
    %c0_i32 = arith.constant 0 : i32
    %c0_i32_0 = arith.constant 0 : i32
    %c0_i32_1 = arith.constant 0 : i32
    return %c0_i32, %c0_i32_0 : i32, i32
  }
  func.func @transform_9(%arg0: i32) -> (i32, i32) {
    %c0_i32 = arith.constant 0 : i32
    %c0_i32_0 = arith.constant 0 : i32
    %c0_i32_1 = arith.constant 0 : i32
    return %c0_i32, %c0_i32_0 : i32, i32
  }
  func.func @transform_10(%arg0: i32) -> (i32, i32) {
    %c0_i32 = arith.constant 0 : i32
    %c0_i32_0 = arith.constant 0 : i32
    %c0_i32_1 = arith.constant 0 : i32
    return %c0_i32, %c0_i32_0 : i32, i32
  }
  func.func @transform_11(%arg0: i32) -> (i32, i32) {
    %c0_i32 = arith.constant 0 : i32
    %c0_i32_0 = arith.constant 0 : i32
    %c0_i32_1 = arith.constant 0 : i32
    return %c0_i32, %c0_i32_0 : i32, i32
  }
  func.func @transform_12(%arg0: i32) -> (i32, i32) {
    %c0_i32 = arith.constant 0 : i32
    %c0_i32_0 = arith.constant 0 : i32
    %c0_i32_1 = arith.constant 0 : i32
    return %c0_i32, %c0_i32_0 : i32, i32
  }
  func.func @transform_13(%arg0: i32) -> (i32, i32) {
    %c0_i32 = arith.constant 0 : i32
    %c0_i32_0 = arith.constant 0 : i32
    return %arg0, %c0_i32 : i32, i32
  }
}

module attributes {stable_mosaic.version = 14 : i64} {
  func.func @_tc_final_body(%arg0: i32, %arg1: memref<1000x1xf32, #tpu.memory_space<vmem>>, %arg2: memref<2x1000x16xf32, #tpu.memory_space<vmem>>, %arg3: memref<1000x1xf32, #tpu.memory_space<vmem>>) attributes {dimension_semantics = [#tpu.dimension_semantics<arbitrary>], iteration_bounds = array<i64: 10>, scalar_prefetch = 0 : i64, scratch_operands = 0 : i64, tpu.core_type = #tpu.core_type<tc>, window_params = [{transform_indices = @transform_0, window_bounds = array<i64: 1000, 1>}, {transform_indices = @transform_1, window_bounds = array<i64: 2, 1000, 16>}, {transform_indices = @transform_2, window_bounds = array<i64: 1000, 1>}]} {
    %get3A = arith.constant 0 : index
    %get3A_0 = arith.constant 0 : index
    %get3A_1 = arith.constant 0 : index
    %get3A_2 = vector.load %arg2[%get3A, %get3A_0, %get3A_1] : memref<2x1000x16xf32, #tpu.memory_space<vmem>>, vector<1x1000x1xf32>
    %get3A_3 = vector.shape_cast %get3A_2 : vector<1x1000x1xf32> to vector<1000x1xf32>
    %get3A_4 = arith.constant 1 : index
    %get3A_5 = arith.constant 0 : index
    %get3A_6 = arith.constant 0 : index
    %get3A_7 = vector.load %arg2[%get3A_4, %get3A_5, %get3A_6] : memref<2x1000x16xf32, #tpu.memory_space<vmem>>, vector<1x1000x1xf32>
    %get3A_8 = vector.shape_cast %get3A_7 : vector<1x1000x1xf32> to vector<1000x1xf32>
    %add3A = arith.addf %get3A_3, %get3A_8 : vector<1000x1xf32>
    %gt3A = arith.constant 0.000000e+00 : f32
    %gt3A_9 = vector.broadcast %gt3A : f32 to vector<1000x1xf32>
    %gt3A_10 = arith.cmpf ogt, %add3A, %gt3A_9 : vector<1000x1xf32>
    %jit3A = arith.constant 0.000000e+00 : f32
    %jit3A_11 = arith.constant 1.000000e+00 : f32
    %broadcast_in_dim3A = vector.broadcast %jit3A : f32 to vector<1000x1xf32>
    %broadcast_in_dim3A_12 = vector.broadcast %jit3A_11 : f32 to vector<1000x1xf32>
    %select_n3A = arith.select %gt3A_10, %broadcast_in_dim3A, %broadcast_in_dim3A_12 : vector<1000x1xi1>, vector<1000x1xf32>
    %swap3A = arith.constant 0 : index
    %swap3A_13 = arith.constant 0 : index
    %swap3A_14 = vector.load %arg3[%swap3A, %swap3A_13] : memref<1000x1xf32, #tpu.memory_space<vmem>>, vector<1000x1xf32>
    tpu.vector_store %arg3[%swap3A, %swap3A_13], %select_n3A {strides = array<i32>} : memref<1000x1xf32, #tpu.memory_space<vmem>>, vector<1000x1xf32>,
    return
  }
  func.func @transform_0(%arg0: i32) -> (i32, i32) {
    %c0_i32 = arith.constant 0 : i32
    %c0_i32_0 = arith.constant 0 : i32
    return %arg0, %c0_i32 : i32, i32
  }
  func.func @transform_1(%arg0: i32) -> (i32, i32, i32) {
    %c0_i32 = arith.constant 0 : i32
    %c0_i32_0 = arith.constant 0 : i32
    %c0_i32_1 = arith.constant 0 : i32
    return %c0_i32, %arg0, %c0_i32_0 : i32, i32, i32
  }
  func.func @transform_2(%arg0: i32) -> (i32, i32) {
    %c0_i32 = arith.constant 0 : i32
    %c0_i32_0 = arith.constant 0 : i32
    return %arg0, %c0_i32 : i32, i32
  }
}

</mosaic_0001>

<sc_bundles>
// kernel: kernel.12.cloned.1.call-start
scs
__scs_entry_jumppad:
0x0: {  	(pc) =	sbr.rel $0x88, $3  }
0x1: {  	(tag) =	ssettag $0x0;
	lr =	simm.s32 $0x1  }
0x2: {  	[smem:$0x3F89] =	sst lr;
	_ =	strace $0xD0000000  }
0x3: {  	_ = 	snop  }
0x4: {  	_ = 	snop  }
0x5: {  	_ = 	snop  }
0x6: {  	_ = 	snop  }
0x7: {  	_ = 	snop  }
__scs_overlays_trampoline_lowered:
0x8: {  	[smem:$0x3F98] =	sst s0  }
0x9: {  	[smem:$0x3F99] =	sst s1  }
0xa: {  	[smem:$0x3F9A] =	sst s2  }
0xb: {  	[smem:$0x3F9B] =	sst s3  }
0xc: {  	[smem:$0x3F9C] =	sst s4  }
0xd: {  	[smem:$0x3F9D] =	sst s5  }
0xe: {  	[smem:$0x3F9E] =	sst s6  }
0xf: {  	[smem:$0x3F9F] =	sst s7  }
0x10: {  	[smem:$0x3FA0] =	sst s8  }
0x11: {  	[smem:$0x3FA1] =	sst s9;
	s0 =	simm.s32 @!p0 $0x0  }
0x12: {  	s1 =	sld [smem:$0x3F87];
	s0 =	simm.s32 @p0 $0x1  }
0x13: {  	[smem:$0x3FA2] =	sst s0;
	s0 =	simm.s32 @!p1 $0x0  }
0x14: {  	s2 =	sld [smem:$0x3F86];
	s0 =	simm.s32 @p1 $0x1  }
0x15: {  	[smem:$0x3FA3] =	sst s0;
	s0 =	simm.s32 @!p2 $0x0  }
0x16: {  	s3 =	sld [smem:$0x3FDB];
	s0 =	simm.s32 @p2 $0x1  }
0x17: {  	s4 =	simm.s32 $0x1BF5;
	[smem:$0x3FA5] =	sst s0  }
0x18: {  	s0 =	sld [smem:$0x3F88];
	_ =	swait.ge [sflag:s4], $0x0  }
0x19: {  	s7 =	sld [smem:$0x3F89]  }
0x1a: {  	s8 =	sadd.s32 $0xFFFFE003, lr  }
0x1b: {  	s9 =	sadd.s32 $0xFFFFFEF7, lr;
	s5 =	simm.s32 $0xFFFFFFFF;
	p2 =	slt.u32 s8, $0xFFFFF086  }
0x1c: {  	p1 =	slt.u32 s9, $0xF7A;
	s5 =	simm.s32 @!p2 $0x0  }
0x1d: {  	s5 =	simm.s32 @p1 $0x1;
	p0 =	seq.s32 s7, s2  }
0x1e: {  	s7 =	smul.u32 @!p0 $0xF7A, s2;
	p2 =	seq.s32 @!p0 s5, $0x0  }
0x1f: {  	s9 =	smul.u32 $0xF7A, s1;
	s8 =	simm.s32 @!p0 $0x1BF5;
	p2 =	por !p2, p0  }
0x20: {  	[sflag:s8] =	ssyncset.s32 @!p0 $0xFFFFF086;
	s6 =	sadd.s32 @!p0 s3, s7;
	s7 =	simm.s32 @!p0 $0x108  }
0x21: {  	s3 =	sadd.s32 s3, s9;
	s6 =	sadd.s32 @!p0 $0x88, s6;
	s7 =	simm.s32 @p2 $0x1082  }
0x22: {  	[simem:s7], [sflag:s8] =	dma.local @!p0 [hbm:s6], $0xF7A  }
0x23: {  	s9 =	sor.u32 $0xD0000000, s2;
	s6 =	simm.s32 $0x108;
	_ =	swait.ge @!p0 [sflag:s8], $0x0  }
0x24: {  	s3 =	sadd.s32 $0x88, s3;
	s6 =	simm.s32 @!p1 $0x1082;
	[sflag:s4] =	ssyncset.s32 $0xFFFFF086  }
0x25: {  	[simem:s6], [sflag:s4] =	dma.local [hbm:s3], $0xF7A  }
0x26: {  	[smem:$0x3F89] =	sst s1;
	(tag) =	ssettag s2;
	_ =	strace s9  }
0x27: {  	s1 =	sld [smem:$0x3F99]  }
0x28: {  	s2 =	sld [smem:$0x3F9A]  }
0x29: {  	s4 =	sld [smem:$0x3F9C]  }
0x2a: {  	p0 =	seq.s32 s5, $0x0;
	s5 =	sld [smem:$0x3F9D]  }
0x2b: {  	s6 =	sld [smem:$0x3F9E]  }
0x2c: {  	s7 =	sld [smem:$0x3F9F]  }
0x2d: {  	s3 =	simm.s32 $0x108;
	s8 =	sld [smem:$0x3FA0]  }
0x2e: {  	s3 =	simm.s32 @!p0 $0x1082;
	s9 =	sld [smem:$0x3FA1]  }
0x2f: {  	lr =	sadd.s32 s0, s3;
	s0 =	sld [smem:$0x3F98]  }
0x30: {  	s3 =	sld [smem:$0x3F9B]  }
0x31: {  	[smem:$0x3FA4] =	sst s10  }
0x32: {  	s10 =	sld [smem:$0x3FA2];
	_ =	sdelay $0x3  }
0x33: {  	p0 =	seq.s32 s10, $0x1;
	s10 =	sld [smem:$0x3FA4];
	_ =	sdelay $0x3  }
0x34: {  	[smem:$0x3FA4] =	sst s10  }
0x35: {  	s10 =	sld [smem:$0x3FA3];
	_ =	sdelay $0x3  }
0x36: {  	p1 =	seq.s32 s10, $0x1;
	s10 =	sld [smem:$0x3FA4];
	_ =	sdelay $0x3  }
0x37: {  	[smem:$0x3FA4] =	sst s10  }
0x38: {  	s10 =	sld [smem:$0x3FA5]  }
0x39: {  	_ = 	snop;
	(pc) =	sbr.ind lr, $3  }
0x3a: {  	_ = 	snop  }
0x3b: {  	_ = 	snop  }
0x3c: {  	p2 =	seq.s32 s10, $0x1;
	s10 =	sld [smem:$0x3FA4]  }
0x3d: {  	_ =	shalt  }
0x3e: {  	_ =	shalt  }
0x3f: {  	_ =	shalt  }
0x40: {  	_ =	shalt  }
0x41: {  	_ =	shalt  }
0x42: {  	_ =	shalt  }
0x43: {  	_ =	shalt  }
0x44: {  	_ =	shalt  }
0x45: {  	_ =	shalt  }
0x46: {  	_ =	shalt  }
0x47: {  	_ =	shalt  }
0x48: {  	_ =	shalt  }
0x49: {  	_ =	shalt  }
0x4a: {  	_ =	shalt  }
0x4b: {  	_ =	shalt  }
0x4c: {  	_ =	shalt  }
0x4d: {  	_ =	shalt  }
0x4e: {  	_ =	shalt  }
0x4f: {  	_ =	shalt  }
0x50: {  	_ =	shalt  }
0x51: {  	_ =	shalt  }
0x52: {  	_ =	shalt  }
0x53: {  	_ =	shalt  }
0x54: {  	_ =	shalt  }
0x55: {  	_ =	shalt  }
0x56: {  	_ =	shalt  }
0x57: {  	_ =	shalt  }
0x58: {  	_ =	shalt  }
0x59: {  	_ =	shalt  }
0x5a: {  	_ =	shalt  }
0x5b: {  	_ =	shalt  }
0x5c: {  	_ =	shalt  }
0x5d: {  	_ =	shalt  }
0x5e: {  	_ =	shalt  }
0x5f: {  	_ =	shalt  }
0x60: {  	_ =	shalt  }
0x61: {  	_ =	shalt  }
0x62: {  	_ =	shalt  }
0x63: {  	_ =	shalt  }
0x64: {  	_ =	shalt  }
0x65: {  	_ =	shalt  }
0x66: {  	_ =	shalt  }
0x67: {  	_ =	shalt  }
0x68: {  	_ =	shalt  }
0x69: {  	_ =	shalt  }
0x6a: {  	_ =	shalt  }
0x6b: {  	_ =	shalt  }
0x6c: {  	_ =	shalt  }
0x6d: {  	_ =	shalt  }
0x6e: {  	_ =	shalt  }
0x6f: {  	_ =	shalt  }
0x70: {  	_ =	shalt  }
0x71: {  	_ =	shalt  }
0x72: {  	_ =	shalt  }
0x73: {  	_ =	shalt  }
0x74: {  	_ =	shalt  }
0x75: {  	_ =	shalt  }
0x76: {  	_ =	shalt  }
0x77: {  	_ =	shalt  }
0x78: {  	_ =	shalt  }
0x79: {  	_ =	shalt  }
0x7a: {  	_ =	shalt  }
0x7b: {  	_ =	shalt  }
0x7c: {  	_ =	shalt  }
0x7d: {  	_ =	shalt  }
0x7e: {  	_ =	shalt  }
0x7f: {  	_ =	shalt  }
0x80: {  	_ =	shalt  }
0x81: {  	_ =	shalt  }
0x82: {  	_ =	shalt  }
0x83: {  	_ =	shalt  }
0x84: {  	_ =	shalt  }
0x85: {  	_ =	shalt  }
0x86: {  	_ =	shalt  }
0x87: {  	_ =	shalt  }
.Lfunc_end0:
.L_simem_size_0:
called_computation.1_lowered:
.L_overlay_start_0:
0x88: {  	s2 =	sld [smem:$0x3FD9]  }
0x89: {  	s3 =	sld [smem:$0x3FFE];
	_ =	sdelay $0x1  }
0x8a: {  	s1 =	srdreg.scid  }
0x8b: {  	s0 =	sand.u32 $0x1, s1  }
0x8c: {  	s16 =	sshll.u32 s0, $0xA;
	s2 =	sadd.s32 s3, s2  }
0x8d: {  	s2 =	sadd.s32 s2, s16  }
0x8e: {  	[smem:$0x3FB0] =	sst s2  }
0x8f: {  	_ = 	snop  }
0x90: {  	(tm) =	ssettm $0x1  }
0x91: {  	s17 =	sld [smem:$0x3FFB];
	_ =	sdelay $0x3  }
0x92: {  	_ =	strace s17  }
0x93: {  	s2 =	sld [smem:$0x3FFC];
	_ =	sdelay $0x3  }
0x94: {  	_ =	strace s2  }
0x95: {  	s2 =	sld [smem:$0x3FFD];
	_ =	sdelay $0x3  }
0x96: {  	_ =	strace s2  }
0x97: {  	_ =	strace $0x8FFFFFFF  }
0x98: {  	s18 =	sld [smem:$0x3FDB];
	_ =	sdelay $0x1  }
0x99: {  	s19 =	simm.s32 $_scs_section_size  }
0x9a: {  	s4 =	simm.s32 $_size__tile_overlayer_lowered;
	s5 =	simm.s32 $_tile_overlayer_lowered  }
0x9b: {  	s22 =	simm.s32 $0x1BFF;
	s21 =	sshll.u32 s5, $0x1;
	s2 =	sadd.s32 s19, s18  }
0x9c: {  	s6 =	simm.s32 $0x0;
	s20 =	sshll.u32 s4, $0x1;
	s4 =	sadd.s32 s21, s2  }
0x9d: {  	[timem:s6], [sflag:s22] =	dma.local [hbm:s4], s20  }
0x9e: {  	_ =	swait.ge [sflag:s22], s20  }
0x9f: {  	s3 =	ssub.s32 $0x0, s20;
	[sflag:s22] =	ssyncset.done $0x0  }
0xa0: {  	[sflag:s22] =	ssyncadd.s32 s3;
	_ =	sdelay $0x1  }
0xa1: {  	s23 =	simm.s32 $0x1B8B  }
0xa2: {  	_ =	swait.ge [sflag:s23], $0x1  }
0xa3: {  	[sflag:s23] =	ssyncset.done $0x0  }
0xa4: {  	s25 =	simm.s32 $0x1B8E;
	s24 =	sld [smem:$0x3FFE];
	[sflag:s23] =	ssyncadd.s32 $0xFFFFFFFF  }
0xa5: {  	s26 =	simm.s32 $execute0_lowered;
	[smem:$0x3FD2] =	sst s25  }
0xa6: {  	s4 =	sshll.u32 s26, $0x1;
	_ =	strace $0x80000049;
	[dreg:$0x1] =	wrdreg $0xFFFFFFFF  }
0xa7: {  	s28 =	simm.s32 $_size_execute0_lowered;
	s2 =	sadd.s32 s2, s4;
	[dreg:$0x0] =	wrdreg $0x0  }
0xa8: {  	s4 =	sshll.u32 s28, $0x1;
	[dreg:$0x2] =	wrdreg s2  }
0xa9: {  	[dreg:$0x3] =	wrdreg s4  }
0xaa: {  	[dreg:$0x4] =	wrdreg $0xC0  }
0xab: {  	_ =	task [dreg:s6], $0x5FFFF  }
0xac: {  	[dreg:$0x1] =	wrdreg $0xFFFFFFFF  }
0xad: {  	[dreg:$0x0] =	wrdreg $0x60  }
0xae: {  	[dreg:$0x2] =	wrdreg s24  }
0xaf: {  	[dreg:$0x3] =	wrdreg $0x150400  }
0xb0: {  	[dreg:$0x4] =	wrdreg $0x9  }
0xb1: {  	_ =	task.clear_ibuf [dreg:s6], $0x5FFFF;
	_ =	strace $0x90000049  }
0xb2: {  	s29 =	simm.s32 $0x9;
	_ =	strace $0x8000004B  }
0xb3: {  	_ =	swait.ge [sflag:s29], $0x1  }
0xb4: {  	[sflag:s29] =	ssyncadd.s32 $0xFFFFFFFF  }
0xb5: {  	_ =	strace $0x9000004B  }
0xb6: {  	_ =	sfence  }
0xb7: {  	s30 =	sld [smem:$0x0];
	_ =	sdelay $0x2  }
0xb8: {  	s31 =	sshll.u32 s1, $0xD;
	s1 =	sshrl.u32 s1, $0x2  }
0xb9: {  	s3 =	sand.u32 $0x4000, s31;
	s1 =	sadd.s32 s1, s30  }
0xba: {  	s0 =	sor.u32 s3, s0;
	s1 =	sshll.u32 s1, $0x11  }
0xbb: {  	s0 =	sor.u32 s1, s0  }
0xbc: {  	s0 =	sadd.s32 $0x8F2B, s0  }
0xbd: {  	[sflag:s0] =	ssyncadd.remote.s32 $0x1  }
0xbe: {  	_ =	sfence.sel $0xFFFF  }
0xbf: {  	[dreg:$0x0] =	wrdreg $0xFFFFFFFF;
	(pc) =	sbr.abs _section_cstart, $3  }
0xc0: {  	[dreg:$0x1] =	wrdreg $0xFFFFFFFF  }
0xc1: {  	_ =	task.clear_ibuf [dreg:s6], $0x2FFFF;
	_ =	strace $0x9FFFFFFF  }
0xc2: {  	(tm) =	ssettm $0x7FFFFFFF  }
0xc3: {  	_ =	shalt  }
tec
execute0_lowered:
.L_overlay_start_1:
0x0: {  	(tag) =	ssettag $0x1  }
0x1: {  	s1 =	rddreg [dreg:$0x0]  }
0x2: {  	s0 =	srdreg.scid;
	s2 =	rddreg [dreg:$0x1]  }
0x3: {  	s11 =	stileid.u32;
	s3 =	simm.s32 $0x0;
	s12 =	simm.s32 $0x13C40  }
0x4: {  	s13 =	simm.s32 $0xB;
	s15 =	simm.s32 $0x7D;
	s16 =	simm.s32 $0xA000  }
0x5: {  	s18 =	simm.s32 $0xBF40;
	s20 =	simm.s32 $0xDE80;
	s22 =	simm.s32 $0xFDC0  }
0x6: {  	s24 =	simm.s32 $0x11D00;
	s28 =	simm.s32 $0x3;
	s29 =	simm.s32 $0x4  }
0x7: {  	s30 =	simm.s32 $0x6;
	s31 =	simm.s32 $0x7;
	s14 =	simm.s32 $0x9  }
0x8: {  	s17 =	simm.s32 $0xA;
	s0 =	sand.u32 $0x1, s0;
	s6 =	smul.u32 $0xA00, s11  }
0x9: {  	[smem:$0x7FF] =	sst s3;
	s10 =	smul.u32 $0x28000, s11;
	p0 =	seq.s32 s11, $0xF  }
0xa: {  	s4 =	sshll.u32 s0, $0x4;
	_ =	strace $0x8000004A;
	s7 =	smul.u32 $0x13880, s0  }
0xb: {  	s0 =	ssub.s32 $0x2, s0;
	s4 =	sor.u32 s11, s4;
	s9 =	sadd.s32 s6, s1  }
0xc: {  	s25 =	sshrl.u32 s0, $0x1;
	s11 =	smul.u32 $0x1400, s11;
	s6 =	simm.s32 $0x5  }
0xd: {  	s10 =	sshrl.u32 s10, $0x2;
	s5 =	smul.u32 $0xA00, s4;
	s4 =	sadd.s32 $0x6F200, s1  }
0xe: {  	s0 =	ssub.s32 s0, s25;
	s21 =	sadd.s32 s10, s2;
	s25 =	simm.s32 $0x1  }
0xf: {  	s8 =	sadd.s32 s5, s1;
	s1 =	sadd.s32 s7, s1;
	s5 =	simm.s32 $0x5  }
0x10: {  	s5 =	simm.s32 @!p0 $0x8;
	s26 =	sadd.s32 $0x3000, s8;
	s8 =	sadd.s32 $0x17000, s9  }
0x11: {  	s1 =	sadd.s32 s11, s1;
	s9 =	smax.u32 s0, $0x1;
	s0 =	simm.s32 $0x8  }
0x12: {  	v0 =	vimm.f32 $0.0e+00;
	[dreg:$0x3] =	wrdreg s26;
	s11 =	sadd.s32 $0x21000, s1;
	s26 =	simm.s32 $0x2  }
.LBB2_1:
0x13: {  	s10 =	simm.s32 $0x100;
	s1 =	simm.s32 $0x0  }
.LBB2_2:
0x14: {  	p0 =	sne.s32 s10, $0x4F00;
	[tilespmem:s1+$0x13C70] =	vst v0;
	s19 =	smov.u32 s10;
	s10 =	sadd.s32 $0x100, s10  }
.Ltmp0:
0x15: {  	[tilespmem:s1+$0x13C60] =	vst v0;
	(pc) =	sbr.rel @p0 .LBB2_2-.Ltmp0, $3  }
0x16: {  	[tilespmem:s1+$0x13C40] =	vst v0  }
0x17: {  	[tilespmem:s1+$0x13C50] =	vst v0;
	_ =	sdelay $0x1  }
0x18: {  	s1 =	sshra.s32 s19, $0x2  }
0x19: {  	[tilespmem:s1+$0x13C70] =	vst v0  }
0x1a: {  	[tilespmem:s1+$0x13C60] =	vst v0;
	p0 =	sne.s32 s5, $0x1  }
.Ltmp1:
0x1b: {  	[tilespmem:s1+$0x13C40] =	vst v0;
	(pc) =	sbr.rel @!p0 .LBB2_5-.Ltmp1, $4  }
0x1c: {  	[tilespmem:s1+$0x13C50] =	vst v0  }
0x1d: {  	[spmem:s21] =	stream.linear.scatter [tilespmem:s12], [sflag:$0xB], $0x1400, $0x38;
	[tilespmem:$0x1EC80] =	vst v63  }
0x1e: {  	_ =	swait.ge [sflag:s13], $0x1400  }
0x1f: {  	s1 =	sadd.s32 $0xFFFFFFFF, s5;
	s10 =	smov.u32 s21;
	[sflag:s13] =	ssyncset.done $0x0  }
.LBB2_4:
0x20: {  	p1 =	sne.s32 s1, $0x1;
	[sflag:s13] =	ssyncadd.s32 $0xFFFFEC00;
	s10 =	sadd.s32 $0x1400, s10  }
.Ltmp2:
0x21: {  	s1 =	sadd.s32 $0xFFFFFFFF, s1;
	(pc) =	sbr.rel @p1 .LBB2_4-.Ltmp2, $4  }
0x22: {  	_ = 	snop  }
0x23: {  	[spmem:s10] =	stream.linear.scatter [tilespmem:s12], [sflag:$0xB], $0x1400, $0x38;
	[tilespmem:$0x1EC80] =	vst v63  }
0x24: {  	_ =	swait.ge [sflag:s13], $0x1400  }
0x25: {  	[sflag:s13] =	ssyncset.done $0x0  }
.LBB2_5:
0x26: {  	[sflag:s13] =	ssyncadd.s32 $0xFFFFEC00;
	s1 =	simm.s32 $0x0;
	s7 =	rddreg [dreg:$0x3]  }
0x27: {  	[tilespmem:s1], [sflag:$0xB] =	stream.linear.gather [hbm4b:s7+s1], $0x5000, $0x38;
	[tilespmem:$0x1EC80] =	vst v63  }
0x28: {  	_ =	swait.ge [sflag:s13], $0x5000  }
0x29: {  	[sflag:s13] =	ssyncset.done $0x0  }
0x2a: {  	s19 =	simm.s32 $0x5000;
	[sflag:s13] =	ssyncadd.s32 $0xFFFFB000  }
0x2b: {  	[tilespmem:s19], [sflag:$0xB] =	stream.linear.gather [hbm4b:s8+s1], $0x5000, $0x38;
	[tilespmem:$0x1EC80] =	vst v63  }
0x2c: {  	_ =	swait.ge [sflag:s13], $0x5000  }
0x2d: {  	[sflag:s13] =	ssyncset.done $0x0  }
0x2e: {  	[sflag:s13] =	ssyncadd.s32 $0xFFFFB000  }
0x2f: {  	[bflag:$0x0] =	sbarrier.arrive $0xFFFF  }
0x30: {  	[tilespmem:s16], [sflag:$0x1] =	stream.indirect.gather [hbm4b:s4+s15], $0x40, s1, s15, $0xb8;
	[tilespmem:$0x1EC80] =	vst v63  }
0x31: {  	s23 =	simm.s32 $0x80  }
0x32: {  	[tilespmem:s18], [sflag:$0x2] =	stream.indirect.gather [hbm4b:s4+s15], $0x40, s23, s15, $0xb8;
	[tilespmem:$0x1EC80] =	vst v63  }
0x33: {  	s7 =	simm.s32 $0x100  }
0x34: {  	[tilespmem:s20], [sflag:$0x3] =	stream.indirect.gather [hbm4b:s4+s15], $0x40, s7, s15, $0xb8;
	[tilespmem:$0x1EC80] =	vst v63  }
0x35: {  	s10 =	simm.s32 $0x180  }
0x36: {  	[tilespmem:s22], [sflag:$0x4] =	stream.indirect.gather [hbm4b:s4+s15], $0x40, s10, s15, $0xb8;
	[tilespmem:$0x1EC80] =	vst v63  }
0x37: {  	s19 =	simm.s32 $0x200  }
0x38: {  	[tilespmem:s24], [sflag:$0x5] =	stream.indirect.gather [hbm4b:s4+s15], $0x40, s19, s15, $0xb8;
	[tilespmem:$0x1EC80] =	vst v63  }
0x39: {  	_ =	swait.ge [sflag:s25], $0x1F40  }
0x3a: {  	[sflag:s25] =	ssyncset.done $0x0  }
0x3b: {  	s23 =	simm.s32 $0x5000;
	[sflag:s25] =	ssyncadd.s32 $0xFFFFE0C0  }
0x3c: {  	[spmem:s2] =	stream.indirect.scatter.add.f32 [tilespmem:s16], [sflag:$0x6], $0x40, s23, s15, $0xb8;
	[tilespmem:$0x1EC80] =	vst v63  }
0x3d: {  	_ =	swait.ge [sflag:s26], $0x1F40  }
0x3e: {  	[sflag:s26] =	ssyncset.done $0x0  }
0x3f: {  	s7 =	simm.s32 $0x5080;
	[sflag:s26] =	ssyncadd.s32 $0xFFFFE0C0  }
0x40: {  	[spmem:s2] =	stream.indirect.scatter.add.f32 [tilespmem:s18], [sflag:$0x7], $0x40, s7, s15, $0xb8;
	[tilespmem:$0x1EC80] =	vst v63  }
0x41: {  	_ =	swait.ge [sflag:s28], $0x1F40  }
0x42: {  	[sflag:s28] =	ssyncset.done $0x0  }
0x43: {  	s10 =	simm.s32 $0x5100;
	[sflag:s28] =	ssyncadd.s32 $0xFFFFE0C0  }
0x44: {  	[spmem:s2] =	stream.indirect.scatter.add.f32 [tilespmem:s20], [sflag:$0x8], $0x40, s10, s15, $0xb8;
	[tilespmem:$0x1EC80] =	vst v63  }
0x45: {  	_ =	swait.ge [sflag:s29], $0x1F40  }
0x46: {  	[sflag:s29] =	ssyncset.done $0x0  }
0x47: {  	s19 =	simm.s32 $0x5180;
	[sflag:s29] =	ssyncadd.s32 $0xFFFFE0C0  }
0x48: {  	[spmem:s2] =	stream.indirect.scatter.add.f32 [tilespmem:s22], [sflag:$0x9], $0x40, s19, s15, $0xb8;
	[tilespmem:$0x1EC80] =	vst v63  }
0x49: {  	_ =	swait.ge [sflag:s6], $0x1F40  }
0x4a: {  	[sflag:s6] =	ssyncset.done $0x0  }
0x4b: {  	s23 =	simm.s32 $0x5200;
	[sflag:s6] =	ssyncadd.s32 $0xFFFFE0C0  }
0x4c: {  	[spmem:s2] =	stream.indirect.scatter.add.f32 [tilespmem:s24], [sflag:$0xA], $0x40, s23, s15, $0xb8;
	[tilespmem:$0x1EC80] =	vst v63  }
0x4d: {  	_ =	swait.ge [sflag:s30], $0x1F40  }
0x4e: {  	[sflag:s30] =	ssyncset.done $0x0  }
0x4f: {  	s7 =	simm.s32 $0x280;
	[sflag:s30] =	ssyncadd.s32 $0xFFFFE0C0  }
0x50: {  	[tilespmem:s16], [sflag:$0x1] =	stream.indirect.gather [hbm4b:s4+s15], $0x40, s7, s15, $0xb8;
	[tilespmem:$0x1EC80] =	vst v63  }
0x51: {  	_ =	swait.ge [sflag:s31], $0x1F40  }
0x52: {  	[sflag:s31] =	ssyncset.done $0x0  }
0x53: {  	s10 =	simm.s32 $0x300;
	[sflag:s31] =	ssyncadd.s32 $0xFFFFE0C0  }
0x54: {  	[tilespmem:s18], [sflag:$0x2] =	stream.indirect.gather [hbm4b:s4+s15], $0x40, s10, s15, $0xb8;
	[tilespmem:$0x1EC80] =	vst v63  }
0x55: {  	_ =	swait.ge [sflag:s0], $0x1F40  }
0x56: {  	[sflag:s0] =	ssyncset.done $0x0  }
0x57: {  	s19 =	simm.s32 $0x380;
	[sflag:s0] =	ssyncadd.s32 $0xFFFFE0C0  }
0x58: {  	[tilespmem:s20], [sflag:$0x3] =	stream.indirect.gather [hbm4b:s4+s15], $0x40, s19, s15, $0xb8;
	[tilespmem:$0x1EC80] =	vst v63  }
0x59: {  	_ =	swait.ge [sflag:s14], $0x1F40  }
0x5a: {  	[sflag:s14] =	ssyncset.done $0x0  }
0x5b: {  	s23 =	simm.s32 $0x400;
	[sflag:s14] =	ssyncadd.s32 $0xFFFFE0C0  }
0x5c: {  	[tilespmem:s22], [sflag:$0x4] =	stream.indirect.gather [hbm4b:s4+s15], $0x40, s23, s15, $0xb8;
	[tilespmem:$0x1EC80] =	vst v63  }
0x5d: {  	_ =	swait.ge [sflag:s17], $0x1F40  }
0x5e: {  	[sflag:s17] =	ssyncset.done $0x0  }
0x5f: {  	s1 =	simm.s32 $0xA00;
	s10 =	simm.s32 $0x480;
	[sflag:s17] =	ssyncadd.s32 $0xFFFFE0C0  }
.LBB2_6:
0x60: {  	[tilespmem:s24], [sflag:$0x5] =	stream.indirect.gather [hbm4b:s4+s15], $0x40, s10, s15, $0xb8;
	[tilespmem:$0x1EC80] =	vst v63  }
0x61: {  	s10 =	smov.u32 s1  }
0x62: {  	p1 =	sne.s32 s1, $0x12C00;
	s1 =	sadd.s32 $0xA00, s1;
	_ =	swait.ge [sflag:s25], $0x1F40  }
0x63: {  	s23 =	sshra.s32 s10, $0x2;
	[sflag:s25] =	ssyncset.done $0x0  }
0x64: {  	s10 =	sadd.s32 $0x5000, s23;
	[sflag:s25] =	ssyncadd.s32 $0xFFFFE0C0  }
0x65: {  	[spmem:s2] =	stream.indirect.scatter.add.f32 [tilespmem:s16], [sflag:$0x6], $0x40, s10, s15, $0xb8;
	[tilespmem:$0x1EC80] =	vst v63  }
0x66: {  	_ =	swait.ge [sflag:s26], $0x1F40  }
0x67: {  	[sflag:s26] =	ssyncset.done $0x0  }
0x68: {  	s10 =	sadd.s32 $0x5080, s23;
	[sflag:s26] =	ssyncadd.s32 $0xFFFFE0C0  }
0x69: {  	[spmem:s2] =	stream.indirect.scatter.add.f32 [tilespmem:s18], [sflag:$0x7], $0x40, s10, s15, $0xb8;
	[tilespmem:$0x1EC80] =	vst v63  }
0x6a: {  	_ =	swait.ge [sflag:s28], $0x1F40  }
0x6b: {  	[sflag:s28] =	ssyncset.done $0x0  }
0x6c: {  	s10 =	sadd.s32 $0x5100, s23;
	[sflag:s28] =	ssyncadd.s32 $0xFFFFE0C0  }
0x6d: {  	[spmem:s2] =	stream.indirect.scatter.add.f32 [tilespmem:s20], [sflag:$0x8], $0x40, s10, s15, $0xb8;
	[tilespmem:$0x1EC80] =	vst v63  }
0x6e: {  	_ =	swait.ge [sflag:s29], $0x1F40  }
0x6f: {  	[sflag:s29] =	ssyncset.done $0x0  }
0x70: {  	s10 =	sadd.s32 $0x5180, s23;
	[sflag:s29] =	ssyncadd.s32 $0xFFFFE0C0  }
0x71: {  	[spmem:s2] =	stream.indirect.scatter.add.f32 [tilespmem:s22], [sflag:$0x9], $0x40, s10, s15, $0xb8;
	[tilespmem:$0x1EC80] =	vst v63  }
0x72: {  	_ =	swait.ge [sflag:s6], $0x1F40  }
0x73: {  	[sflag:s6] =	ssyncset.done $0x0  }
0x74: {  	s10 =	sadd.s32 $0x5200, s23;
	[sflag:s6] =	ssyncadd.s32 $0xFFFFE0C0  }
0x75: {  	[spmem:s2] =	stream.indirect.scatter.add.f32 [tilespmem:s24], [sflag:$0xA], $0x40, s10, s15, $0xb8;
	[tilespmem:$0x1EC80] =	vst v63  }
0x76: {  	_ =	swait.ge [sflag:s30], $0x1F40  }
0x77: {  	[sflag:s30] =	ssyncset.done $0x0  }
0x78: {  	s10 =	sadd.s32 $0x280, s23;
	[sflag:s30] =	ssyncadd.s32 $0xFFFFE0C0  }
0x79: {  	[tilespmem:s16], [sflag:$0x1] =	stream.indirect.gather [hbm4b:s4+s15], $0x40, s10, s15, $0xb8;
	[tilespmem:$0x1EC80] =	vst v63  }
0x7a: {  	_ =	swait.ge [sflag:s31], $0x1F40  }
0x7b: {  	[sflag:s31] =	ssyncset.done $0x0  }
0x7c: {  	s10 =	sadd.s32 $0x300, s23;
	[sflag:s31] =	ssyncadd.s32 $0xFFFFE0C0  }
0x7d: {  	[tilespmem:s18], [sflag:$0x2] =	stream.indirect.gather [hbm4b:s4+s15], $0x40, s10, s15, $0xb8;
	[tilespmem:$0x1EC80] =	vst v63  }
0x7e: {  	_ =	swait.ge [sflag:s0], $0x1F40  }
0x7f: {  	[sflag:s0] =	ssyncset.done $0x0  }
0x80: {  	s10 =	sadd.s32 $0x380, s23;
	[sflag:s0] =	ssyncadd.s32 $0xFFFFE0C0  }
0x81: {  	[tilespmem:s20], [sflag:$0x3] =	stream.indirect.gather [hbm4b:s4+s15], $0x40, s10, s15, $0xb8;
	[tilespmem:$0x1EC80] =	vst v63  }
0x82: {  	_ =	swait.ge [sflag:s14], $0x1F40  }
0x83: {  	[sflag:s14] =	ssyncset.done $0x0  }
.Ltmp3:
0x84: {  	s10 =	sadd.s32 $0x400, s23;
	[sflag:s14] =	ssyncadd.s32 $0xFFFFE0C0;
	(pc) =	sbr.rel @p1 .LBB2_6-.Ltmp3, $4  }
0x85: {  	[tilespmem:s22], [sflag:$0x4] =	stream.indirect.gather [hbm4b:s4+s15], $0x40, s10, s15, $0xb8;
	[tilespmem:$0x1EC80] =	vst v63  }
0x86: {  	_ =	swait.ge [sflag:s17], $0x1F40  }
0x87: {  	[sflag:s17] =	ssyncset.done $0x0  }
0x88: {  	s10 =	sadd.s32 $0x480, s23;
	[sflag:s17] =	ssyncadd.s32 $0xFFFFE0C0  }
0x89: {  	[tilespmem:s24], [sflag:$0x5] =	stream.indirect.gather [hbm4b:s4+s15], $0x40, s10, s15, $0xb8;
	[tilespmem:$0x1EC80] =	vst v63  }
0x8a: {  	_ =	swait.ge [sflag:s25], $0x1F40  }
0x8b: {  	[sflag:s25] =	ssyncset.done $0x0  }
0x8c: {  	s1 =	simm.s32 $0x9D80;
	[sflag:s25] =	ssyncadd.s32 $0xFFFFE0C0  }
0x8d: {  	[spmem:s2] =	stream.indirect.scatter.add.f32 [tilespmem:s16], [sflag:$0x6], $0x40, s1, s15, $0xb8;
	[tilespmem:$0x1EC80] =	vst v63  }
0x8e: {  	_ =	swait.ge [sflag:s26], $0x1F40  }
0x8f: {  	[sflag:s26] =	ssyncset.done $0x0  }
0x90: {  	s19 =	simm.s32 $0x9E00;
	[sflag:s26] =	ssyncadd.s32 $0xFFFFE0C0  }
0x91: {  	[spmem:s2] =	stream.indirect.scatter.add.f32 [tilespmem:s18], [sflag:$0x7], $0x40, s19, s15, $0xb8;
	[tilespmem:$0x1EC80] =	vst v63  }
0x92: {  	_ =	swait.ge [sflag:s28], $0x1F40  }
0x93: {  	[sflag:s28] =	ssyncset.done $0x0  }
0x94: {  	s23 =	simm.s32 $0x9E80;
	[sflag:s28] =	ssyncadd.s32 $0xFFFFE0C0  }
0x95: {  	[spmem:s2] =	stream.indirect.scatter.add.f32 [tilespmem:s20], [sflag:$0x8], $0x40, s23, s15, $0xb8;
	[tilespmem:$0x1EC80] =	vst v63  }
0x96: {  	_ =	swait.ge [sflag:s29], $0x1F40  }
0x97: {  	[sflag:s29] =	ssyncset.done $0x0  }
0x98: {  	s7 =	simm.s32 $0x9F00;
	[sflag:s29] =	ssyncadd.s32 $0xFFFFE0C0  }
0x99: {  	[spmem:s2] =	stream.indirect.scatter.add.f32 [tilespmem:s22], [sflag:$0x9], $0x40, s7, s15, $0xb8;
	[tilespmem:$0x1EC80] =	vst v63  }
0x9a: {  	_ =	swait.ge [sflag:s6], $0x1F40  }
0x9b: {  	[sflag:s6] =	ssyncset.done $0x0  }
0x9c: {  	s10 =	simm.s32 $0x9F80;
	[sflag:s6] =	ssyncadd.s32 $0xFFFFE0C0  }
0x9d: {  	[spmem:s2] =	stream.indirect.scatter.add.f32 [tilespmem:s24], [sflag:$0xA], $0x40, s10, s15, $0xb8;
	[tilespmem:$0x1EC80] =	vst v63  }
0x9e: {  	_ =	swait.ge [sflag:s30], $0x1F40  }
0x9f: {  	[sflag:s30] =	ssyncset.done $0x0  }
0xa0: {  	[sflag:s30] =	ssyncadd.s32 $0xFFFFE0C0  }
0xa1: {  	_ =	swait.ge [sflag:s31], $0x1F40  }
0xa2: {  	[sflag:s31] =	ssyncset.done $0x0  }
0xa3: {  	[sflag:s31] =	ssyncadd.s32 $0xFFFFE0C0  }
0xa4: {  	_ =	swait.ge [sflag:s0], $0x1F40  }
0xa5: {  	[sflag:s0] =	ssyncset.done $0x0  }
0xa6: {  	[sflag:s0] =	ssyncadd.s32 $0xFFFFE0C0  }
0xa7: {  	_ =	swait.ge [sflag:s14], $0x1F40  }
0xa8: {  	[sflag:s14] =	ssyncset.done $0x0  }
0xa9: {  	[sflag:s14] =	ssyncadd.s32 $0xFFFFE0C0  }
0xaa: {  	_ =	swait.ge [sflag:s17], $0x1F40  }
.Ltmp4:
0xab: {  	s19 =	stileid.u32;
	[sflag:s17] =	ssyncset.done $0x0;
	(pc) =	sbr.rel @!p0 .LBB2_9-.Ltmp4, $4  }
0xac: {  	s1 =	sshll.u32 s19, $0x6;
	s19 =	sadd.s32 $0x280, s11;
	[sflag:s17] =	ssyncadd.s32 $0xFFFFE0C0  }
0xad: {  	s1 =	sor.u32 $0x1C0B, s1;
	s23 =	sshrl.u32 s21, $0x3;
	[bflag:$0x0] =	sbarrier.arrive $0xFFFF  }
0xae: {  	[hbm:s11], [sflag:s1] =	dma.local [spmem:s23], $0x280  }
0xaf: {  	s10 =	smov.u32 s21;
	s23 =	sadd.s32 $0xFFFFFFFF, s5;
	_ =	swait.ge [sflag:s13], $0x280  }
.LBB2_8:
0xb0: {  	[sflag:s13] =	ssyncset.done $0x0;
	s10 =	sadd.s32 $0x1400, s10;
	p0 =	sne.s32 s23, $0x1  }
.Ltmp5:
0xb1: {  	s7 =	sshrl.u32 s10, $0x3;
	[sflag:s13] =	ssyncadd.s32 $0xFFFFFD80;
	(pc) =	sbr.rel @p0 .LBB2_8-.Ltmp5, $3  }
0xb2: {  	[hbm:s19], [sflag:s1] =	dma.local [spmem:s7], $0x280  }
0xb3: {  	s23 =	sadd.s32 $0xFFFFFFFF, s23;
	_ =	sdelay $0x1  }
0xb4: {  	s19 =	sadd.s32 $0x280, s19;
	_ =	swait.ge [sflag:s13], $0x280  }
.LBB2_9:
0xb5: {  	s3 =	sadd.s32 $0x1, s3  }
0xb6: {  	p0 =	sne.s32 s3, s9  }
.Ltmp6:
0xb7: {  	_ = 	snop;
	(pc) =	sbr.rel @p0 .LBB2_1-.Ltmp6, $3  }
0xb8: {  	_ =	sdelay $0x1  }
0xb9: {  	[sflag:s13] =	ssyncset.done $0x0  }
0xba: {  	[sflag:s13] =	ssyncadd.s32 $0xFFFFFD80  }
0xbb: {  	_ =	sfence.sel $0x180000  }
0xbc: {  	[bflag:$0x0] =	sbarrier.arrive $0xFFFF  }
0xbd: {  	_ =	strace $0x9000004A  }
0xbe: {  	s0 =	stileid.u32;
	[bflag:$0x2] =	sbarrier.arrive $0xFFFF  }
0xbf: {  	p0 =	sne.s32 s0, $0x0;
	s0 =	rddreg [dreg:$0x2]  }
0xc0: {  	s0 =	sadd.s32 @!p0 $0x100000, s0  }
0xc1: {  	[sflag:s0] =	ssyncadd.tile.s32 @!p0 $0x1;
	_ =	shalt  }
.Lfunc_end2:
_tile_overlayer_lowered:
.L_overlay_start_2:
0xc2: {  	(tag) =	ssettag $0x2  }
0xc3: {  	s0 =	rddreg [dreg:$0x0];
	s2 =	stileid.u32  }
0xc4: {  	s1 =	rddreg [dreg:$0x1];
	p0 =	sne.s32 s2, $0x0  }
0xc5: {  	s3 =	rddreg [dreg:$0x2];
	[bflag:$0x3] =	sbarrier.arrive $0xFFFF;
	s2 =	simm.s32 @!p0 $0x1C0B  }
0xc6: {  	[timem:s3], [sflag:s2] =	dma.local @!p0 [hbm:s0], s1  }
0xc7: {  	s0 =	simm.s32 @!p0 $0xB  }
0xc8: {  	_ =	swait.ge @!p0 [sflag:s0], s1  }
0xc9: {  	s1 =	ssub.s32 @!p0 $0x0, s1;
	[sflag:s0] =	ssyncset.done @!p0 $0x0  }
0xca: {  	[sflag:s0] =	ssyncadd.s32 @!p0 s1  }
0xcb: {  	[bflag:$0x3] =	sbarrier.arrive $0xFFFF  }
0xcc: {  	_ =	shalt  }

// kernel: kernel.15.cloned.1.call-start
scs
__scs_entry_jumppad:
0x0: {  	(pc) =	sbr.rel $0x88, $3  }
0x1: {  	(tag) =	ssettag $0x0;
	lr =	simm.s32 $0x1  }
0x2: {  	[smem:$0x3F89] =	sst lr;
	_ =	strace $0xD0000000  }
0x3: {  	_ = 	snop  }
0x4: {  	_ = 	snop  }
0x5: {  	_ = 	snop  }
0x6: {  	_ = 	snop  }
0x7: {  	_ = 	snop  }
__scs_overlays_trampoline_lowered:
0x8: {  	[smem:$0x3F98] =	sst s0  }
0x9: {  	[smem:$0x3F99] =	sst s1  }
0xa: {  	[smem:$0x3F9A] =	sst s2  }
0xb: {  	[smem:$0x3F9B] =	sst s3  }
0xc: {  	[smem:$0x3F9C] =	sst s4  }
0xd: {  	[smem:$0x3F9D] =	sst s5  }
0xe: {  	[smem:$0x3F9E] =	sst s6  }
0xf: {  	[smem:$0x3F9F] =	sst s7  }
0x10: {  	[smem:$0x3FA0] =	sst s8  }
0x11: {  	[smem:$0x3FA1] =	sst s9;
	s0 =	simm.s32 @!p0 $0x0  }
0x12: {  	s1 =	sld [smem:$0x3F87];
	s0 =	simm.s32 @p0 $0x1  }
0x13: {  	[smem:$0x3FA2] =	sst s0;
	s0 =	simm.s32 @!p1 $0x0  }
0x14: {  	s2 =	sld [smem:$0x3F86];
	s0 =	simm.s32 @p1 $0x1  }
0x15: {  	[smem:$0x3FA3] =	sst s0;
	s0 =	simm.s32 @!p2 $0x0  }
0x16: {  	s3 =	sld [smem:$0x3FDB];
	s0 =	simm.s32 @p2 $0x1  }
0x17: {  	s4 =	simm.s32 $0x1BF5;
	[smem:$0x3FA5] =	sst s0  }
0x18: {  	s0 =	sld [smem:$0x3F88];
	_ =	swait.ge [sflag:s4], $0x0  }
0x19: {  	s7 =	sld [smem:$0x3F89]  }
0x1a: {  	s8 =	sadd.s32 $0xFFFFE003, lr  }
0x1b: {  	s9 =	sadd.s32 $0xFFFFFEF7, lr;
	s5 =	simm.s32 $0xFFFFFFFF;
	p2 =	slt.u32 s8, $0xFFFFF086  }
0x1c: {  	p1 =	slt.u32 s9, $0xF7A;
	s5 =	simm.s32 @!p2 $0x0  }
0x1d: {  	s5 =	simm.s32 @p1 $0x1;
	p0 =	seq.s32 s7, s2  }
0x1e: {  	s7 =	smul.u32 @!p0 $0xF7A, s2;
	p2 =	seq.s32 @!p0 s5, $0x0  }
0x1f: {  	s9 =	smul.u32 $0xF7A, s1;
	s8 =	simm.s32 @!p0 $0x1BF5;
	p2 =	por !p2, p0  }
0x20: {  	[sflag:s8] =	ssyncset.s32 @!p0 $0xFFFFF086;
	s6 =	sadd.s32 @!p0 s3, s7;
	s7 =	simm.s32 @!p0 $0x108  }
0x21: {  	s3 =	sadd.s32 s3, s9;
	s6 =	sadd.s32 @!p0 $0x88, s6;
	s7 =	simm.s32 @p2 $0x1082  }
0x22: {  	[simem:s7], [sflag:s8] =	dma.local @!p0 [hbm:s6], $0xF7A  }
0x23: {  	s9 =	sor.u32 $0xD0000000, s2;
	s6 =	simm.s32 $0x108;
	_ =	swait.ge @!p0 [sflag:s8], $0x0  }
0x24: {  	s3 =	sadd.s32 $0x88, s3;
	s6 =	simm.s32 @!p1 $0x1082;
	[sflag:s4] =	ssyncset.s32 $0xFFFFF086  }
0x25: {  	[simem:s6], [sflag:s4] =	dma.local [hbm:s3], $0xF7A  }
0x26: {  	[smem:$0x3F89] =	sst s1;
	(tag) =	ssettag s2;
	_ =	strace s9  }
0x27: {  	s1 =	sld [smem:$0x3F99]  }
0x28: {  	s2 =	sld [smem:$0x3F9A]  }
0x29: {  	s4 =	sld [smem:$0x3F9C]  }
0x2a: {  	p0 =	seq.s32 s5, $0x0;
	s5 =	sld [smem:$0x3F9D]  }
0x2b: {  	s6 =	sld [smem:$0x3F9E]  }
0x2c: {  	s7 =	sld [smem:$0x3F9F]  }
0x2d: {  	s3 =	simm.s32 $0x108;
	s8 =	sld [smem:$0x3FA0]  }
0x2e: {  	s3 =	simm.s32 @!p0 $0x1082;
	s9 =	sld [smem:$0x3FA1]  }
0x2f: {  	lr =	sadd.s32 s0, s3;
	s0 =	sld [smem:$0x3F98]  }
0x30: {  	s3 =	sld [smem:$0x3F9B]  }
0x31: {  	[smem:$0x3FA4] =	sst s10  }
0x32: {  	s10 =	sld [smem:$0x3FA2];
	_ =	sdelay $0x3  }
0x33: {  	p0 =	seq.s32 s10, $0x1;
	s10 =	sld [smem:$0x3FA4];
	_ =	sdelay $0x3  }
0x34: {  	[smem:$0x3FA4] =	sst s10  }
0x35: {  	s10 =	sld [smem:$0x3FA3];
	_ =	sdelay $0x3  }
0x36: {  	p1 =	seq.s32 s10, $0x1;
	s10 =	sld [smem:$0x3FA4];
	_ =	sdelay $0x3  }
0x37: {  	[smem:$0x3FA4] =	sst s10  }
0x38: {  	s10 =	sld [smem:$0x3FA5]  }
0x39: {  	_ = 	snop;
	(pc) =	sbr.ind lr, $3  }
0x3a: {  	_ = 	snop  }
0x3b: {  	_ = 	snop  }
0x3c: {  	p2 =	seq.s32 s10, $0x1;
	s10 =	sld [smem:$0x3FA4]  }
0x3d: {  	_ =	shalt  }
0x3e: {  	_ =	shalt  }
0x3f: {  	_ =	shalt  }
0x40: {  	_ =	shalt  }
0x41: {  	_ =	shalt  }
0x42: {  	_ =	shalt  }
0x43: {  	_ =	shalt  }
0x44: {  	_ =	shalt  }
0x45: {  	_ =	shalt  }
0x46: {  	_ =	shalt  }
0x47: {  	_ =	shalt  }
0x48: {  	_ =	shalt  }
0x49: {  	_ =	shalt  }
0x4a: {  	_ =	shalt  }
0x4b: {  	_ =	shalt  }
0x4c: {  	_ =	shalt  }
0x4d: {  	_ =	shalt  }
0x4e: {  	_ =	shalt  }
0x4f: {  	_ =	shalt  }
0x50: {  	_ =	shalt  }
0x51: {  	_ =	shalt  }
0x52: {  	_ =	shalt  }
0x53: {  	_ =	shalt  }
0x54: {  	_ =	shalt  }
0x55: {  	_ =	shalt  }
0x56: {  	_ =	shalt  }
0x57: {  	_ =	shalt  }
0x58: {  	_ =	shalt  }
0x59: {  	_ =	shalt  }
0x5a: {  	_ =	shalt  }
0x5b: {  	_ =	shalt  }
0x5c: {  	_ =	shalt  }
0x5d: {  	_ =	shalt  }
0x5e: {  	_ =	shalt  }
0x5f: {  	_ =	shalt  }
0x60: {  	_ =	shalt  }
0x61: {  	_ =	shalt  }
0x62: {  	_ =	shalt  }
0x63: {  	_ =	shalt  }
0x64: {  	_ =	shalt  }
0x65: {  	_ =	shalt  }
0x66: {  	_ =	shalt  }
0x67: {  	_ =	shalt  }
0x68: {  	_ =	shalt  }
0x69: {  	_ =	shalt  }
0x6a: {  	_ =	shalt  }
0x6b: {  	_ =	shalt  }
0x6c: {  	_ =	shalt  }
0x6d: {  	_ =	shalt  }
0x6e: {  	_ =	shalt  }
0x6f: {  	_ =	shalt  }
0x70: {  	_ =	shalt  }
0x71: {  	_ =	shalt  }
0x72: {  	_ =	shalt  }
0x73: {  	_ =	shalt  }
0x74: {  	_ =	shalt  }
0x75: {  	_ =	shalt  }
0x76: {  	_ =	shalt  }
0x77: {  	_ =	shalt  }
0x78: {  	_ =	shalt  }
0x79: {  	_ =	shalt  }
0x7a: {  	_ =	shalt  }
0x7b: {  	_ =	shalt  }
0x7c: {  	_ =	shalt  }
0x7d: {  	_ =	shalt  }
0x7e: {  	_ =	shalt  }
0x7f: {  	_ =	shalt  }
0x80: {  	_ =	shalt  }
0x81: {  	_ =	shalt  }
0x82: {  	_ =	shalt  }
0x83: {  	_ =	shalt  }
0x84: {  	_ =	shalt  }
0x85: {  	_ =	shalt  }
0x86: {  	_ =	shalt  }
0x87: {  	_ =	shalt  }
.Lfunc_end0:
.L_simem_size_0:
called_computation.2_lowered:
.L_overlay_start_0:
0x88: {  	s2 =	sld [smem:$0x3FD9]  }
0x89: {  	s3 =	sld [smem:$0x3FFE];
	_ =	sdelay $0x1  }
0x8a: {  	s1 =	srdreg.scid  }
0x8b: {  	s0 =	sand.u32 $0x1, s1  }
0x8c: {  	s16 =	sshll.u32 s0, $0xA;
	s2 =	sadd.s32 s3, s2  }
0x8d: {  	s2 =	sadd.s32 s2, s16  }
0x8e: {  	[smem:$0x3FB0] =	sst s2  }
0x8f: {  	_ = 	snop  }
0x90: {  	(tm) =	ssettm $0x1  }
0x91: {  	s17 =	sld [smem:$0x3FFB];
	_ =	sdelay $0x3  }
0x92: {  	_ =	strace s17  }
0x93: {  	s2 =	sld [smem:$0x3FFC];
	_ =	sdelay $0x3  }
0x94: {  	_ =	strace s2  }
0x95: {  	s2 =	sld [smem:$0x3FFD];
	_ =	sdelay $0x3  }
0x96: {  	_ =	strace s2  }
0x97: {  	_ =	strace $0x8FFFFFFF  }
0x98: {  	s18 =	sld [smem:$0x3FDB];
	_ =	sdelay $0x1  }
0x99: {  	s19 =	simm.s32 $_scs_section_size  }
0x9a: {  	s4 =	simm.s32 $_size__tile_overlayer_lowered;
	s5 =	simm.s32 $_tile_overlayer_lowered  }
0x9b: {  	s22 =	simm.s32 $0x1BFF;
	s21 =	sshll.u32 s5, $0x1;
	s2 =	sadd.s32 s19, s18  }
0x9c: {  	s6 =	simm.s32 $0x0;
	s20 =	sshll.u32 s4, $0x1;
	s4 =	sadd.s32 s21, s2  }
0x9d: {  	[timem:s6], [sflag:s22] =	dma.local [hbm:s4], s20  }
0x9e: {  	_ =	swait.ge [sflag:s22], s20  }
0x9f: {  	s3 =	ssub.s32 $0x0, s20;
	[sflag:s22] =	ssyncset.done $0x0  }
0xa0: {  	[sflag:s22] =	ssyncadd.s32 s3;
	_ =	sdelay $0x1  }
0xa1: {  	s23 =	simm.s32 $0x1B8B  }
0xa2: {  	_ =	swait.ge [sflag:s23], $0x1  }
0xa3: {  	[sflag:s23] =	ssyncset.done $0x0  }
0xa4: {  	s25 =	simm.s32 $0x1B8E;
	s24 =	sld [smem:$0x3FFE];
	[sflag:s23] =	ssyncadd.s32 $0xFFFFFFFF  }
0xa5: {  	s26 =	simm.s32 $execute0_lowered;
	[smem:$0x3FD2] =	sst s25  }
0xa6: {  	s4 =	sshll.u32 s26, $0x1;
	_ =	strace $0x8000004C;
	[dreg:$0x1] =	wrdreg $0xFFFFFFFF  }
0xa7: {  	s28 =	simm.s32 $_size_execute0_lowered;
	s2 =	sadd.s32 s2, s4;
	[dreg:$0x0] =	wrdreg $0x0  }
0xa8: {  	s4 =	sshll.u32 s28, $0x1;
	[dreg:$0x2] =	wrdreg s2  }
0xa9: {  	[dreg:$0x3] =	wrdreg s4  }
0xaa: {  	[dreg:$0x4] =	wrdreg $0xC0  }
0xab: {  	_ =	task [dreg:s6], $0x5FFFF  }
0xac: {  	[dreg:$0x1] =	wrdreg $0xFFFFFFFF  }
0xad: {  	[dreg:$0x0] =	wrdreg $0x60  }
0xae: {  	[dreg:$0x2] =	wrdreg s24  }
0xaf: {  	[dreg:$0x3] =	wrdreg $0x86100  }
0xb0: {  	[dreg:$0x4] =	wrdreg $0x9  }
0xb1: {  	_ =	task.clear_ibuf [dreg:s6], $0x5FFFF;
	_ =	strace $0x9000004C  }
0xb2: {  	s29 =	simm.s32 $0x9;
	_ =	strace $0x8000004E  }
0xb3: {  	_ =	swait.ge [sflag:s29], $0x1  }
0xb4: {  	[sflag:s29] =	ssyncadd.s32 $0xFFFFFFFF  }
0xb5: {  	_ =	strace $0x9000004E  }
0xb6: {  	_ =	sfence  }
0xb7: {  	s30 =	sld [smem:$0x0];
	_ =	sdelay $0x2  }
0xb8: {  	s31 =	sshll.u32 s1, $0xD;
	s1 =	sshrl.u32 s1, $0x2  }
0xb9: {  	s3 =	sand.u32 $0x4000, s31;
	s1 =	sadd.s32 s1, s30  }
0xba: {  	s0 =	sor.u32 s3, s0;
	s1 =	sshll.u32 s1, $0x11  }
0xbb: {  	s0 =	sor.u32 s1, s0  }
0xbc: {  	s0 =	sadd.s32 $0x8F2B, s0  }
0xbd: {  	[sflag:s0] =	ssyncadd.remote.s32 $0x1  }
0xbe: {  	_ =	sfence.sel $0xFFFF  }
0xbf: {  	[dreg:$0x0] =	wrdreg $0xFFFFFFFF;
	(pc) =	sbr.abs _section_cstart, $3  }
0xc0: {  	[dreg:$0x1] =	wrdreg $0xFFFFFFFF  }
0xc1: {  	_ =	task.clear_ibuf [dreg:s6], $0x2FFFF;
	_ =	strace $0x9FFFFFFF  }
0xc2: {  	(tm) =	ssettm $0x7FFFFFFF  }
0xc3: {  	_ =	shalt  }
tec
execute0_lowered:
.L_overlay_start_1:
0x0: {  	(tag) =	ssettag $0x1  }
0x1: {  	s1 =	srdreg.scid  }
0x2: {  	s5 =	rddreg [dreg:$0x0];
	s0 =	stileid.u32  }
0x3: {  	s2 =	rddreg [dreg:$0x1];
	s3 =	simm.s32 $0x0;
	s13 =	simm.s32 $0x5000  }
0x4: {  	s14 =	simm.s32 $0x2800;
	s15 =	simm.s32 $0x7710;
	s16 =	simm.s32 $0x50  }
0x5: {  	s17 =	simm.s32 $0x7C10;
	s18 =	simm.s32 $0x2850;
	s19 =	simm.s32 $0x1  }
0x6: {  	s20 =	simm.s32 $0x2;
	s4 =	sand.u32 $0x1, s1;
	s1 =	rddreg [dreg:$0x2]  }
0x7: {  	s7 =	sshll.u32 s0, $0x7;
	[smem:$0x7FF] =	sst s3;
	s11 =	smul.u32 $0xA000, s0  }
0x8: {  	p0 =	seq.s32 s0, $0xF;
	s12 =	smul.u32 $0x500, s0;
	s6 =	sshll.u32 s4, $0xB  }
0x9: {  	_ =	strace $0x8000004D;
	s29 =	smul.u32 $0x4E20, s4;
	s8 =	ssub.s32 $0x2, s4  }
0xa: {  	s4 =	sadd.s32 $0x3000, s5;
	s6 =	sor.u32 s7, s6;
	s30 =	sshrl.u32 s8, $0x1  }
0xb: {  	v0 =	vlaneseq.u32;
	s31 =	sshrl.u32 s11, $0x2;
	s6 =	smul.u32 $0xA, s6;
	s8 =	ssub.s32 s8, s30  }
0xc: {  	v0 =	vmul.u32 $0x10, v0;
	s11 =	simm.s32 $0x8110;
	s10 =	sadd.s32 s29, s5;
	s8 =	smax.u32 s8, $0x1  }
0xd: {  	s10 =	sadd.s32 s12, s10;
	s9 =	sadd.s32 s6, s5;
	s5 =	simm.s32 $0x5  }
0xe: {  	v1 =	vimm.f32 $0.0e+00;
	v2 =	vor.u32 $0x100, v0;
	s12 =	simm.s32 $0x3;
	s10 =	sadd.s32 $0x3600, s10;
	s5 =	simm.s32 @!p0 $0x8  }
0xf: {  	v3 =	vor.u32 $0x200, v0;
	v4 =	vor.u32 $0x300, v0;
	v5 =	vor.u32 $0x400, v0;
	s6 =	sadd.s32 $0x52200, s9;
	s7 =	sadd.s32 $0x48200, s9;
	s9 =	sadd.s32 s31, s2  }
.LBB2_1:
0x10: {  	s21 =	simm.s32 $0x0  }
.LBB2_2:
0x11: {  	p0 =	sne.s32 s21, $0x13C0  }
.Ltmp0:
0x12: {  	_ = 	snop;
	(pc) =	sbr.rel @p0 .LBB2_2-.Ltmp0, $3  }
0x13: {  	_ =	sdelay $0x1  }
0x14: {  	s22 =	sshra.s32 s21, $0x2  }
0x15: {  	s21 =	sadd.s32 $0x40, s21;
	[tilespmem:s22+$0x8110] =	vst v1  }
0x16: {  	s21 =	simm.s32 $0x40;
	s22 =	simm.s32 $0x0  }
.LBB2_4:
0x17: {  	p0 =	sne.s32 s21, $0x13C0;
	[tilespmem:s22+$0x7710] =	vst v1;
	s23 =	smov.u32 s21;
	s21 =	sadd.s32 $0x40, s21  }
.Ltmp1:
0x18: {  	[tilespmem:s22+$0x7C10] =	vst v1;
	(pc) =	sbr.rel @p0 .LBB2_4-.Ltmp1, $2  }
0x19: {  	_ =	sdelay $0x2  }
0x1a: {  	s22 =	sshra.s32 s23, $0x2  }
0x1b: {  	p0 =	sne.s32 s5, $0x1  }
.Ltmp2:
0x1c: {  	[tilespmem:s22+$0x7710] =	vst v1;
	(pc) =	sbr.rel @!p0 .LBB2_7-.Ltmp2, $4  }
0x1d: {  	[tilespmem:s22+$0x7C10] =	vst v1  }
0x1e: {  	[spmem:s9] =	stream.linear.scatter [tilespmem:s11], [sflag:$0x3], $0x500, $0x38;
	[tilespmem:$0xAD20] =	vst v63  }
0x1f: {  	_ =	swait.ge [sflag:s12], $0x500  }
0x20: {  	s21 =	sadd.s32 $0xFFFFFFFF, s5;
	s22 =	smov.u32 s9;
	[sflag:s12] =	ssyncset.done $0x0  }
.LBB2_6:
0x21: {  	p1 =	sne.s32 s21, $0x1;
	[sflag:s12] =	ssyncadd.s32 $0xFFFFFB00;
	s22 =	sadd.s32 $0x500, s22  }
.Ltmp3:
0x22: {  	s21 =	sadd.s32 $0xFFFFFFFF, s21;
	(pc) =	sbr.rel @p1 .LBB2_6-.Ltmp3, $4  }
0x23: {  	_ = 	snop  }
0x24: {  	[spmem:s22] =	stream.linear.scatter [tilespmem:s11], [sflag:$0x3], $0x500, $0x38;
	[tilespmem:$0xAD20] =	vst v63  }
0x25: {  	_ =	swait.ge [sflag:s12], $0x500  }
0x26: {  	[sflag:s12] =	ssyncset.done $0x0  }
.LBB2_7:
0x27: {  	[sflag:s12] =	ssyncadd.s32 $0xFFFFFB00;
	s21 =	simm.s32 $0x0  }
0x28: {  	[tilespmem:s13], [sflag:$0x3] =	stream.linear.gather [hbm4b:s4+s21], $0x2710, $0x38;
	[tilespmem:$0xAD20] =	vst v63  }
0x29: {  	_ =	swait.ge [sflag:s12], $0x2710  }
0x2a: {  	[sflag:s12] =	ssyncset.done $0x0  }
0x2b: {  	[sflag:s12] =	ssyncadd.s32 $0xFFFFD8F0  }
0x2c: {  	[tilespmem:s21], [sflag:$0x3] =	stream.linear.gather [hbm4b:s6+s21], $0x2800, $0x38;
	[tilespmem:$0xAD20] =	vst v63  }
0x2d: {  	_ =	swait.ge [sflag:s12], $0x2800  }
0x2e: {  	[sflag:s12] =	ssyncset.done $0x0  }
0x2f: {  	[sflag:s12] =	ssyncadd.s32 $0xFFFFD800  }
0x30: {  	[tilespmem:s14], [sflag:$0x3] =	stream.linear.gather [hbm4b:s7+s21], $0x2800, $0x38;
	[tilespmem:$0xAD20] =	vst v63  }
0x31: {  	_ =	swait.ge [sflag:s12], $0x2800  }
0x32: {  	[sflag:s12] =	ssyncset.done $0x0  }
0x33: {  	[sflag:s12] =	ssyncadd.s32 $0xFFFFD800  }
0x34: {  	[bflag:$0x0] =	sbarrier.arrive $0xFFFF  }
0x35: {  	v6 =	vld [tilespmem:$0x0]  }
0x36: {  	v7 =	vld [tilespmem:$0x2800];
	_ =	sdelay $0x6  }
0x37: {  	v6 =	vld.idx.msk [tilespmem:v6+s13+$0x0], $0xffff  }
0x38: {  	v7 =	vld.idx.msk [tilespmem:v7+s13+$0x0], $0xffff;
	_ =	sdelay $0x4  }
0x39: {  	vm0 =	vgt.f32 v6, v7  }
0x3a: {  	v6 =	vsel vm0, $0x3F800000, v1  }
0x3b: {  	[tilespmem:v0+s15+$0x0] =	vst.idx.msk $0xffff, v6  }
0x3c: {  	v6 =	vld [tilespmem:$0x10]  }
0x3d: {  	v7 =	vld [tilespmem:$0x2810];
	_ =	sdelay $0x6  }
0x3e: {  	v6 =	vld.idx.msk [tilespmem:v6+s13+$0x0], $0xffff  }
0x3f: {  	v7 =	vld.idx.msk [tilespmem:v7+s13+$0x0], $0xffff;
	_ =	sdelay $0x4  }
0x40: {  	vm7 =	vgt.f32 v6, v7  }
0x41: {  	v6 =	vsel vm7, $0x3F800000, v1  }
0x42: {  	[tilespmem:v2+s15+$0x0] =	vst.idx.msk $0xffff, v6  }
0x43: {  	v6 =	vld [tilespmem:$0x20]  }
0x44: {  	v7 =	vld [tilespmem:$0x2820];
	_ =	sdelay $0x6  }
0x45: {  	v6 =	vld.idx.msk [tilespmem:v6+s13+$0x0], $0xffff  }
0x46: {  	v7 =	vld.idx.msk [tilespmem:v7+s13+$0x0], $0xffff;
	_ =	sdelay $0x4  }
0x47: {  	vm8 =	vgt.f32 v6, v7  }
0x48: {  	v6 =	vsel vm8, $0x3F800000, v1  }
0x49: {  	[tilespmem:v3+s15+$0x0] =	vst.idx.msk $0xffff, v6  }
0x4a: {  	v6 =	vld [tilespmem:$0x30]  }
0x4b: {  	v7 =	vld [tilespmem:$0x2830];
	_ =	sdelay $0x6  }
0x4c: {  	v6 =	vld.idx.msk [tilespmem:v6+s13+$0x0], $0xffff  }
0x4d: {  	v7 =	vld.idx.msk [tilespmem:v7+s13+$0x0], $0xffff;
	_ =	sdelay $0x4  }
0x4e: {  	vm9 =	vgt.f32 v6, v7  }
0x4f: {  	v6 =	vsel vm9, $0x3F800000, v1  }
0x50: {  	[tilespmem:v4+s15+$0x0] =	vst.idx.msk $0xffff, v6  }
0x51: {  	v6 =	vld [tilespmem:$0x40]  }
0x52: {  	v7 =	vld [tilespmem:$0x2840];
	_ =	sdelay $0x6  }
0x53: {  	v6 =	vld.idx.msk [tilespmem:v6+s13+$0x0], $0xffff  }
0x54: {  	v7 =	vld.idx.msk [tilespmem:v7+s13+$0x0], $0xffff;
	_ =	sdelay $0x4  }
0x55: {  	vm10 =	vgt.f32 v6, v7  }
0x56: {  	v6 =	vsel vm10, $0x3F800000, v1  }
0x57: {  	[tilespmem:v5+s15+$0x0] =	vst.idx.msk $0xffff, v6  }
0x58: {  	[spmem:s2] =	stream.indirect.scatter.add.f32 [tilespmem:s15], [sflag:$0x1], $0x10, s14, s16, $0xb8;
	[tilespmem:$0xAD20] =	vst v63  }
0x59: {  	v6 =	vld [tilespmem:$0x50]  }
0x5a: {  	v7 =	vld [tilespmem:$0x2850];
	_ =	sdelay $0x6  }
0x5b: {  	v6 =	vld.idx.msk [tilespmem:v6+s13+$0x0], $0xffff  }
0x5c: {  	v7 =	vld.idx.msk [tilespmem:v7+s13+$0x0], $0xffff;
	_ =	sdelay $0x4  }
0x5d: {  	vm11 =	vgt.f32 v6, v7  }
0x5e: {  	v6 =	vsel vm11, $0x3F800000, v1  }
0x5f: {  	[tilespmem:v0+s17+$0x0] =	vst.idx.msk $0xffff, v6  }
0x60: {  	v6 =	vld [tilespmem:$0x60]  }
0x61: {  	v7 =	vld [tilespmem:$0x2860];
	_ =	sdelay $0x6  }
0x62: {  	v6 =	vld.idx.msk [tilespmem:v6+s13+$0x0], $0xffff  }
0x63: {  	v7 =	vld.idx.msk [tilespmem:v7+s13+$0x0], $0xffff;
	_ =	sdelay $0x4  }
0x64: {  	vm12 =	vgt.f32 v6, v7  }
0x65: {  	v6 =	vsel vm12, $0x3F800000, v1  }
0x66: {  	[tilespmem:v2+s17+$0x0] =	vst.idx.msk $0xffff, v6  }
0x67: {  	v6 =	vld [tilespmem:$0x70]  }
0x68: {  	v7 =	vld [tilespmem:$0x2870];
	_ =	sdelay $0x6  }
0x69: {  	v6 =	vld.idx.msk [tilespmem:v6+s13+$0x0], $0xffff  }
0x6a: {  	v7 =	vld.idx.msk [tilespmem:v7+s13+$0x0], $0xffff;
	_ =	sdelay $0x4  }
0x6b: {  	vm13 =	vgt.f32 v6, v7  }
0x6c: {  	v6 =	vsel vm13, $0x3F800000, v1  }
0x6d: {  	[tilespmem:v3+s17+$0x0] =	vst.idx.msk $0xffff, v6  }
0x6e: {  	v6 =	vld [tilespmem:$0x80]  }
0x6f: {  	v7 =	vld [tilespmem:$0x2880];
	_ =	sdelay $0x6  }
0x70: {  	v6 =	vld.idx.msk [tilespmem:v6+s13+$0x0], $0xffff  }
0x71: {  	v7 =	vld.idx.msk [tilespmem:v7+s13+$0x0], $0xffff;
	_ =	sdelay $0x4  }
0x72: {  	vm14 =	vgt.f32 v6, v7  }
0x73: {  	v6 =	vsel vm14, $0x3F800000, v1  }
0x74: {  	[tilespmem:v4+s17+$0x0] =	vst.idx.msk $0xffff, v6  }
0x75: {  	v6 =	vld [tilespmem:$0x90]  }
0x76: {  	v7 =	vld [tilespmem:$0x2890];
	_ =	sdelay $0x6  }
0x77: {  	v6 =	vld.idx.msk [tilespmem:v6+s13+$0x0], $0xffff  }
0x78: {  	v7 =	vld.idx.msk [tilespmem:v7+s13+$0x0], $0xffff;
	_ =	sdelay $0x4  }
0x79: {  	vm15 =	vgt.f32 v6, v7  }
0x7a: {  	v6 =	vsel vm15, $0x3F800000, v1  }
0x7b: {  	[tilespmem:v5+s17+$0x0] =	vst.idx.msk $0xffff, v6  }
0x7c: {  	[spmem:s2] =	stream.indirect.scatter.add.f32 [tilespmem:s17], [sflag:$0x2], $0x10, s18, s16, $0xb8;
	[tilespmem:$0xAD20] =	vst v63  }
.LBB2_8:
0x7d: {  	_ =	swait.ge [sflag:s19], $0x500  }
0x7e: {  	[sflag:s19] =	ssyncset.done $0x0  }
0x7f: {  	s22 =	sshra.s32 s21, $0x2;
	[sflag:s19] =	ssyncadd.s32 $0xFFFFFB00  }
0x80: {  	v6 =	vld [tilespmem:s22+$0xA0]  }
0x81: {  	v7 =	vld [tilespmem:s22+$0x28A0];
	_ =	sdelay $0x6  }
0x82: {  	v6 =	vld.idx.msk [tilespmem:v6+s13+$0x0], $0xffff  }
0x83: {  	v7 =	vld.idx.msk [tilespmem:v7+s13+$0x0], $0xffff;
	_ =	sdelay $0x4  }
0x84: {  	vm0 =	vgt.f32 v6, v7  }
0x85: {  	v6 =	vsel vm0, $0x3F800000, v1  }
0x86: {  	[tilespmem:v0+s15+$0x0] =	vst.idx.msk $0xffff, v6  }
0x87: {  	v6 =	vld [tilespmem:s22+$0xB0]  }
0x88: {  	v7 =	vld [tilespmem:s22+$0x28B0];
	_ =	sdelay $0x6  }
0x89: {  	v6 =	vld.idx.msk [tilespmem:v6+s13+$0x0], $0xffff  }
0x8a: {  	v7 =	vld.idx.msk [tilespmem:v7+s13+$0x0], $0xffff;
	_ =	sdelay $0x4  }
0x8b: {  	vm7 =	vgt.f32 v6, v7  }
0x8c: {  	v6 =	vsel vm7, $0x3F800000, v1  }
0x8d: {  	[tilespmem:v2+s15+$0x0] =	vst.idx.msk $0xffff, v6  }
0x8e: {  	v6 =	vld [tilespmem:s22+$0xC0]  }
0x8f: {  	v7 =	vld [tilespmem:s22+$0x28C0];
	_ =	sdelay $0x6  }
0x90: {  	v6 =	vld.idx.msk [tilespmem:v6+s13+$0x0], $0xffff  }
0x91: {  	v7 =	vld.idx.msk [tilespmem:v7+s13+$0x0], $0xffff;
	_ =	sdelay $0x4  }
0x92: {  	vm8 =	vgt.f32 v6, v7  }
0x93: {  	v6 =	vsel vm8, $0x3F800000, v1  }
0x94: {  	[tilespmem:v3+s15+$0x0] =	vst.idx.msk $0xffff, v6  }
0x95: {  	v6 =	vld [tilespmem:s22+$0xD0]  }
0x96: {  	v7 =	vld [tilespmem:s22+$0x28D0];
	_ =	sdelay $0x6  }
0x97: {  	v6 =	vld.idx.msk [tilespmem:v6+s13+$0x0], $0xffff  }
0x98: {  	v7 =	vld.idx.msk [tilespmem:v7+s13+$0x0], $0xffff;
	_ =	sdelay $0x4  }
0x99: {  	vm9 =	vgt.f32 v6, v7  }
0x9a: {  	v6 =	vsel vm9, $0x3F800000, v1  }
0x9b: {  	[tilespmem:v4+s15+$0x0] =	vst.idx.msk $0xffff, v6  }
0x9c: {  	v6 =	vld [tilespmem:s22+$0xE0]  }
0x9d: {  	v7 =	vld [tilespmem:s22+$0x28E0];
	_ =	sdelay $0x6  }
0x9e: {  	v6 =	vld.idx.msk [tilespmem:v6+s13+$0x0], $0xffff  }
0x9f: {  	v7 =	vld.idx.msk [tilespmem:v7+s13+$0x0], $0xffff;
	_ =	sdelay $0x4  }
0xa0: {  	vm10 =	vgt.f32 v6, v7  }
0xa1: {  	v6 =	vsel vm10, $0x3F800000, v1  }
0xa2: {  	s23 =	sadd.s32 $0x28A0, s22;
	[tilespmem:v5+s15+$0x0] =	vst.idx.msk $0xffff, v6  }
0xa3: {  	[spmem:s2] =	stream.indirect.scatter.add.f32 [tilespmem:s15], [sflag:$0x1], $0x10, s23, s16, $0xb8;
	[tilespmem:$0xAD20] =	vst v63  }
0xa4: {  	_ =	swait.ge [sflag:s20], $0x500  }
0xa5: {  	[sflag:s20] =	ssyncset.done $0x0  }
0xa6: {  	[sflag:s20] =	ssyncadd.s32 $0xFFFFFB00  }
0xa7: {  	v6 =	vld [tilespmem:s22+$0xF0]  }
0xa8: {  	v7 =	vld [tilespmem:s22+$0x28F0];
	_ =	sdelay $0x6  }
0xa9: {  	v6 =	vld.idx.msk [tilespmem:v6+s13+$0x0], $0xffff  }
0xaa: {  	v7 =	vld.idx.msk [tilespmem:v7+s13+$0x0], $0xffff;
	_ =	sdelay $0x4  }
0xab: {  	vm11 =	vgt.f32 v6, v7  }
0xac: {  	v6 =	vsel vm11, $0x3F800000, v1  }
0xad: {  	[tilespmem:v0+s17+$0x0] =	vst.idx.msk $0xffff, v6  }
0xae: {  	v6 =	vld [tilespmem:s22+$0x100]  }
0xaf: {  	v7 =	vld [tilespmem:s22+$0x2900];
	_ =	sdelay $0x6  }
0xb0: {  	v6 =	vld.idx.msk [tilespmem:v6+s13+$0x0], $0xffff  }
0xb1: {  	v7 =	vld.idx.msk [tilespmem:v7+s13+$0x0], $0xffff;
	_ =	sdelay $0x4  }
0xb2: {  	vm12 =	vgt.f32 v6, v7  }
0xb3: {  	v6 =	vsel vm12, $0x3F800000, v1  }
0xb4: {  	[tilespmem:v2+s17+$0x0] =	vst.idx.msk $0xffff, v6  }
0xb5: {  	v6 =	vld [tilespmem:s22+$0x110]  }
0xb6: {  	v7 =	vld [tilespmem:s22+$0x2910];
	_ =	sdelay $0x6  }
0xb7: {  	v6 =	vld.idx.msk [tilespmem:v6+s13+$0x0], $0xffff  }
0xb8: {  	v7 =	vld.idx.msk [tilespmem:v7+s13+$0x0], $0xffff;
	_ =	sdelay $0x4  }
0xb9: {  	vm13 =	vgt.f32 v6, v7  }
0xba: {  	v6 =	vsel vm13, $0x3F800000, v1  }
0xbb: {  	[tilespmem:v3+s17+$0x0] =	vst.idx.msk $0xffff, v6  }
0xbc: {  	v6 =	vld [tilespmem:s22+$0x120]  }
0xbd: {  	v7 =	vld [tilespmem:s22+$0x2920];
	_ =	sdelay $0x6  }
0xbe: {  	v6 =	vld.idx.msk [tilespmem:v6+s13+$0x0], $0xffff  }
0xbf: {  	v7 =	vld.idx.msk [tilespmem:v7+s13+$0x0], $0xffff;
	_ =	sdelay $0x4  }
0xc0: {  	vm14 =	vgt.f32 v6, v7  }
0xc1: {  	v6 =	vsel vm14, $0x3F800000, v1  }
0xc2: {  	[tilespmem:v4+s17+$0x0] =	vst.idx.msk $0xffff, v6  }
0xc3: {  	v6 =	vld [tilespmem:s22+$0x130]  }
0xc4: {  	v7 =	vld [tilespmem:s22+$0x2930];
	_ =	sdelay $0x6  }
0xc5: {  	v6 =	vld.idx.msk [tilespmem:v6+s13+$0x0], $0xffff  }
0xc6: {  	v7 =	vld.idx.msk [tilespmem:v7+s13+$0x0], $0xffff;
	_ =	sdelay $0x2  }
0xc7: {  	p1 =	sne.s32 s21, $0x9B00  }
.Ltmp4:
0xc8: {  	_ = 	snop;
	(pc) =	sbr.rel @p1 .LBB2_8-.Ltmp4, $4  }
0xc9: {  	vm15 =	vgt.f32 v6, v7  }
0xca: {  	v6 =	vsel vm15, $0x3F800000, v1  }
0xcb: {  	s21 =	sadd.s32 $0x280, s21;
	s22 =	sadd.s32 $0x28F0, s22;
	[tilespmem:v5+s17+$0x0] =	vst.idx.msk $0xffff, v6  }
0xcc: {  	[spmem:s2] =	stream.indirect.scatter.add.f32 [tilespmem:s17], [sflag:$0x2], $0x10, s22, s16, $0xb8;
	[tilespmem:$0xAD20] =	vst v63  }
0xcd: {  	_ =	swait.ge [sflag:s19], $0x500  }
0xce: {  	[sflag:s19] =	ssyncset.done $0x0  }
0xcf: {  	[sflag:s19] =	ssyncadd.s32 $0xFFFFFB00  }
0xd0: {  	_ =	swait.ge [sflag:s20], $0x500  }
.Ltmp5:
0xd1: {  	[sflag:s20] =	ssyncset.done $0x0;
	(pc) =	sbr.rel @!p0 .LBB2_11-.Ltmp5, $4  }
0xd2: {  	s21 =	sshll.u32 s0, $0x6;
	s22 =	sshrl.u32 s9, $0x3;
	[sflag:s20] =	ssyncadd.s32 $0xFFFFFB00  }
0xd3: {  	s23 =	sadd.s32 $0xA0, s10;
	s21 =	sor.u32 $0x1C03, s21;
	[bflag:$0x0] =	sbarrier.arrive $0xFFFF  }
0xd4: {  	[hbm:s10], [sflag:s21] =	dma.local [spmem:s22], $0xA0  }
0xd5: {  	s24 =	smov.u32 s9;
	s22 =	sadd.s32 $0xFFFFFFFF, s5;
	_ =	swait.ge [sflag:s12], $0xA0  }
.LBB2_10:
0xd6: {  	[sflag:s12] =	ssyncset.done $0x0;
	s24 =	sadd.s32 $0x500, s24;
	p0 =	sne.s32 s22, $0x1  }
.Ltmp6:
0xd7: {  	s25 =	sshrl.u32 s24, $0x3;
	[sflag:s12] =	ssyncadd.s32 $0xFFFFFF60;
	(pc) =	sbr.rel @p0 .LBB2_10-.Ltmp6, $3  }
0xd8: {  	[hbm:s23], [sflag:s21] =	dma.local [spmem:s25], $0xA0  }
0xd9: {  	s22 =	sadd.s32 $0xFFFFFFFF, s22;
	_ =	sdelay $0x1  }
0xda: {  	s23 =	sadd.s32 $0xA0, s23;
	_ =	swait.ge [sflag:s12], $0xA0  }
.LBB2_11:
0xdb: {  	s3 =	sadd.s32 $0x1, s3  }
0xdc: {  	p0 =	sne.s32 s3, s8  }
.Ltmp7:
0xdd: {  	_ = 	snop;
	(pc) =	sbr.rel @p0 .LBB2_1-.Ltmp7, $3  }
0xde: {  	_ =	sdelay $0x1  }
0xdf: {  	[sflag:s12] =	ssyncset.done $0x0  }
0xe0: {  	[sflag:s12] =	ssyncadd.s32 $0xFFFFFF60  }
0xe1: {  	_ =	sfence.sel $0x180000  }
0xe2: {  	[bflag:$0x0] =	sbarrier.arrive $0xFFFF  }
0xe3: {  	p0 =	sne.s32 s0, $0x0;
	_ =	strace $0x9000004D  }
0xe4: {  	s0 =	sadd.s32 @!p0 $0x100000, s1;
	[bflag:$0x2] =	sbarrier.arrive $0xFFFF  }
0xe5: {  	[sflag:s0] =	ssyncadd.tile.s32 @!p0 $0x1;
	_ =	shalt  }
.Lfunc_end2:
_tile_overlayer_lowered:
.L_overlay_start_2:
0xe6: {  	(tag) =	ssettag $0x2  }
0xe7: {  	s0 =	rddreg [dreg:$0x0];
	s2 =	stileid.u32  }
0xe8: {  	s1 =	rddreg [dreg:$0x1];
	p0 =	sne.s32 s2, $0x0  }
0xe9: {  	s3 =	rddreg [dreg:$0x2];
	[bflag:$0x3] =	sbarrier.arrive $0xFFFF;
	s2 =	simm.s32 @!p0 $0x1C03  }
0xea: {  	[timem:s3], [sflag:s2] =	dma.local @!p0 [hbm:s0], s1  }
0xeb: {  	s0 =	simm.s32 @!p0 $0x3  }
0xec: {  	_ =	swait.ge @!p0 [sflag:s0], s1  }
0xed: {  	s1 =	ssub.s32 @!p0 $0x0, s1;
	[sflag:s0] =	ssyncset.done @!p0 $0x0  }
0xee: {  	[sflag:s0] =	ssyncadd.s32 @!p0 s1  }
0xef: {  	[bflag:$0x3] =	sbarrier.arrive $0xFFFF  }
0xf0: {  	_ =	shalt  }

// kernel: kernel.9.cloned.1.call-start
scs
__scs_entry_jumppad:
0x0: {  	(pc) =	sbr.rel $0x88, $3  }
0x1: {  	(tag) =	ssettag $0x0;
	lr =	simm.s32 $0x1  }
0x2: {  	[smem:$0x3F89] =	sst lr;
	_ =	strace $0xD0000000  }
0x3: {  	_ = 	snop  }
0x4: {  	_ = 	snop  }
0x5: {  	_ = 	snop  }
0x6: {  	_ = 	snop  }
0x7: {  	_ = 	snop  }
__scs_overlays_trampoline_lowered:
0x8: {  	[smem:$0x3F98] =	sst s0  }
0x9: {  	[smem:$0x3F99] =	sst s1  }
0xa: {  	[smem:$0x3F9A] =	sst s2  }
0xb: {  	[smem:$0x3F9B] =	sst s3  }
0xc: {  	[smem:$0x3F9C] =	sst s4  }
0xd: {  	[smem:$0x3F9D] =	sst s5  }
0xe: {  	[smem:$0x3F9E] =	sst s6  }
0xf: {  	[smem:$0x3F9F] =	sst s7  }
0x10: {  	[smem:$0x3FA0] =	sst s8  }
0x11: {  	[smem:$0x3FA1] =	sst s9;
	s0 =	simm.s32 @!p0 $0x0  }
0x12: {  	s1 =	sld [smem:$0x3F87];
	s0 =	simm.s32 @p0 $0x1  }
0x13: {  	[smem:$0x3FA2] =	sst s0;
	s0 =	simm.s32 @!p1 $0x0  }
0x14: {  	s2 =	sld [smem:$0x3F86];
	s0 =	simm.s32 @p1 $0x1  }
0x15: {  	[smem:$0x3FA3] =	sst s0;
	s0 =	simm.s32 @!p2 $0x0  }
0x16: {  	s3 =	sld [smem:$0x3FDB];
	s0 =	simm.s32 @p2 $0x1  }
0x17: {  	s4 =	simm.s32 $0x1BF5;
	[smem:$0x3FA5] =	sst s0  }
0x18: {  	s0 =	sld [smem:$0x3F88];
	_ =	swait.ge [sflag:s4], $0x0  }
0x19: {  	s7 =	sld [smem:$0x3F89]  }
0x1a: {  	s8 =	sadd.s32 $0xFFFFE003, lr  }
0x1b: {  	s9 =	sadd.s32 $0xFFFFFEF7, lr;
	s5 =	simm.s32 $0xFFFFFFFF;
	p2 =	slt.u32 s8, $0xFFFFF086  }
0x1c: {  	p1 =	slt.u32 s9, $0xF7A;
	s5 =	simm.s32 @!p2 $0x0  }
0x1d: {  	s5 =	simm.s32 @p1 $0x1;
	p0 =	seq.s32 s7, s2  }
0x1e: {  	s7 =	smul.u32 @!p0 $0xF7A, s2;
	p2 =	seq.s32 @!p0 s5, $0x0  }
0x1f: {  	s9 =	smul.u32 $0xF7A, s1;
	s8 =	simm.s32 @!p0 $0x1BF5;
	p2 =	por !p2, p0  }
0x20: {  	[sflag:s8] =	ssyncset.s32 @!p0 $0xFFFFF086;
	s6 =	sadd.s32 @!p0 s3, s7;
	s7 =	simm.s32 @!p0 $0x108  }
0x21: {  	s3 =	sadd.s32 s3, s9;
	s6 =	sadd.s32 @!p0 $0x88, s6;
	s7 =	simm.s32 @p2 $0x1082  }
0x22: {  	[simem:s7], [sflag:s8] =	dma.local @!p0 [hbm:s6], $0xF7A  }
0x23: {  	s9 =	sor.u32 $0xD0000000, s2;
	s6 =	simm.s32 $0x108;
	_ =	swait.ge @!p0 [sflag:s8], $0x0  }
0x24: {  	s3 =	sadd.s32 $0x88, s3;
	s6 =	simm.s32 @!p1 $0x1082;
	[sflag:s4] =	ssyncset.s32 $0xFFFFF086  }
0x25: {  	[simem:s6], [sflag:s4] =	dma.local [hbm:s3], $0xF7A  }
0x26: {  	[smem:$0x3F89] =	sst s1;
	(tag) =	ssettag s2;
	_ =	strace s9  }
0x27: {  	s1 =	sld [smem:$0x3F99]  }
0x28: {  	s2 =	sld [smem:$0x3F9A]  }
0x29: {  	s4 =	sld [smem:$0x3F9C]  }
0x2a: {  	p0 =	seq.s32 s5, $0x0;
	s5 =	sld [smem:$0x3F9D]  }
0x2b: {  	s6 =	sld [smem:$0x3F9E]  }
0x2c: {  	s7 =	sld [smem:$0x3F9F]  }
0x2d: {  	s3 =	simm.s32 $0x108;
	s8 =	sld [smem:$0x3FA0]  }
0x2e: {  	s3 =	simm.s32 @!p0 $0x1082;
	s9 =	sld [smem:$0x3FA1]  }
0x2f: {  	lr =	sadd.s32 s0, s3;
	s0 =	sld [smem:$0x3F98]  }
0x30: {  	s3 =	sld [smem:$0x3F9B]  }
0x31: {  	[smem:$0x3FA4] =	sst s10  }
0x32: {  	s10 =	sld [smem:$0x3FA2];
	_ =	sdelay $0x3  }
0x33: {  	p0 =	seq.s32 s10, $0x1;
	s10 =	sld [smem:$0x3FA4];
	_ =	sdelay $0x3  }
0x34: {  	[smem:$0x3FA4] =	sst s10  }
0x35: {  	s10 =	sld [smem:$0x3FA3];
	_ =	sdelay $0x3  }
0x36: {  	p1 =	seq.s32 s10, $0x1;
	s10 =	sld [smem:$0x3FA4];
	_ =	sdelay $0x3  }
0x37: {  	[smem:$0x3FA4] =	sst s10  }
0x38: {  	s10 =	sld [smem:$0x3FA5]  }
0x39: {  	_ = 	snop;
	(pc) =	sbr.ind lr, $3  }
0x3a: {  	_ = 	snop  }
0x3b: {  	_ = 	snop  }
0x3c: {  	p2 =	seq.s32 s10, $0x1;
	s10 =	sld [smem:$0x3FA4]  }
0x3d: {  	_ =	shalt  }
0x3e: {  	_ =	shalt  }
0x3f: {  	_ =	shalt  }
0x40: {  	_ =	shalt  }
0x41: {  	_ =	shalt  }
0x42: {  	_ =	shalt  }
0x43: {  	_ =	shalt  }
0x44: {  	_ =	shalt  }
0x45: {  	_ =	shalt  }
0x46: {  	_ =	shalt  }
0x47: {  	_ =	shalt  }
0x48: {  	_ =	shalt  }
0x49: {  	_ =	shalt  }
0x4a: {  	_ =	shalt  }
0x4b: {  	_ =	shalt  }
0x4c: {  	_ =	shalt  }
0x4d: {  	_ =	shalt  }
0x4e: {  	_ =	shalt  }
0x4f: {  	_ =	shalt  }
0x50: {  	_ =	shalt  }
0x51: {  	_ =	shalt  }
0x52: {  	_ =	shalt  }
0x53: {  	_ =	shalt  }
0x54: {  	_ =	shalt  }
0x55: {  	_ =	shalt  }
0x56: {  	_ =	shalt  }
0x57: {  	_ =	shalt  }
0x58: {  	_ =	shalt  }
0x59: {  	_ =	shalt  }
0x5a: {  	_ =	shalt  }
0x5b: {  	_ =	shalt  }
0x5c: {  	_ =	shalt  }
0x5d: {  	_ =	shalt  }
0x5e: {  	_ =	shalt  }
0x5f: {  	_ =	shalt  }
0x60: {  	_ =	shalt  }
0x61: {  	_ =	shalt  }
0x62: {  	_ =	shalt  }
0x63: {  	_ =	shalt  }
0x64: {  	_ =	shalt  }
0x65: {  	_ =	shalt  }
0x66: {  	_ =	shalt  }
0x67: {  	_ =	shalt  }
0x68: {  	_ =	shalt  }
0x69: {  	_ =	shalt  }
0x6a: {  	_ =	shalt  }
0x6b: {  	_ =	shalt  }
0x6c: {  	_ =	shalt  }
0x6d: {  	_ =	shalt  }
0x6e: {  	_ =	shalt  }
0x6f: {  	_ =	shalt  }
0x70: {  	_ =	shalt  }
0x71: {  	_ =	shalt  }
0x72: {  	_ =	shalt  }
0x73: {  	_ =	shalt  }
0x74: {  	_ =	shalt  }
0x75: {  	_ =	shalt  }
0x76: {  	_ =	shalt  }
0x77: {  	_ =	shalt  }
0x78: {  	_ =	shalt  }
0x79: {  	_ =	shalt  }
0x7a: {  	_ =	shalt  }
0x7b: {  	_ =	shalt  }
0x7c: {  	_ =	shalt  }
0x7d: {  	_ =	shalt  }
0x7e: {  	_ =	shalt  }
0x7f: {  	_ =	shalt  }
0x80: {  	_ =	shalt  }
0x81: {  	_ =	shalt  }
0x82: {  	_ =	shalt  }
0x83: {  	_ =	shalt  }
0x84: {  	_ =	shalt  }
0x85: {  	_ =	shalt  }
0x86: {  	_ =	shalt  }
0x87: {  	_ =	shalt  }
.Lfunc_end0:
.L_simem_size_0:
called_computation_lowered:
.L_overlay_start_0:
0x88: {  	s2 =	sld [smem:$0x3FD9]  }
0x89: {  	s3 =	sld [smem:$0x3FFE];
	_ =	sdelay $0x1  }
0x8a: {  	s1 =	srdreg.scid  }
0x8b: {  	s0 =	sand.u32 $0x1, s1  }
0x8c: {  	s16 =	sshll.u32 s0, $0xA;
	s2 =	sadd.s32 s3, s2  }
0x8d: {  	s2 =	sadd.s32 s2, s16  }
0x8e: {  	[smem:$0x3FB0] =	sst s2  }
0x8f: {  	_ = 	snop  }
0x90: {  	(tm) =	ssettm $0x1  }
0x91: {  	s17 =	sld [smem:$0x3FFB];
	_ =	sdelay $0x3  }
0x92: {  	_ =	strace s17  }
0x93: {  	s2 =	sld [smem:$0x3FFC];
	_ =	sdelay $0x3  }
0x94: {  	_ =	strace s2  }
0x95: {  	s2 =	sld [smem:$0x3FFD];
	_ =	sdelay $0x3  }
0x96: {  	_ =	strace s2  }
0x97: {  	_ =	strace $0x8FFFFFFF  }
0x98: {  	s18 =	sld [smem:$0x3FDB];
	_ =	sdelay $0x1  }
0x99: {  	s19 =	simm.s32 $_scs_section_size  }
0x9a: {  	s4 =	simm.s32 $_size__tile_overlayer_lowered;
	s5 =	simm.s32 $_tile_overlayer_lowered  }
0x9b: {  	s22 =	simm.s32 $0x1BFF;
	s21 =	sshll.u32 s5, $0x1;
	s2 =	sadd.s32 s19, s18  }
0x9c: {  	s6 =	simm.s32 $0x0;
	s20 =	sshll.u32 s4, $0x1;
	s4 =	sadd.s32 s21, s2  }
0x9d: {  	[timem:s6], [sflag:s22] =	dma.local [hbm:s4], s20  }
0x9e: {  	_ =	swait.ge [sflag:s22], s20  }
0x9f: {  	s3 =	ssub.s32 $0x0, s20;
	[sflag:s22] =	ssyncset.done $0x0  }
0xa0: {  	[sflag:s22] =	ssyncadd.s32 s3;
	_ =	sdelay $0x1  }
0xa1: {  	s23 =	simm.s32 $0x1B8B  }
0xa2: {  	_ =	swait.ge [sflag:s23], $0x1  }
0xa3: {  	[sflag:s23] =	ssyncset.done $0x0  }
0xa4: {  	s25 =	simm.s32 $0x1B8E;
	s24 =	sld [smem:$0x3FFE];
	[sflag:s23] =	ssyncadd.s32 $0xFFFFFFFF  }
0xa5: {  	s26 =	simm.s32 $execute0_lowered;
	[smem:$0x3FD2] =	sst s25  }
0xa6: {  	s4 =	sshll.u32 s26, $0x1;
	_ =	strace $0x80000046;
	[dreg:$0x1] =	wrdreg $0xFFFFFFFF  }
0xa7: {  	s28 =	simm.s32 $_size_execute0_lowered;
	s2 =	sadd.s32 s2, s4;
	[dreg:$0x0] =	wrdreg $0x0  }
0xa8: {  	s4 =	sshll.u32 s28, $0x1;
	[dreg:$0x2] =	wrdreg s2  }
0xa9: {  	[dreg:$0x3] =	wrdreg s4  }
0xaa: {  	[dreg:$0x4] =	wrdreg $0xC0  }
0xab: {  	_ =	task [dreg:s6], $0x5FFFF  }
0xac: {  	[dreg:$0x1] =	wrdreg $0xFFFFFFFF  }
0xad: {  	[dreg:$0x0] =	wrdreg $0x60  }
0xae: {  	[dreg:$0x2] =	wrdreg s24  }
0xaf: {  	[dreg:$0x3] =	wrdreg $0x150400  }
0xb0: {  	[dreg:$0x4] =	wrdreg $0x9  }
0xb1: {  	_ =	task.clear_ibuf [dreg:s6], $0x5FFFF;
	_ =	strace $0x90000046  }
0xb2: {  	s29 =	simm.s32 $0x9;
	_ =	strace $0x80000048  }
0xb3: {  	_ =	swait.ge [sflag:s29], $0x1  }
0xb4: {  	[sflag:s29] =	ssyncadd.s32 $0xFFFFFFFF  }
0xb5: {  	_ =	strace $0x90000048  }
0xb6: {  	_ =	sfence  }
0xb7: {  	s30 =	sld [smem:$0x0];
	_ =	sdelay $0x2  }
0xb8: {  	s31 =	sshll.u32 s1, $0xD;
	s1 =	sshrl.u32 s1, $0x2  }
0xb9: {  	s3 =	sand.u32 $0x4000, s31;
	s1 =	sadd.s32 s1, s30  }
0xba: {  	s0 =	sor.u32 s3, s0;
	s1 =	sshll.u32 s1, $0x11  }
0xbb: {  	s0 =	sor.u32 s1, s0  }
0xbc: {  	s0 =	sadd.s32 $0x8F2B, s0  }
0xbd: {  	[sflag:s0] =	ssyncadd.remote.s32 $0x1  }
0xbe: {  	_ =	sfence.sel $0xFFFF  }
0xbf: {  	[dreg:$0x0] =	wrdreg $0xFFFFFFFF;
	(pc) =	sbr.abs _section_cstart, $3  }
0xc0: {  	[dreg:$0x1] =	wrdreg $0xFFFFFFFF  }
0xc1: {  	_ =	task.clear_ibuf [dreg:s6], $0x2FFFF;
	_ =	strace $0x9FFFFFFF  }
0xc2: {  	(tm) =	ssettm $0x7FFFFFFF  }
0xc3: {  	_ =	shalt  }
tec
execute0_lowered:
.L_overlay_start_1:
0x0: {  	(tag) =	ssettag $0x1  }
0x1: {  	s1 =	rddreg [dreg:$0x0]  }
0x2: {  	s0 =	srdreg.scid;
	s2 =	rddreg [dreg:$0x1]  }
0x3: {  	s11 =	stileid.u32;
	s3 =	simm.s32 $0x0;
	s12 =	simm.s32 $0x13C40  }
0x4: {  	s13 =	simm.s32 $0xB;
	s15 =	simm.s32 $0x7D;
	s16 =	simm.s32 $0xA000  }
0x5: {  	s18 =	simm.s32 $0xBF40;
	s20 =	simm.s32 $0xDE80;
	s22 =	simm.s32 $0xFDC0  }
0x6: {  	s24 =	simm.s32 $0x11D00;
	s28 =	simm.s32 $0x3;
	s29 =	simm.s32 $0x4  }
0x7: {  	s30 =	simm.s32 $0x6;
	s31 =	simm.s32 $0x7;
	s14 =	simm.s32 $0x9  }
0x8: {  	s17 =	simm.s32 $0xA;
	s0 =	sand.u32 $0x1, s0;
	s6 =	smul.u32 $0xA00, s11  }
0x9: {  	[smem:$0x7FF] =	sst s3;
	s10 =	smul.u32 $0x28000, s11;
	p0 =	seq.s32 s11, $0xF  }
0xa: {  	s4 =	sshll.u32 s0, $0x4;
	_ =	strace $0x80000047;
	s7 =	smul.u32 $0x13880, s0  }
0xb: {  	s0 =	ssub.s32 $0x2, s0;
	s4 =	sor.u32 s11, s4;
	s9 =	sadd.s32 s6, s1  }
0xc: {  	s25 =	sshrl.u32 s0, $0x1;
	s11 =	smul.u32 $0x1400, s11;
	s6 =	simm.s32 $0x5  }
0xd: {  	s10 =	sshrl.u32 s10, $0x2;
	s5 =	smul.u32 $0xA00, s4;
	s4 =	sadd.s32 $0x21000, s1  }
0xe: {  	s0 =	ssub.s32 s0, s25;
	s21 =	sadd.s32 s10, s2;
	s25 =	simm.s32 $0x1  }
0xf: {  	s8 =	sadd.s32 s5, s1;
	s1 =	sadd.s32 s7, s1;
	s5 =	simm.s32 $0x5  }
0x10: {  	s5 =	simm.s32 @!p0 $0x8;
	s26 =	sadd.s32 $0x3000, s8;
	s8 =	sadd.s32 $0x17000, s9  }
0x11: {  	s1 =	sadd.s32 s11, s1;
	s9 =	smax.u32 s0, $0x1;
	s0 =	simm.s32 $0x8  }
0x12: {  	v0 =	vimm.f32 $0.0e+00;
	[dreg:$0x3] =	wrdreg s26;
	s11 =	sadd.s32 $0x48200, s1;
	s26 =	simm.s32 $0x2  }
.LBB2_1:
0x13: {  	s10 =	simm.s32 $0x100;
	s1 =	simm.s32 $0x0  }
.LBB2_2:
0x14: {  	p0 =	sne.s32 s10, $0x4F00;
	[tilespmem:s1+$0x13C70] =	vst v0;
	s19 =	smov.u32 s10;
	s10 =	sadd.s32 $0x100, s10  }
.Ltmp0:
0x15: {  	[tilespmem:s1+$0x13C60] =	vst v0;
	(pc) =	sbr.rel @p0 .LBB2_2-.Ltmp0, $3  }
0x16: {  	[tilespmem:s1+$0x13C40] =	vst v0  }
0x17: {  	[tilespmem:s1+$0x13C50] =	vst v0;
	_ =	sdelay $0x1  }
0x18: {  	s1 =	sshra.s32 s19, $0x2  }
0x19: {  	[tilespmem:s1+$0x13C70] =	vst v0  }
0x1a: {  	[tilespmem:s1+$0x13C60] =	vst v0;
	p0 =	sne.s32 s5, $0x1  }
.Ltmp1:
0x1b: {  	[tilespmem:s1+$0x13C40] =	vst v0;
	(pc) =	sbr.rel @!p0 .LBB2_5-.Ltmp1, $4  }
0x1c: {  	[tilespmem:s1+$0x13C50] =	vst v0  }
0x1d: {  	[spmem:s21] =	stream.linear.scatter [tilespmem:s12], [sflag:$0xB], $0x1400, $0x38;
	[tilespmem:$0x1EC80] =	vst v63  }
0x1e: {  	_ =	swait.ge [sflag:s13], $0x1400  }
0x1f: {  	s1 =	sadd.s32 $0xFFFFFFFF, s5;
	s10 =	smov.u32 s21;
	[sflag:s13] =	ssyncset.done $0x0  }
.LBB2_4:
0x20: {  	p1 =	sne.s32 s1, $0x1;
	[sflag:s13] =	ssyncadd.s32 $0xFFFFEC00;
	s10 =	sadd.s32 $0x1400, s10  }
.Ltmp2:
0x21: {  	s1 =	sadd.s32 $0xFFFFFFFF, s1;
	(pc) =	sbr.rel @p1 .LBB2_4-.Ltmp2, $4  }
0x22: {  	_ = 	snop  }
0x23: {  	[spmem:s10] =	stream.linear.scatter [tilespmem:s12], [sflag:$0xB], $0x1400, $0x38;
	[tilespmem:$0x1EC80] =	vst v63  }
0x24: {  	_ =	swait.ge [sflag:s13], $0x1400  }
0x25: {  	[sflag:s13] =	ssyncset.done $0x0  }
.LBB2_5:
0x26: {  	[sflag:s13] =	ssyncadd.s32 $0xFFFFEC00;
	s1 =	simm.s32 $0x0;
	s7 =	rddreg [dreg:$0x3]  }
0x27: {  	[tilespmem:s1], [sflag:$0xB] =	stream.linear.gather [hbm4b:s7+s1], $0x5000, $0x38;
	[tilespmem:$0x1EC80] =	vst v63  }
0x28: {  	_ =	swait.ge [sflag:s13], $0x5000  }
0x29: {  	[sflag:s13] =	ssyncset.done $0x0  }
0x2a: {  	s19 =	simm.s32 $0x5000;
	[sflag:s13] =	ssyncadd.s32 $0xFFFFB000  }
0x2b: {  	[tilespmem:s19], [sflag:$0xB] =	stream.linear.gather [hbm4b:s8+s1], $0x5000, $0x38;
	[tilespmem:$0x1EC80] =	vst v63  }
0x2c: {  	_ =	swait.ge [sflag:s13], $0x5000  }
0x2d: {  	[sflag:s13] =	ssyncset.done $0x0  }
0x2e: {  	[sflag:s13] =	ssyncadd.s32 $0xFFFFB000  }
0x2f: {  	[bflag:$0x0] =	sbarrier.arrive $0xFFFF  }
0x30: {  	[tilespmem:s16], [sflag:$0x1] =	stream.indirect.gather [hbm4b:s4+s15], $0x40, s1, s15, $0xb8;
	[tilespmem:$0x1EC80] =	vst v63  }
0x31: {  	s23 =	simm.s32 $0x80  }
0x32: {  	[tilespmem:s18], [sflag:$0x2] =	stream.indirect.gather [hbm4b:s4+s15], $0x40, s23, s15, $0xb8;
	[tilespmem:$0x1EC80] =	vst v63  }
0x33: {  	s7 =	simm.s32 $0x100  }
0x34: {  	[tilespmem:s20], [sflag:$0x3] =	stream.indirect.gather [hbm4b:s4+s15], $0x40, s7, s15, $0xb8;
	[tilespmem:$0x1EC80] =	vst v63  }
0x35: {  	s10 =	simm.s32 $0x180  }
0x36: {  	[tilespmem:s22], [sflag:$0x4] =	stream.indirect.gather [hbm4b:s4+s15], $0x40, s10, s15, $0xb8;
	[tilespmem:$0x1EC80] =	vst v63  }
0x37: {  	s19 =	simm.s32 $0x200  }
0x38: {  	[tilespmem:s24], [sflag:$0x5] =	stream.indirect.gather [hbm4b:s4+s15], $0x40, s19, s15, $0xb8;
	[tilespmem:$0x1EC80] =	vst v63  }
0x39: {  	_ =	swait.ge [sflag:s25], $0x1F40  }
0x3a: {  	[sflag:s25] =	ssyncset.done $0x0  }
0x3b: {  	s23 =	simm.s32 $0x5000;
	[sflag:s25] =	ssyncadd.s32 $0xFFFFE0C0  }
0x3c: {  	[spmem:s2] =	stream.indirect.scatter.add.f32 [tilespmem:s16], [sflag:$0x6], $0x40, s23, s15, $0xb8;
	[tilespmem:$0x1EC80] =	vst v63  }
0x3d: {  	_ =	swait.ge [sflag:s26], $0x1F40  }
0x3e: {  	[sflag:s26] =	ssyncset.done $0x0  }
0x3f: {  	s7 =	simm.s32 $0x5080;
	[sflag:s26] =	ssyncadd.s32 $0xFFFFE0C0  }
0x40: {  	[spmem:s2] =	stream.indirect.scatter.add.f32 [tilespmem:s18], [sflag:$0x7], $0x40, s7, s15, $0xb8;
	[tilespmem:$0x1EC80] =	vst v63  }
0x41: {  	_ =	swait.ge [sflag:s28], $0x1F40  }
0x42: {  	[sflag:s28] =	ssyncset.done $0x0  }
0x43: {  	s10 =	simm.s32 $0x5100;
	[sflag:s28] =	ssyncadd.s32 $0xFFFFE0C0  }
0x44: {  	[spmem:s2] =	stream.indirect.scatter.add.f32 [tilespmem:s20], [sflag:$0x8], $0x40, s10, s15, $0xb8;
	[tilespmem:$0x1EC80] =	vst v63  }
0x45: {  	_ =	swait.ge [sflag:s29], $0x1F40  }
0x46: {  	[sflag:s29] =	ssyncset.done $0x0  }
0x47: {  	s19 =	simm.s32 $0x5180;
	[sflag:s29] =	ssyncadd.s32 $0xFFFFE0C0  }
0x48: {  	[spmem:s2] =	stream.indirect.scatter.add.f32 [tilespmem:s22], [sflag:$0x9], $0x40, s19, s15, $0xb8;
	[tilespmem:$0x1EC80] =	vst v63  }
0x49: {  	_ =	swait.ge [sflag:s6], $0x1F40  }
0x4a: {  	[sflag:s6] =	ssyncset.done $0x0  }
0x4b: {  	s23 =	simm.s32 $0x5200;
	[sflag:s6] =	ssyncadd.s32 $0xFFFFE0C0  }
0x4c: {  	[spmem:s2] =	stream.indirect.scatter.add.f32 [tilespmem:s24], [sflag:$0xA], $0x40, s23, s15, $0xb8;
	[tilespmem:$0x1EC80] =	vst v63  }
0x4d: {  	_ =	swait.ge [sflag:s30], $0x1F40  }
0x4e: {  	[sflag:s30] =	ssyncset.done $0x0  }
0x4f: {  	s7 =	simm.s32 $0x280;
	[sflag:s30] =	ssyncadd.s32 $0xFFFFE0C0  }
0x50: {  	[tilespmem:s16], [sflag:$0x1] =	stream.indirect.gather [hbm4b:s4+s15], $0x40, s7, s15, $0xb8;
	[tilespmem:$0x1EC80] =	vst v63  }
0x51: {  	_ =	swait.ge [sflag:s31], $0x1F40  }
0x52: {  	[sflag:s31] =	ssyncset.done $0x0  }
0x53: {  	s10 =	simm.s32 $0x300;
	[sflag:s31] =	ssyncadd.s32 $0xFFFFE0C0  }
0x54: {  	[tilespmem:s18], [sflag:$0x2] =	stream.indirect.gather [hbm4b:s4+s15], $0x40, s10, s15, $0xb8;
	[tilespmem:$0x1EC80] =	vst v63  }
0x55: {  	_ =	swait.ge [sflag:s0], $0x1F40  }
0x56: {  	[sflag:s0] =	ssyncset.done $0x0  }
0x57: {  	s19 =	simm.s32 $0x380;
	[sflag:s0] =	ssyncadd.s32 $0xFFFFE0C0  }
0x58: {  	[tilespmem:s20], [sflag:$0x3] =	stream.indirect.gather [hbm4b:s4+s15], $0x40, s19, s15, $0xb8;
	[tilespmem:$0x1EC80] =	vst v63  }
0x59: {  	_ =	swait.ge [sflag:s14], $0x1F40  }
0x5a: {  	[sflag:s14] =	ssyncset.done $0x0  }
0x5b: {  	s23 =	simm.s32 $0x400;
	[sflag:s14] =	ssyncadd.s32 $0xFFFFE0C0  }
0x5c: {  	[tilespmem:s22], [sflag:$0x4] =	stream.indirect.gather [hbm4b:s4+s15], $0x40, s23, s15, $0xb8;
	[tilespmem:$0x1EC80] =	vst v63  }
0x5d: {  	_ =	swait.ge [sflag:s17], $0x1F40  }
0x5e: {  	[sflag:s17] =	ssyncset.done $0x0  }
0x5f: {  	s1 =	simm.s32 $0xA00;
	s10 =	simm.s32 $0x480;
	[sflag:s17] =	ssyncadd.s32 $0xFFFFE0C0  }
.LBB2_6:
0x60: {  	[tilespmem:s24], [sflag:$0x5] =	stream.indirect.gather [hbm4b:s4+s15], $0x40, s10, s15, $0xb8;
	[tilespmem:$0x1EC80] =	vst v63  }
0x61: {  	s10 =	smov.u32 s1  }
0x62: {  	p1 =	sne.s32 s1, $0x12C00;
	s1 =	sadd.s32 $0xA00, s1;
	_ =	swait.ge [sflag:s25], $0x1F40  }
0x63: {  	s23 =	sshra.s32 s10, $0x2;
	[sflag:s25] =	ssyncset.done $0x0  }
0x64: {  	s10 =	sadd.s32 $0x5000, s23;
	[sflag:s25] =	ssyncadd.s32 $0xFFFFE0C0  }
0x65: {  	[spmem:s2] =	stream.indirect.scatter.add.f32 [tilespmem:s16], [sflag:$0x6], $0x40, s10, s15, $0xb8;
	[tilespmem:$0x1EC80] =	vst v63  }
0x66: {  	_ =	swait.ge [sflag:s26], $0x1F40  }
0x67: {  	[sflag:s26] =	ssyncset.done $0x0  }
0x68: {  	s10 =	sadd.s32 $0x5080, s23;
	[sflag:s26] =	ssyncadd.s32 $0xFFFFE0C0  }
0x69: {  	[spmem:s2] =	stream.indirect.scatter.add.f32 [tilespmem:s18], [sflag:$0x7], $0x40, s10, s15, $0xb8;
	[tilespmem:$0x1EC80] =	vst v63  }
0x6a: {  	_ =	swait.ge [sflag:s28], $0x1F40  }
0x6b: {  	[sflag:s28] =	ssyncset.done $0x0  }
0x6c: {  	s10 =	sadd.s32 $0x5100, s23;
	[sflag:s28] =	ssyncadd.s32 $0xFFFFE0C0  }
0x6d: {  	[spmem:s2] =	stream.indirect.scatter.add.f32 [tilespmem:s20], [sflag:$0x8], $0x40, s10, s15, $0xb8;
	[tilespmem:$0x1EC80] =	vst v63  }
0x6e: {  	_ =	swait.ge [sflag:s29], $0x1F40  }
0x6f: {  	[sflag:s29] =	ssyncset.done $0x0  }
0x70: {  	s10 =	sadd.s32 $0x5180, s23;
	[sflag:s29] =	ssyncadd.s32 $0xFFFFE0C0  }
0x71: {  	[spmem:s2] =	stream.indirect.scatter.add.f32 [tilespmem:s22], [sflag:$0x9], $0x40, s10, s15, $0xb8;
	[tilespmem:$0x1EC80] =	vst v63  }
0x72: {  	_ =	swait.ge [sflag:s6], $0x1F40  }
0x73: {  	[sflag:s6] =	ssyncset.done $0x0  }
0x74: {  	s10 =	sadd.s32 $0x5200, s23;
	[sflag:s6] =	ssyncadd.s32 $0xFFFFE0C0  }
0x75: {  	[spmem:s2] =	stream.indirect.scatter.add.f32 [tilespmem:s24], [sflag:$0xA], $0x40, s10, s15, $0xb8;
	[tilespmem:$0x1EC80] =	vst v63  }
0x76: {  	_ =	swait.ge [sflag:s30], $0x1F40  }
0x77: {  	[sflag:s30] =	ssyncset.done $0x0  }
0x78: {  	s10 =	sadd.s32 $0x280, s23;
	[sflag:s30] =	ssyncadd.s32 $0xFFFFE0C0  }
0x79: {  	[tilespmem:s16], [sflag:$0x1] =	stream.indirect.gather [hbm4b:s4+s15], $0x40, s10, s15, $0xb8;
	[tilespmem:$0x1EC80] =	vst v63  }
0x7a: {  	_ =	swait.ge [sflag:s31], $0x1F40  }
0x7b: {  	[sflag:s31] =	ssyncset.done $0x0  }
0x7c: {  	s10 =	sadd.s32 $0x300, s23;
	[sflag:s31] =	ssyncadd.s32 $0xFFFFE0C0  }
0x7d: {  	[tilespmem:s18], [sflag:$0x2] =	stream.indirect.gather [hbm4b:s4+s15], $0x40, s10, s15, $0xb8;
	[tilespmem:$0x1EC80] =	vst v63  }
0x7e: {  	_ =	swait.ge [sflag:s0], $0x1F40  }
0x7f: {  	[sflag:s0] =	ssyncset.done $0x0  }
0x80: {  	s10 =	sadd.s32 $0x380, s23;
	[sflag:s0] =	ssyncadd.s32 $0xFFFFE0C0  }
0x81: {  	[tilespmem:s20], [sflag:$0x3] =	stream.indirect.gather [hbm4b:s4+s15], $0x40, s10, s15, $0xb8;
	[tilespmem:$0x1EC80] =	vst v63  }
0x82: {  	_ =	swait.ge [sflag:s14], $0x1F40  }
0x83: {  	[sflag:s14] =	ssyncset.done $0x0  }
.Ltmp3:
0x84: {  	s10 =	sadd.s32 $0x400, s23;
	[sflag:s14] =	ssyncadd.s32 $0xFFFFE0C0;
	(pc) =	sbr.rel @p1 .LBB2_6-.Ltmp3, $4  }
0x85: {  	[tilespmem:s22], [sflag:$0x4] =	stream.indirect.gather [hbm4b:s4+s15], $0x40, s10, s15, $0xb8;
	[tilespmem:$0x1EC80] =	vst v63  }
0x86: {  	_ =	swait.ge [sflag:s17], $0x1F40  }
0x87: {  	[sflag:s17] =	ssyncset.done $0x0  }
0x88: {  	s10 =	sadd.s32 $0x480, s23;
	[sflag:s17] =	ssyncadd.s32 $0xFFFFE0C0  }
0x89: {  	[tilespmem:s24], [sflag:$0x5] =	stream.indirect.gather [hbm4b:s4+s15], $0x40, s10, s15, $0xb8;
	[tilespmem:$0x1EC80] =	vst v63  }
0x8a: {  	_ =	swait.ge [sflag:s25], $0x1F40  }
0x8b: {  	[sflag:s25] =	ssyncset.done $0x0  }
0x8c: {  	s1 =	simm.s32 $0x9D80;
	[sflag:s25] =	ssyncadd.s32 $0xFFFFE0C0  }
0x8d: {  	[spmem:s2] =	stream.indirect.scatter.add.f32 [tilespmem:s16], [sflag:$0x6], $0x40, s1, s15, $0xb8;
	[tilespmem:$0x1EC80] =	vst v63  }
0x8e: {  	_ =	swait.ge [sflag:s26], $0x1F40  }
0x8f: {  	[sflag:s26] =	ssyncset.done $0x0  }
0x90: {  	s19 =	simm.s32 $0x9E00;
	[sflag:s26] =	ssyncadd.s32 $0xFFFFE0C0  }
0x91: {  	[spmem:s2] =	stream.indirect.scatter.add.f32 [tilespmem:s18], [sflag:$0x7], $0x40, s19, s15, $0xb8;
	[tilespmem:$0x1EC80] =	vst v63  }
0x92: {  	_ =	swait.ge [sflag:s28], $0x1F40  }
0x93: {  	[sflag:s28] =	ssyncset.done $0x0  }
0x94: {  	s23 =	simm.s32 $0x9E80;
	[sflag:s28] =	ssyncadd.s32 $0xFFFFE0C0  }
0x95: {  	[spmem:s2] =	stream.indirect.scatter.add.f32 [tilespmem:s20], [sflag:$0x8], $0x40, s23, s15, $0xb8;
	[tilespmem:$0x1EC80] =	vst v63  }
0x96: {  	_ =	swait.ge [sflag:s29], $0x1F40  }
0x97: {  	[sflag:s29] =	ssyncset.done $0x0  }
0x98: {  	s7 =	simm.s32 $0x9F00;
	[sflag:s29] =	ssyncadd.s32 $0xFFFFE0C0  }
0x99: {  	[spmem:s2] =	stream.indirect.scatter.add.f32 [tilespmem:s22], [sflag:$0x9], $0x40, s7, s15, $0xb8;
	[tilespmem:$0x1EC80] =	vst v63  }
0x9a: {  	_ =	swait.ge [sflag:s6], $0x1F40  }
0x9b: {  	[sflag:s6] =	ssyncset.done $0x0  }
0x9c: {  	s10 =	simm.s32 $0x9F80;
	[sflag:s6] =	ssyncadd.s32 $0xFFFFE0C0  }
0x9d: {  	[spmem:s2] =	stream.indirect.scatter.add.f32 [tilespmem:s24], [sflag:$0xA], $0x40, s10, s15, $0xb8;
	[tilespmem:$0x1EC80] =	vst v63  }
0x9e: {  	_ =	swait.ge [sflag:s30], $0x1F40  }
0x9f: {  	[sflag:s30] =	ssyncset.done $0x0  }
0xa0: {  	[sflag:s30] =	ssyncadd.s32 $0xFFFFE0C0  }
0xa1: {  	_ =	swait.ge [sflag:s31], $0x1F40  }
0xa2: {  	[sflag:s31] =	ssyncset.done $0x0  }
0xa3: {  	[sflag:s31] =	ssyncadd.s32 $0xFFFFE0C0  }
0xa4: {  	_ =	swait.ge [sflag:s0], $0x1F40  }
0xa5: {  	[sflag:s0] =	ssyncset.done $0x0  }
0xa6: {  	[sflag:s0] =	ssyncadd.s32 $0xFFFFE0C0  }
0xa7: {  	_ =	swait.ge [sflag:s14], $0x1F40  }
0xa8: {  	[sflag:s14] =	ssyncset.done $0x0  }
0xa9: {  	[sflag:s14] =	ssyncadd.s32 $0xFFFFE0C0  }
0xaa: {  	_ =	swait.ge [sflag:s17], $0x1F40  }
.Ltmp4:
0xab: {  	s19 =	stileid.u32;
	[sflag:s17] =	ssyncset.done $0x0;
	(pc) =	sbr.rel @!p0 .LBB2_9-.Ltmp4, $4  }
0xac: {  	s1 =	sshll.u32 s19, $0x6;
	s19 =	sadd.s32 $0x280, s11;
	[sflag:s17] =	ssyncadd.s32 $0xFFFFE0C0  }
0xad: {  	s1 =	sor.u32 $0x1C0B, s1;
	s23 =	sshrl.u32 s21, $0x3;
	[bflag:$0x0] =	sbarrier.arrive $0xFFFF  }
0xae: {  	[hbm:s11], [sflag:s1] =	dma.local [spmem:s23], $0x280  }
0xaf: {  	s10 =	smov.u32 s21;
	s23 =	sadd.s32 $0xFFFFFFFF, s5;
	_ =	swait.ge [sflag:s13], $0x280  }
.LBB2_8:
0xb0: {  	[sflag:s13] =	ssyncset.done $0x0;
	s10 =	sadd.s32 $0x1400, s10;
	p0 =	sne.s32 s23, $0x1  }
.Ltmp5:
0xb1: {  	s7 =	sshrl.u32 s10, $0x3;
	[sflag:s13] =	ssyncadd.s32 $0xFFFFFD80;
	(pc) =	sbr.rel @p0 .LBB2_8-.Ltmp5, $3  }
0xb2: {  	[hbm:s19], [sflag:s1] =	dma.local [spmem:s7], $0x280  }
0xb3: {  	s23 =	sadd.s32 $0xFFFFFFFF, s23;
	_ =	sdelay $0x1  }
0xb4: {  	s19 =	sadd.s32 $0x280, s19;
	_ =	swait.ge [sflag:s13], $0x280  }
.LBB2_9:
0xb5: {  	s3 =	sadd.s32 $0x1, s3  }
0xb6: {  	p0 =	sne.s32 s3, s9  }
.Ltmp6:
0xb7: {  	_ = 	snop;
	(pc) =	sbr.rel @p0 .LBB2_1-.Ltmp6, $3  }
0xb8: {  	_ =	sdelay $0x1  }
0xb9: {  	[sflag:s13] =	ssyncset.done $0x0  }
0xba: {  	[sflag:s13] =	ssyncadd.s32 $0xFFFFFD80  }
0xbb: {  	_ =	sfence.sel $0x180000  }
0xbc: {  	[bflag:$0x0] =	sbarrier.arrive $0xFFFF  }
0xbd: {  	_ =	strace $0x90000047  }
0xbe: {  	s0 =	stileid.u32;
	[bflag:$0x2] =	sbarrier.arrive $0xFFFF  }
0xbf: {  	p0 =	sne.s32 s0, $0x0;
	s0 =	rddreg [dreg:$0x2]  }
0xc0: {  	s0 =	sadd.s32 @!p0 $0x100000, s0  }
0xc1: {  	[sflag:s0] =	ssyncadd.tile.s32 @!p0 $0x1;
	_ =	shalt  }
.Lfunc_end2:
_tile_overlayer_lowered:
.L_overlay_start_2:
0xc2: {  	(tag) =	ssettag $0x2  }
0xc3: {  	s0 =	rddreg [dreg:$0x0];
	s2 =	stileid.u32  }
0xc4: {  	s1 =	rddreg [dreg:$0x1];
	p0 =	sne.s32 s2, $0x0  }
0xc5: {  	s3 =	rddreg [dreg:$0x2];
	[bflag:$0x3] =	sbarrier.arrive $0xFFFF;
	s2 =	simm.s32 @!p0 $0x1C0B  }
0xc6: {  	[timem:s3], [sflag:s2] =	dma.local @!p0 [hbm:s0], s1  }
0xc7: {  	s0 =	simm.s32 @!p0 $0xB  }
0xc8: {  	_ =	swait.ge @!p0 [sflag:s0], s1  }
0xc9: {  	s1 =	ssub.s32 @!p0 $0x0, s1;
	[sflag:s0] =	ssyncset.done @!p0 $0x0  }
0xca: {  	[sflag:s0] =	ssyncadd.s32 @!p0 s1  }
0xcb: {  	[bflag:$0x3] =	sbarrier.arrive $0xFFFF  }
0xcc: {  	_ =	shalt  }

</sc_bundles>
